<compile_context>
chip_gen: v7x
topology: tpu7x:2x2x1
jax: 0.10.2.dev20260603
libtpu: 0.0.44.dev20260713+nightly
codegen_flags: <defaults>
</compile_context>

<pallas_src>
import functools

import jax
import jax.numpy as jnp
from jax import lax
from jax.experimental import pallas as pl
from jax.experimental.pallas import tpu as pltpu
from jax.experimental.pallas import tpu_sc as plsc

NC, NS, L = 2, 16, 16
NW = NC * NS
ROWS = 64 * 32
ROW_LEN = 32768
NIDX = 1024
ROWS_PER_W = ROWS // NW
NPAIR = ROWS_PER_W // 2

_mesh = plsc.VectorSubcoreMesh(
    core_axis_name="c", subcore_axis_name="s", num_cores=NC, num_subcores=NS
)


@functools.partial(
    pl.kernel,
    out_type=jax.ShapeDtypeStruct((ROWS, NIDX), jnp.float32),
    mesh=_mesh,
    compiler_params=pltpu.CompilerParams(needs_layout_passes=False),
    scratch_types=[
        pltpu.VMEM((NIDX,), jnp.int32),
        pltpu.VMEM((NIDX,), jnp.int32),
        pltpu.VMEM((NIDX,), jnp.float32),
        pltpu.VMEM((NIDX,), jnp.float32),
        pltpu.SemaphoreType.DMA,
        pltpu.SemaphoreType.DMA,
        pltpu.SemaphoreType.DMA,
        pltpu.SemaphoreType.DMA,
        pltpu.SemaphoreType.DMA,
        pltpu.SemaphoreType.DMA,
    ],
)
def _sc_gather(t_hbm, i_hbm, o_hbm, idx0_v, idx1_v, out0_v, out1_v,
               isem0, isem1, gsem0, gsem1, osem0, osem1):
    wid = lax.axis_index("s") * NC + lax.axis_index("c")
    base = wid * ROWS_PER_W
    idxs_v = (idx0_v, idx1_v)
    outs_v = (out0_v, out1_v)
    isems = (isem0, isem1)
    gsems = (gsem0, gsem1)
    osems = (osem0, osem1)

    def start_idx(row, p):
        pltpu.async_copy(i_hbm.at[row], idxs_v[p], isems[p])

    def wait_idx(row, p):
        pltpu.make_async_copy(i_hbm.at[row], idxs_v[p], isems[p]).wait()

    def issue_gathers(row, p):
        fb = row * ROW_LEN
        for i in range(NIDX // L):
            sl = pl.ds(i * L, L)
            iv = idxs_v[p][sl] + fb
            pltpu.async_copy(t_hbm.at[iv], outs_v[p].at[sl], gsems[p])

    def drain_gathers(p):
        pltpu.make_async_copy(t_hbm.at[pl.ds(0, NIDX)], outs_v[p],
                              gsems[p]).wait()

    def start_out(row, p):
        pltpu.async_copy(outs_v[p], o_hbm.at[row], osems[p])

    def wait_out(p):
        pltpu.make_async_copy(outs_v[p], o_hbm.at[base], osems[p]).wait()

    start_idx(base, 0)
    wait_idx(base, 0)
    start_idx(base + 1, 1)
    issue_gathers(base, 0)

    def pair(g, _):
        r0 = base + 2 * g
        wait_idx(r0 + 1, 1)
        @pl.when(g > 0)
        def _():
            wait_out(1)
        issue_gathers(r0 + 1, 1)
        @pl.when(g < NPAIR - 1)
        def _():
            start_idx(r0 + 2, 0)
        drain_gathers(0)
        start_out(r0, 0)
        @pl.when(g < NPAIR - 1)
        def _():
            wait_idx(r0 + 2, 0)
            wait_out(0)
            issue_gathers(r0 + 2, 0)
            start_idx(r0 + 3, 1)
        drain_gathers(1)
        start_out(r0 + 1, 1)
        return 0

    lax.fori_loop(0, NPAIR, pair, 0)
    wait_out(0)
    wait_out(1)


def kernel(tensor, indices):
    t = tensor.reshape(ROWS * ROW_LEN)
    ix = indices.reshape(ROWS, NIDX)
    out = _sc_gather(t, ix)
    return out.reshape(indices.shape)

# --- scband reference (transcript-rebuilt; emitter-appended) ---
"""Pipeline reference for scband-gather-module-33981781246026 (READ-ONLY COPY).

The authoritative reference and input builder live on the scoring server;
editing this copy changes nothing except your own understanding.
"""

import jax, jax.numpy as jnp
import numpy as np


def setup_inputs(seed: int = 0) -> dict:
    key = jax.random.key(seed)
    k1, k2 = jax.random.split(key)
    tensor = jax.random.normal(k1, (64, 32, 32768), dtype=jnp.float32)
    indices = jax.random.randint(k2, (64, 32, 1024), 0, 32768, dtype=jnp.int32)
    return {"tensor": tensor, "indices": indices}


def reference(tensor, indices):
    # torch.gather(tensor, 2, indices) == jnp.take_along_axis along axis=2
    return jnp.take_along_axis(tensor, indices, axis=2)

if __name__ == "__main__":
    import jax
    _d = setup_inputs()
    print(jax.jit(kernel)(*tuple(_d.values())))

</pallas_src>

<mosaic_0001>
#map = affine_map<(d0, d1) -> (0)>
#map1 = affine_map<(d0, d1) -> (0, 0)>
module attributes {stable_mosaic.version = 14 : i64} {
  func.func @_sc_gather(%arg0: i32, %arg1: i32, %arg2: memref<67108864xf32, #tpu.memory_space<hbm>>, %arg3: memref<2048x1024xi32, #tpu.memory_space<hbm>>, %arg4: memref<2048x1024xf32, #tpu.memory_space<hbm>>, %arg5: memref<1024xi32, #tpu.memory_space<vmem>>, %arg6: memref<1024xi32, #tpu.memory_space<vmem>>, %arg7: memref<1024xf32, #tpu.memory_space<vmem>>, %arg8: memref<1024xf32, #tpu.memory_space<vmem>>, %arg9: memref<!tpu.dma_semaphore, #tpu.memory_space<semaphore_mem>>, %arg10: memref<!tpu.dma_semaphore, #tpu.memory_space<semaphore_mem>>, %arg11: memref<!tpu.dma_semaphore, #tpu.memory_space<semaphore_mem>>, %arg12: memref<!tpu.dma_semaphore, #tpu.memory_space<semaphore_mem>>, %arg13: memref<!tpu.dma_semaphore, #tpu.memory_space<semaphore_mem>>, %arg14: memref<!tpu.dma_semaphore, #tpu.memory_space<semaphore_mem>>) attributes {dimension_semantics = [#tpu.dimension_semantics<core_parallel>, #tpu.dimension_semantics<subcore_parallel>], iteration_bounds = array<i64: 2, 16>, scalar_prefetch = 0 : i64, scratch_operands = 10 : i64, tpu.core_type = #tpu.core_type<sc_vector_subcore>, window_params = [{transform_indices = #map}, {transform_indices = #map1}, {transform_indices = #map1}]} {
    %mul3A = arith.constant 2 : i32
    %mul3A_0 = arith.muli %arg1, %mul3A : i32
    %add3A = arith.addi %mul3A_0, %arg0 : i32
    %mul3A_1 = arith.constant 64 : i32
    %mul3A_2 = arith.muli %add3A, %mul3A_1 : i32
    %dma_start3A = arith.constant 0 : i32
    %dma_start3A_3 = tpu.memref_slice %arg3[%mul3A_2, %dma_start3A] : memref<2048x1024xi32, #tpu.memory_space<hbm>> -> memref<1x1024xi32, #tpu.memory_space<hbm>>
    %dma_start3A_4 = tpu.memref_squeeze %dma_start3A_3 : memref<1x1024xi32, #tpu.memory_space<hbm>> -> memref<1024xi32, #tpu.memory_space<hbm>>
    %dma_start3A_5 = arith.constant 0 : i32
    %dma_start3A_6 = tpu.memref_slice %arg3[%mul3A_2, %dma_start3A_5] : memref<2048x1024xi32, #tpu.memory_space<hbm>> -> memref<1x1024xi32, #tpu.memory_space<hbm>>
    %dma_start3A_7 = tpu.memref_squeeze %dma_start3A_6 : memref<1x1024xi32, #tpu.memory_space<hbm>> -> memref<1024xi32, #tpu.memory_space<hbm>>
    tpu.enqueue_dma source(%dma_start3A_7 : memref<1024xi32, #tpu.memory_space<hbm>>) target(%arg5 : memref<1024xi32, #tpu.memory_space<vmem>>) target_semaphore(%arg9 : memref<!tpu.dma_semaphore, #tpu.memory_space<semaphore_mem>>)
    %dma_wait3A = arith.constant 0 : i32
    %dma_wait3A_8 = tpu.memref_slice %arg3[%mul3A_2, %dma_wait3A] : memref<2048x1024xi32, #tpu.memory_space<hbm>> -> memref<1x1024xi32, #tpu.memory_space<hbm>>
    %dma_wait3A_9 = tpu.memref_squeeze %dma_wait3A_8 : memref<1x1024xi32, #tpu.memory_space<hbm>> -> memref<1024xi32, #tpu.memory_space<hbm>>
    %dma_wait3A_10 = arith.constant 0 : i32
    %dma_wait3A_11 = tpu.memref_slice %arg3[%mul3A_2, %dma_wait3A_10] : memref<2048x1024xi32, #tpu.memory_space<hbm>> -> memref<1x1024xi32, #tpu.memory_space<hbm>>
    %dma_wait3A_12 = tpu.memref_squeeze %dma_wait3A_11 : memref<1x1024xi32, #tpu.memory_space<hbm>> -> memref<1024xi32, #tpu.memory_space<hbm>>
    tpu.wait_dma2 semaphore(%arg9 : memref<!tpu.dma_semaphore, #tpu.memory_space<semaphore_mem>>) src(%dma_wait3A_12 : memref<1024xi32, #tpu.memory_space<hbm>>) dst(%arg5 : memref<1024xi32, #tpu.memory_space<vmem>>)
    %add3A_13 = arith.constant 1 : i32
    %add3A_14 = arith.addi %mul3A_2, %add3A_13 : i32
    %dma_start3A_15 = arith.constant 0 : i32
    %dma_start3A_16 = tpu.memref_slice %arg3[%add3A_14, %dma_start3A_15] : memref<2048x1024xi32, #tpu.memory_space<hbm>> -> memref<1x1024xi32, #tpu.memory_space<hbm>>
    %dma_start3A_17 = tpu.memref_squeeze %dma_start3A_16 : memref<1x1024xi32, #tpu.memory_space<hbm>> -> memref<1024xi32, #tpu.memory_space<hbm>>
    %dma_start3A_18 = arith.constant 0 : i32
    %dma_start3A_19 = tpu.memref_slice %arg3[%add3A_14, %dma_start3A_18] : memref<2048x1024xi32, #tpu.memory_space<hbm>> -> memref<1x1024xi32, #tpu.memory_space<hbm>>
    %dma_start3A_20 = tpu.memref_squeeze %dma_start3A_19 : memref<1x1024xi32, #tpu.memory_space<hbm>> -> memref<1024xi32, #tpu.memory_space<hbm>>
    tpu.enqueue_dma source(%dma_start3A_20 : memref<1024xi32, #tpu.memory_space<hbm>>) target(%arg6 : memref<1024xi32, #tpu.memory_space<vmem>>) target_semaphore(%arg10 : memref<!tpu.dma_semaphore, #tpu.memory_space<semaphore_mem>>)
    %mul3A_21 = arith.constant 32768 : i32
    %mul3A_22 = arith.muli %mul3A_2, %mul3A_21 : i32
    %get3A = arith.constant 0 : index
    %get3A_23 = tpu.vector_load %arg5[%get3A] {strides = array<i32>} : memref<1024xi32, #tpu.memory_space<vmem>>, vector<16xi32>,
    %add3A_24 = vector.broadcast %mul3A_22 : i32 to vector<16xi32>
    %add3A_25 = arith.addi %get3A_23, %add3A_24 : vector<16xi32>
    %dma_start3A_26 = arith.constant 0 : i32
    %dma_start3A_27 = tpu.memref_slice %arg7[%dma_start3A_26] : memref<1024xf32, #tpu.memory_space<vmem>> -> memref<16xf32, #tpu.memory_space<vmem>>
    %dma_start3A_28 = arith.constant 0 : i32
    %dma_start3A_29 = tpu.memref_slice %arg2[%dma_start3A_28] : memref<67108864xf32, #tpu.memory_space<hbm>> -> memref<67108864xf32, #tpu.memory_space<hbm>>
    tpu.enqueue_indirect_dma source(%dma_start3A_29 : memref<67108864xf32, #tpu.memory_space<hbm>>) target(%dma_start3A_27 : memref<16xf32, #tpu.memory_space<vmem>>) offsets(%add3A_25 : vector<16xi32>) semaphore(%arg11 : memref<!tpu.dma_semaphore, #tpu.memory_space<semaphore_mem>>)
    %get3A_30 = arith.constant 16 : index
    %get3A_31 = tpu.vector_load %arg5[%get3A_30] {strides = array<i32>} : memref<1024xi32, #tpu.memory_space<vmem>>, vector<16xi32>,
    %add3A_32 = vector.broadcast %mul3A_22 : i32 to vector<16xi32>
    %add3A_33 = arith.addi %get3A_31, %add3A_32 : vector<16xi32>
    %dma_start3A_34 = arith.constant 16 : i32
    %dma_start3A_35 = tpu.memref_slice %arg7[%dma_start3A_34] : memref<1024xf32, #tpu.memory_space<vmem>> -> memref<16xf32, #tpu.memory_space<vmem>>
    %dma_start3A_36 = arith.constant 0 : i32
    %dma_start3A_37 = tpu.memref_slice %arg2[%dma_start3A_36] : memref<67108864xf32, #tpu.memory_space<hbm>> -> memref<67108864xf32, #tpu.memory_space<hbm>>
    tpu.enqueue_indirect_dma source(%dma_start3A_37 : memref<67108864xf32, #tpu.memory_space<hbm>>) target(%dma_start3A_35 : memref<16xf32, #tpu.memory_space<vmem>>) offsets(%add3A_33 : vector<16xi32>) semaphore(%arg11 : memref<!tpu.dma_semaphore, #tpu.memory_space<semaphore_mem>>)
    %get3A_38 = arith.constant 32 : index
    %get3A_39 = tpu.vector_load %arg5[%get3A_38] {strides = array<i32>} : memref<1024xi32, #tpu.memory_space<vmem>>, vector<16xi32>,
    %add3A_40 = vector.broadcast %mul3A_22 : i32 to vector<16xi32>
    %add3A_41 = arith.addi %get3A_39, %add3A_40 : vector<16xi32>
    %dma_start3A_42 = arith.constant 32 : i32
    %dma_start3A_43 = tpu.memref_slice %arg7[%dma_start3A_42] : memref<1024xf32, #tpu.memory_space<vmem>> -> memref<16xf32, #tpu.memory_space<vmem>>
    %dma_start3A_44 = arith.constant 0 : i32
    %dma_start3A_45 = tpu.memref_slice %arg2[%dma_start3A_44] : memref<67108864xf32, #tpu.memory_space<hbm>> -> memref<67108864xf32, #tpu.memory_space<hbm>>
    tpu.enqueue_indirect_dma source(%dma_start3A_45 : memref<67108864xf32, #tpu.memory_space<hbm>>) target(%dma_start3A_43 : memref<16xf32, #tpu.memory_space<vmem>>) offsets(%add3A_41 : vector<16xi32>) semaphore(%arg11 : memref<!tpu.dma_semaphore, #tpu.memory_space<semaphore_mem>>)
    %get3A_46 = arith.constant 48 : index
    %get3A_47 = tpu.vector_load %arg5[%get3A_46] {strides = array<i32>} : memref<1024xi32, #tpu.memory_space<vmem>>, vector<16xi32>,
    %add3A_48 = vector.broadcast %mul3A_22 : i32 to vector<16xi32>
    %add3A_49 = arith.addi %get3A_47, %add3A_48 : vector<16xi32>
    %dma_start3A_50 = arith.constant 48 : i32
    %dma_start3A_51 = tpu.memref_slice %arg7[%dma_start3A_50] : memref<1024xf32, #tpu.memory_space<vmem>> -> memref<16xf32, #tpu.memory_space<vmem>>
    %dma_start3A_52 = arith.constant 0 : i32
    %dma_start3A_53 = tpu.memref_slice %arg2[%dma_start3A_52] : memref<67108864xf32, #tpu.memory_space<hbm>> -> memref<67108864xf32, #tpu.memory_space<hbm>>
    tpu.enqueue_indirect_dma source(%dma_start3A_53 : memref<67108864xf32, #tpu.memory_space<hbm>>) target(%dma_start3A_51 : memref<16xf32, #tpu.memory_space<vmem>>) offsets(%add3A_49 : vector<16xi32>) semaphore(%arg11 : memref<!tpu.dma_semaphore, #tpu.memory_space<semaphore_mem>>)
    %get3A_54 = arith.constant 64 : index
    %get3A_55 = tpu.vector_load %arg5[%get3A_54] {strides = array<i32>} : memref<1024xi32, #tpu.memory_space<vmem>>, vector<16xi32>,
    %add3A_56 = vector.broadcast %mul3A_22 : i32 to vector<16xi32>
    %add3A_57 = arith.addi %get3A_55, %add3A_56 : vector<16xi32>
    %dma_start3A_58 = arith.constant 64 : i32
    %dma_start3A_59 = tpu.memref_slice %arg7[%dma_start3A_58] : memref<1024xf32, #tpu.memory_space<vmem>> -> memref<16xf32, #tpu.memory_space<vmem>>
    %dma_start3A_60 = arith.constant 0 : i32
    %dma_start3A_61 = tpu.memref_slice %arg2[%dma_start3A_60] : memref<67108864xf32, #tpu.memory_space<hbm>> -> memref<67108864xf32, #tpu.memory_space<hbm>>
    tpu.enqueue_indirect_dma source(%dma_start3A_61 : memref<67108864xf32, #tpu.memory_space<hbm>>) target(%dma_start3A_59 : memref<16xf32, #tpu.memory_space<vmem>>) offsets(%add3A_57 : vector<16xi32>) semaphore(%arg11 : memref<!tpu.dma_semaphore, #tpu.memory_space<semaphore_mem>>)
    %get3A_62 = arith.constant 80 : index
    %get3A_63 = tpu.vector_load %arg5[%get3A_62] {strides = array<i32>} : memref<1024xi32, #tpu.memory_space<vmem>>, vector<16xi32>,
    %add3A_64 = vector.broadcast %mul3A_22 : i32 to vector<16xi32>
    %add3A_65 = arith.addi %get3A_63, %add3A_64 : vector<16xi32>
    %dma_start3A_66 = arith.constant 80 : i32
    %dma_start3A_67 = tpu.memref_slice %arg7[%dma_start3A_66] : memref<1024xf32, #tpu.memory_space<vmem>> -> memref<16xf32, #tpu.memory_space<vmem>>
    %dma_start3A_68 = arith.constant 0 : i32
    %dma_start3A_69 = tpu.memref_slice %arg2[%dma_start3A_68] : memref<67108864xf32, #tpu.memory_space<hbm>> -> memref<67108864xf32, #tpu.memory_space<hbm>>
    tpu.enqueue_indirect_dma source(%dma_start3A_69 : memref<67108864xf32, #tpu.memory_space<hbm>>) target(%dma_start3A_67 : memref<16xf32, #tpu.memory_space<vmem>>) offsets(%add3A_65 : vector<16xi32>) semaphore(%arg11 : memref<!tpu.dma_semaphore, #tpu.memory_space<semaphore_mem>>)
    %get3A_70 = arith.constant 96 : index
    %get3A_71 = tpu.vector_load %arg5[%get3A_70] {strides = array<i32>} : memref<1024xi32, #tpu.memory_space<vmem>>, vector<16xi32>,
    %add3A_72 = vector.broadcast %mul3A_22 : i32 to vector<16xi32>
    %add3A_73 = arith.addi %get3A_71, %add3A_72 : vector<16xi32>
    %dma_start3A_74 = arith.constant 96 : i32
    %dma_start3A_75 = tpu.memref_slice %arg7[%dma_start3A_74] : memref<1024xf32, #tpu.memory_space<vmem>> -> memref<16xf32, #tpu.memory_space<vmem>>
    %dma_start3A_76 = arith.constant 0 : i32
    %dma_start3A_77 = tpu.memref_slice %arg2[%dma_start3A_76] : memref<67108864xf32, #tpu.memory_space<hbm>> -> memref<67108864xf32, #tpu.memory_space<hbm>>
    tpu.enqueue_indirect_dma source(%dma_start3A_77 : memref<67108864xf32, #tpu.memory_space<hbm>>) target(%dma_start3A_75 : memref<16xf32, #tpu.memory_space<vmem>>) offsets(%add3A_73 : vector<16xi32>) semaphore(%arg11 : memref<!tpu.dma_semaphore, #tpu.memory_space<semaphore_mem>>)
    %get3A_78 = arith.constant 112 : index
    %get3A_79 = tpu.vector_load %arg5[%get3A_78] {strides = array<i32>} : memref<1024xi32, #tpu.memory_space<vmem>>, vector<16xi32>,
    %add3A_80 = vector.broadcast %mul3A_22 : i32 to vector<16xi32>
    %add3A_81 = arith.addi %get3A_79, %add3A_80 : vector<16xi32>
    %dma_start3A_82 = arith.constant 112 : i32
    %dma_start3A_83 = tpu.memref_slice %arg7[%dma_start3A_82] : memref<1024xf32, #tpu.memory_space<vmem>> -> memref<16xf32, #tpu.memory_space<vmem>>
    %dma_start3A_84 = arith.constant 0 : i32
    %dma_start3A_85 = tpu.memref_slice %arg2[%dma_start3A_84] : memref<67108864xf32, #tpu.memory_space<hbm>> -> memref<67108864xf32, #tpu.memory_space<hbm>>
    tpu.enqueue_indirect_dma source(%dma_start3A_85 : memref<67108864xf32, #tpu.memory_space<hbm>>) target(%dma_start3A_83 : memref<16xf32, #tpu.memory_space<vmem>>) offsets(%add3A_81 : vector<16xi32>) semaphore(%arg11 : memref<!tpu.dma_semaphore, #tpu.memory_space<semaphore_mem>>)
    %get3A_86 = arith.constant 128 : index
    %get3A_87 = tpu.vector_load %arg5[%get3A_86] {strides = array<i32>} : memref<1024xi32, #tpu.memory_space<vmem>>, vector<16xi32>,
    %add3A_88 = vector.broadcast %mul3A_22 : i32 to vector<16xi32>
    %add3A_89 = arith.addi %get3A_87, %add3A_88 : vector<16xi32>
    %dma_start3A_90 = arith.constant 128 : i32
    %dma_start3A_91 = tpu.memref_slice %arg7[%dma_start3A_90] : memref<1024xf32, #tpu.memory_space<vmem>> -> memref<16xf32, #tpu.memory_space<vmem>>
    %dma_start3A_92 = arith.constant 0 : i32
    %dma_start3A_93 = tpu.memref_slice %arg2[%dma_start3A_92] : memref<67108864xf32, #tpu.memory_space<hbm>> -> memref<67108864xf32, #tpu.memory_space<hbm>>
    tpu.enqueue_indirect_dma source(%dma_start3A_93 : memref<67108864xf32, #tpu.memory_space<hbm>>) target(%dma_start3A_91 : memref<16xf32, #tpu.memory_space<vmem>>) offsets(%add3A_89 : vector<16xi32>) semaphore(%arg11 : memref<!tpu.dma_semaphore, #tpu.memory_space<semaphore_mem>>)
    %get3A_94 = arith.constant 144 : index
    %get3A_95 = tpu.vector_load %arg5[%get3A_94] {strides = array<i32>} : memref<1024xi32, #tpu.memory_space<vmem>>, vector<16xi32>,
    %add3A_96 = vector.broadcast %mul3A_22 : i32 to vector<16xi32>
    %add3A_97 = arith.addi %get3A_95, %add3A_96 : vector<16xi32>
    %dma_start3A_98 = arith.constant 144 : i32
    %dma_start3A_99 = tpu.memref_slice %arg7[%dma_start3A_98] : memref<1024xf32, #tpu.memory_space<vmem>> -> memref<16xf32, #tpu.memory_space<vmem>>
    %dma_start3A_100 = arith.constant 0 : i32
    %dma_start3A_101 = tpu.memref_slice %arg2[%dma_start3A_100] : memref<67108864xf32, #tpu.memory_space<hbm>> -> memref<67108864xf32, #tpu.memory_space<hbm>>
    tpu.enqueue_indirect_dma source(%dma_start3A_101 : memref<67108864xf32, #tpu.memory_space<hbm>>) target(%dma_start3A_99 : memref<16xf32, #tpu.memory_space<vmem>>) offsets(%add3A_97 : vector<16xi32>) semaphore(%arg11 : memref<!tpu.dma_semaphore, #tpu.memory_space<semaphore_mem>>)
    %get3A_102 = arith.constant 160 : index
    %get3A_103 = tpu.vector_load %arg5[%get3A_102] {strides = array<i32>} : memref<1024xi32, #tpu.memory_space<vmem>>, vector<16xi32>,
    %add3A_104 = vector.broadcast %mul3A_22 : i32 to vector<16xi32>
    %add3A_105 = arith.addi %get3A_103, %add3A_104 : vector<16xi32>
    %dma_start3A_106 = arith.constant 160 : i32
    %dma_start3A_107 = tpu.memref_slice %arg7[%dma_start3A_106] : memref<1024xf32, #tpu.memory_space<vmem>> -> memref<16xf32, #tpu.memory_space<vmem>>
    %dma_start3A_108 = arith.constant 0 : i32
    %dma_start3A_109 = tpu.memref_slice %arg2[%dma_start3A_108] : memref<67108864xf32, #tpu.memory_space<hbm>> -> memref<67108864xf32, #tpu.memory_space<hbm>>
    tpu.enqueue_indirect_dma source(%dma_start3A_109 : memref<67108864xf32, #tpu.memory_space<hbm>>) target(%dma_start3A_107 : memref<16xf32, #tpu.memory_space<vmem>>) offsets(%add3A_105 : vector<16xi32>) semaphore(%arg11 : memref<!tpu.dma_semaphore, #tpu.memory_space<semaphore_mem>>)
    %get3A_110 = arith.constant 176 : index
    %get3A_111 = tpu.vector_load %arg5[%get3A_110] {strides = array<i32>} : memref<1024xi32, #tpu.memory_space<vmem>>, vector<16xi32>,
    %add3A_112 = vector.broadcast %mul3A_22 : i32 to vector<16xi32>
    %add3A_113 = arith.addi %get3A_111, %add3A_112 : vector<16xi32>
    %dma_start3A_114 = arith.constant 176 : i32
    %dma_start3A_115 = tpu.memref_slice %arg7[%dma_start3A_114] : memref<1024xf32, #tpu.memory_space<vmem>> -> memref<16xf32, #tpu.memory_space<vmem>>
    %dma_start3A_116 = arith.constant 0 : i32
    %dma_start3A_117 = tpu.memref_slice %arg2[%dma_start3A_116] : memref<67108864xf32, #tpu.memory_space<hbm>> -> memref<67108864xf32, #tpu.memory_space<hbm>>
    tpu.enqueue_indirect_dma source(%dma_start3A_117 : memref<67108864xf32, #tpu.memory_space<hbm>>) target(%dma_start3A_115 : memref<16xf32, #tpu.memory_space<vmem>>) offsets(%add3A_113 : vector<16xi32>) semaphore(%arg11 : memref<!tpu.dma_semaphore, #tpu.memory_space<semaphore_mem>>)
    %get3A_118 = arith.constant 192 : index
    %get3A_119 = tpu.vector_load %arg5[%get3A_118] {strides = array<i32>} : memref<1024xi32, #tpu.memory_space<vmem>>, vector<16xi32>,
    %add3A_120 = vector.broadcast %mul3A_22 : i32 to vector<16xi32>
    %add3A_121 = arith.addi %get3A_119, %add3A_120 : vector<16xi32>
    %dma_start3A_122 = arith.constant 192 : i32
    %dma_start3A_123 = tpu.memref_slice %arg7[%dma_start3A_122] : memref<1024xf32, #tpu.memory_space<vmem>> -> memref<16xf32, #tpu.memory_space<vmem>>
    %dma_start3A_124 = arith.constant 0 : i32
    %dma_start3A_125 = tpu.memref_slice %arg2[%dma_start3A_124] : memref<67108864xf32, #tpu.memory_space<hbm>> -> memref<67108864xf32, #tpu.memory_space<hbm>>
    tpu.enqueue_indirect_dma source(%dma_start3A_125 : memref<67108864xf32, #tpu.memory_space<hbm>>) target(%dma_start3A_123 : memref<16xf32, #tpu.memory_space<vmem>>) offsets(%add3A_121 : vector<16xi32>) semaphore(%arg11 : memref<!tpu.dma_semaphore, #tpu.memory_space<semaphore_mem>>)
    %get3A_126 = arith.constant 208 : index
    %get3A_127 = tpu.vector_load %arg5[%get3A_126] {strides = array<i32>} : memref<1024xi32, #tpu.memory_space<vmem>>, vector<16xi32>,
    %add3A_128 = vector.broadcast %mul3A_22 : i32 to vector<16xi32>
    %add3A_129 = arith.addi %get3A_127, %add3A_128 : vector<16xi32>
    %dma_start3A_130 = arith.constant 208 : i32
    %dma_start3A_131 = tpu.memref_slice %arg7[%dma_start3A_130] : memref<1024xf32, #tpu.memory_space<vmem>> -> memref<16xf32, #tpu.memory_space<vmem>>
    %dma_start3A_132 = arith.constant 0 : i32
    %dma_start3A_133 = tpu.memref_slice %arg2[%dma_start3A_132] : memref<67108864xf32, #tpu.memory_space<hbm>> -> memref<67108864xf32, #tpu.memory_space<hbm>>
    tpu.enqueue_indirect_dma source(%dma_start3A_133 : memref<67108864xf32, #tpu.memory_space<hbm>>) target(%dma_start3A_131 : memref<16xf32, #tpu.memory_space<vmem>>) offsets(%add3A_129 : vector<16xi32>) semaphore(%arg11 : memref<!tpu.dma_semaphore, #tpu.memory_space<semaphore_mem>>)
    %get3A_134 = arith.constant 224 : index
    %get3A_135 = tpu.vector_load %arg5[%get3A_134] {strides = array<i32>} : memref<1024xi32, #tpu.memory_space<vmem>>, vector<16xi32>,
    %add3A_136 = vector.broadcast %mul3A_22 : i32 to vector<16xi32>
    %add3A_137 = arith.addi %get3A_135, %add3A_136 : vector<16xi32>
    %dma_start3A_138 = arith.constant 224 : i32
    %dma_start3A_139 = tpu.memref_slice %arg7[%dma_start3A_138] : memref<1024xf32, #tpu.memory_space<vmem>> -> memref<16xf32, #tpu.memory_space<vmem>>
    %dma_start3A_140 = arith.constant 0 : i32
    %dma_start3A_141 = tpu.memref_slice %arg2[%dma_start3A_140] : memref<67108864xf32, #tpu.memory_space<hbm>> -> memref<67108864xf32, #tpu.memory_space<hbm>>
    tpu.enqueue_indirect_dma source(%dma_start3A_141 : memref<67108864xf32, #tpu.memory_space<hbm>>) target(%dma_start3A_139 : memref<16xf32, #tpu.memory_space<vmem>>) offsets(%add3A_137 : vector<16xi32>) semaphore(%arg11 : memref<!tpu.dma_semaphore, #tpu.memory_space<semaphore_mem>>)
    %get3A_142 = arith.constant 240 : index
    %get3A_143 = tpu.vector_load %arg5[%get3A_142] {strides = array<i32>} : memref<1024xi32, #tpu.memory_space<vmem>>, vector<16xi32>,
    %add3A_144 = vector.broadcast %mul3A_22 : i32 to vector<16xi32>
    %add3A_145 = arith.addi %get3A_143, %add3A_144 : vector<16xi32>
    %dma_start3A_146 = arith.constant 240 : i32
    %dma_start3A_147 = tpu.memref_slice %arg7[%dma_start3A_146] : memref<1024xf32, #tpu.memory_space<vmem>> -> memref<16xf32, #tpu.memory_space<vmem>>
    %dma_start3A_148 = arith.constant 0 : i32
    %dma_start3A_149 = tpu.memref_slice %arg2[%dma_start3A_148] : memref<67108864xf32, #tpu.memory_space<hbm>> -> memref<67108864xf32, #tpu.memory_space<hbm>>
    tpu.enqueue_indirect_dma source(%dma_start3A_149 : memref<67108864xf32, #tpu.memory_space<hbm>>) target(%dma_start3A_147 : memref<16xf32, #tpu.memory_space<vmem>>) offsets(%add3A_145 : vector<16xi32>) semaphore(%arg11 : memref<!tpu.dma_semaphore, #tpu.memory_space<semaphore_mem>>)
    %get3A_150 = arith.constant 256 : index
    %get3A_151 = tpu.vector_load %arg5[%get3A_150] {strides = array<i32>} : memref<1024xi32, #tpu.memory_space<vmem>>, vector<16xi32>,
    %add3A_152 = vector.broadcast %mul3A_22 : i32 to vector<16xi32>
    %add3A_153 = arith.addi %get3A_151, %add3A_152 : vector<16xi32>
    %dma_start3A_154 = arith.constant 256 : i32
    %dma_start3A_155 = tpu.memref_slice %arg7[%dma_start3A_154] : memref<1024xf32, #tpu.memory_space<vmem>> -> memref<16xf32, #tpu.memory_space<vmem>>
    %dma_start3A_156 = arith.constant 0 : i32
    %dma_start3A_157 = tpu.memref_slice %arg2[%dma_start3A_156] : memref<67108864xf32, #tpu.memory_space<hbm>> -> memref<67108864xf32, #tpu.memory_space<hbm>>
    tpu.enqueue_indirect_dma source(%dma_start3A_157 : memref<67108864xf32, #tpu.memory_space<hbm>>) target(%dma_start3A_155 : memref<16xf32, #tpu.memory_space<vmem>>) offsets(%add3A_153 : vector<16xi32>) semaphore(%arg11 : memref<!tpu.dma_semaphore, #tpu.memory_space<semaphore_mem>>)
    %get3A_158 = arith.constant 272 : index
    %get3A_159 = tpu.vector_load %arg5[%get3A_158] {strides = array<i32>} : memref<1024xi32, #tpu.memory_space<vmem>>, vector<16xi32>,
    %add3A_160 = vector.broadcast %mul3A_22 : i32 to vector<16xi32>
    %add3A_161 = arith.addi %get3A_159, %add3A_160 : vector<16xi32>
    %dma_start3A_162 = arith.constant 272 : i32
    %dma_start3A_163 = tpu.memref_slice %arg7[%dma_start3A_162] : memref<1024xf32, #tpu.memory_space<vmem>> -> memref<16xf32, #tpu.memory_space<vmem>>
    %dma_start3A_164 = arith.constant 0 : i32
    %dma_start3A_165 = tpu.memref_slice %arg2[%dma_start3A_164] : memref<67108864xf32, #tpu.memory_space<hbm>> -> memref<67108864xf32, #tpu.memory_space<hbm>>
    tpu.enqueue_indirect_dma source(%dma_start3A_165 : memref<67108864xf32, #tpu.memory_space<hbm>>) target(%dma_start3A_163 : memref<16xf32, #tpu.memory_space<vmem>>) offsets(%add3A_161 : vector<16xi32>) semaphore(%arg11 : memref<!tpu.dma_semaphore, #tpu.memory_space<semaphore_mem>>)
    %get3A_166 = arith.constant 288 : index
    %get3A_167 = tpu.vector_load %arg5[%get3A_166] {strides = array<i32>} : memref<1024xi32, #tpu.memory_space<vmem>>, vector<16xi32>,
    %add3A_168 = vector.broadcast %mul3A_22 : i32 to vector<16xi32>
    %add3A_169 = arith.addi %get3A_167, %add3A_168 : vector<16xi32>
    %dma_start3A_170 = arith.constant 288 : i32
    %dma_start3A_171 = tpu.memref_slice %arg7[%dma_start3A_170] : memref<1024xf32, #tpu.memory_space<vmem>> -> memref<16xf32, #tpu.memory_space<vmem>>
    %dma_start3A_172 = arith.constant 0 : i32
    %dma_start3A_173 = tpu.memref_slice %arg2[%dma_start3A_172] : memref<67108864xf32, #tpu.memory_space<hbm>> -> memref<67108864xf32, #tpu.memory_space<hbm>>
    tpu.enqueue_indirect_dma source(%dma_start3A_173 : memref<67108864xf32, #tpu.memory_space<hbm>>) target(%dma_start3A_171 : memref<16xf32, #tpu.memory_space<vmem>>) offsets(%add3A_169 : vector<16xi32>) semaphore(%arg11 : memref<!tpu.dma_semaphore, #tpu.memory_space<semaphore_mem>>)
    %get3A_174 = arith.constant 304 : index
    %get3A_175 = tpu.vector_load %arg5[%get3A_174] {strides = array<i32>} : memref<1024xi32, #tpu.memory_space<vmem>>, vector<16xi32>,
    %add3A_176 = vector.broadcast %mul3A_22 : i32 to vector<16xi32>
    %add3A_177 = arith.addi %get3A_175, %add3A_176 : vector<16xi32>
    %dma_start3A_178 = arith.constant 304 : i32
    %dma_start3A_179 = tpu.memref_slice %arg7[%dma_start3A_178] : memref<1024xf32, #tpu.memory_space<vmem>> -> memref<16xf32, #tpu.memory_space<vmem>>
    %dma_start3A_180 = arith.constant 0 : i32
    %dma_start3A_181 = tpu.memref_slice %arg2[%dma_start3A_180] : memref<67108864xf32, #tpu.memory_space<hbm>> -> memref<67108864xf32, #tpu.memory_space<hbm>>
    tpu.enqueue_indirect_dma source(%dma_start3A_181 : memref<67108864xf32, #tpu.memory_space<hbm>>) target(%dma_start3A_179 : memref<16xf32, #tpu.memory_space<vmem>>) offsets(%add3A_177 : vector<16xi32>) semaphore(%arg11 : memref<!tpu.dma_semaphore, #tpu.memory_space<semaphore_mem>>)
    %get3A_182 = arith.constant 320 : index
    %get3A_183 = tpu.vector_load %arg5[%get3A_182] {strides = array<i32>} : memref<1024xi32, #tpu.memory_space<vmem>>, vector<16xi32>,
    %add3A_184 = vector.broadcast %mul3A_22 : i32 to vector<16xi32>
    %add3A_185 = arith.addi %get3A_183, %add3A_184 : vector<16xi32>
    %dma_start3A_186 = arith.constant 320 : i32
    %dma_start3A_187 = tpu.memref_slice %arg7[%dma_start3A_186] : memref<1024xf32, #tpu.memory_space<vmem>> -> memref<16xf32, #tpu.memory_space<vmem>>
    %dma_start3A_188 = arith.constant 0 : i32
    %dma_start3A_189 = tpu.memref_slice %arg2[%dma_start3A_188] : memref<67108864xf32, #tpu.memory_space<hbm>> -> memref<67108864xf32, #tpu.memory_space<hbm>>
    tpu.enqueue_indirect_dma source(%dma_start3A_189 : memref<67108864xf32, #tpu.memory_space<hbm>>) target(%dma_start3A_187 : memref<16xf32, #tpu.memory_space<vmem>>) offsets(%add3A_185 : vector<16xi32>) semaphore(%arg11 : memref<!tpu.dma_semaphore, #tpu.memory_space<semaphore_mem>>)
    %get3A_190 = arith.constant 336 : index
    %get3A_191 = tpu.vector_load %arg5[%get3A_190] {strides = array<i32>} : memref<1024xi32, #tpu.memory_space<vmem>>, vector<16xi32>,
    %add3A_192 = vector.broadcast %mul3A_22 : i32 to vector<16xi32>
    %add3A_193 = arith.addi %get3A_191, %add3A_192 : vector<16xi32>
    %dma_start3A_194 = arith.constant 336 : i32
    %dma_start3A_195 = tpu.memref_slice %arg7[%dma_start3A_194] : memref<1024xf32, #tpu.memory_space<vmem>> -> memref<16xf32, #tpu.memory_space<vmem>>
    %dma_start3A_196 = arith.constant 0 : i32
    %dma_start3A_197 = tpu.memref_slice %arg2[%dma_start3A_196] : memref<67108864xf32, #tpu.memory_space<hbm>> -> memref<67108864xf32, #tpu.memory_space<hbm>>
    tpu.enqueue_indirect_dma source(%dma_start3A_197 : memref<67108864xf32, #tpu.memory_space<hbm>>) target(%dma_start3A_195 : memref<16xf32, #tpu.memory_space<vmem>>) offsets(%add3A_193 : vector<16xi32>) semaphore(%arg11 : memref<!tpu.dma_semaphore, #tpu.memory_space<semaphore_mem>>)
    %get3A_198 = arith.constant 352 : index
    %get3A_199 = tpu.vector_load %arg5[%get3A_198] {strides = array<i32>} : memref<1024xi32, #tpu.memory_space<vmem>>, vector<16xi32>,
    %add3A_200 = vector.broadcast %mul3A_22 : i32 to vector<16xi32>
    %add3A_201 = arith.addi %get3A_199, %add3A_200 : vector<16xi32>
    %dma_start3A_202 = arith.constant 352 : i32
    %dma_start3A_203 = tpu.memref_slice %arg7[%dma_start3A_202] : memref<1024xf32, #tpu.memory_space<vmem>> -> memref<16xf32, #tpu.memory_space<vmem>>
    %dma_start3A_204 = arith.constant 0 : i32
    %dma_start3A_205 = tpu.memref_slice %arg2[%dma_start3A_204] : memref<67108864xf32, #tpu.memory_space<hbm>> -> memref<67108864xf32, #tpu.memory_space<hbm>>
    tpu.enqueue_indirect_dma source(%dma_start3A_205 : memref<67108864xf32, #tpu.memory_space<hbm>>) target(%dma_start3A_203 : memref<16xf32, #tpu.memory_space<vmem>>) offsets(%add3A_201 : vector<16xi32>) semaphore(%arg11 : memref<!tpu.dma_semaphore, #tpu.memory_space<semaphore_mem>>)
    %get3A_206 = arith.constant 368 : index
    %get3A_207 = tpu.vector_load %arg5[%get3A_206] {strides = array<i32>} : memref<1024xi32, #tpu.memory_space<vmem>>, vector<16xi32>,
    %add3A_208 = vector.broadcast %mul3A_22 : i32 to vector<16xi32>
    %add3A_209 = arith.addi %get3A_207, %add3A_208 : vector<16xi32>
    %dma_start3A_210 = arith.constant 368 : i32
    %dma_start3A_211 = tpu.memref_slice %arg7[%dma_start3A_210] : memref<1024xf32, #tpu.memory_space<vmem>> -> memref<16xf32, #tpu.memory_space<vmem>>
    %dma_start3A_212 = arith.constant 0 : i32
    %dma_start3A_213 = tpu.memref_slice %arg2[%dma_start3A_212] : memref<67108864xf32, #tpu.memory_space<hbm>> -> memref<67108864xf32, #tpu.memory_space<hbm>>
    tpu.enqueue_indirect_dma source(%dma_start3A_213 : memref<67108864xf32, #tpu.memory_space<hbm>>) target(%dma_start3A_211 : memref<16xf32, #tpu.memory_space<vmem>>) offsets(%add3A_209 : vector<16xi32>) semaphore(%arg11 : memref<!tpu.dma_semaphore, #tpu.memory_space<semaphore_mem>>)
    %get3A_214 = arith.constant 384 : index
    %get3A_215 = tpu.vector_load %arg5[%get3A_214] {strides = array<i32>} : memref<1024xi32, #tpu.memory_space<vmem>>, vector<16xi32>,
    %add3A_216 = vector.broadcast %mul3A_22 : i32 to vector<16xi32>
    %add3A_217 = arith.addi %get3A_215, %add3A_216 : vector<16xi32>
    %dma_start3A_218 = arith.constant 384 : i32
    %dma_start3A_219 = tpu.memref_slice %arg7[%dma_start3A_218] : memref<1024xf32, #tpu.memory_space<vmem>> -> memref<16xf32, #tpu.memory_space<vmem>>
    %dma_start3A_220 = arith.constant 0 : i32
    %dma_start3A_221 = tpu.memref_slice %arg2[%dma_start3A_220] : memref<67108864xf32, #tpu.memory_space<hbm>> -> memref<67108864xf32, #tpu.memory_space<hbm>>
    tpu.enqueue_indirect_dma source(%dma_start3A_221 : memref<67108864xf32, #tpu.memory_space<hbm>>) target(%dma_start3A_219 : memref<16xf32, #tpu.memory_space<vmem>>) offsets(%add3A_217 : vector<16xi32>) semaphore(%arg11 : memref<!tpu.dma_semaphore, #tpu.memory_space<semaphore_mem>>)
    %get3A_222 = arith.constant 400 : index
    %get3A_223 = tpu.vector_load %arg5[%get3A_222] {strides = array<i32>} : memref<1024xi32, #tpu.memory_space<vmem>>, vector<16xi32>,
    %add3A_224 = vector.broadcast %mul3A_22 : i32 to vector<16xi32>
    %add3A_225 = arith.addi %get3A_223, %add3A_224 : vector<16xi32>
    %dma_start3A_226 = arith.constant 400 : i32
    %dma_start3A_227 = tpu.memref_slice %arg7[%dma_start3A_226] : memref<1024xf32, #tpu.memory_space<vmem>> -> memref<16xf32, #tpu.memory_space<vmem>>
    %dma_start3A_228 = arith.constant 0 : i32
    %dma_start3A_229 = tpu.memref_slice %arg2[%dma_start3A_228] : memref<67108864xf32, #tpu.memory_space<hbm>> -> memref<67108864xf32, #tpu.memory_space<hbm>>
    tpu.enqueue_indirect_dma source(%dma_start3A_229 : memref<67108864xf32, #tpu.memory_space<hbm>>) target(%dma_start3A_227 : memref<16xf32, #tpu.memory_space<vmem>>) offsets(%add3A_225 : vector<16xi32>) semaphore(%arg11 : memref<!tpu.dma_semaphore, #tpu.memory_space<semaphore_mem>>)
    %get3A_230 = arith.constant 416 : index
    %get3A_231 = tpu.vector_load %arg5[%get3A_230] {strides = array<i32>} : memref<1024xi32, #tpu.memory_space<vmem>>, vector<16xi32>,
    %add3A_232 = vector.broadcast %mul3A_22 : i32 to vector<16xi32>
    %add3A_233 = arith.addi %get3A_231, %add3A_232 : vector<16xi32>
    %dma_start3A_234 = arith.constant 416 : i32
    %dma_start3A_235 = tpu.memref_slice %arg7[%dma_start3A_234] : memref<1024xf32, #tpu.memory_space<vmem>> -> memref<16xf32, #tpu.memory_space<vmem>>
    %dma_start3A_236 = arith.constant 0 : i32
    %dma_start3A_237 = tpu.memref_slice %arg2[%dma_start3A_236] : memref<67108864xf32, #tpu.memory_space<hbm>> -> memref<67108864xf32, #tpu.memory_space<hbm>>
    tpu.enqueue_indirect_dma source(%dma_start3A_237 : memref<67108864xf32, #tpu.memory_space<hbm>>) target(%dma_start3A_235 : memref<16xf32, #tpu.memory_space<vmem>>) offsets(%add3A_233 : vector<16xi32>) semaphore(%arg11 : memref<!tpu.dma_semaphore, #tpu.memory_space<semaphore_mem>>)
    %get3A_238 = arith.constant 432 : index
    %get3A_239 = tpu.vector_load %arg5[%get3A_238] {strides = array<i32>} : memref<1024xi32, #tpu.memory_space<vmem>>, vector<16xi32>,
    %add3A_240 = vector.broadcast %mul3A_22 : i32 to vector<16xi32>
    %add3A_241 = arith.addi %get3A_239, %add3A_240 : vector<16xi32>
    %dma_start3A_242 = arith.constant 432 : i32
    %dma_start3A_243 = tpu.memref_slice %arg7[%dma_start3A_242] : memref<1024xf32, #tpu.memory_space<vmem>> -> memref<16xf32, #tpu.memory_space<vmem>>
    %dma_start3A_244 = arith.constant 0 : i32
    %dma_start3A_245 = tpu.memref_slice %arg2[%dma_start3A_244] : memref<67108864xf32, #tpu.memory_space<hbm>> -> memref<67108864xf32, #tpu.memory_space<hbm>>
    tpu.enqueue_indirect_dma source(%dma_start3A_245 : memref<67108864xf32, #tpu.memory_space<hbm>>) target(%dma_start3A_243 : memref<16xf32, #tpu.memory_space<vmem>>) offsets(%add3A_241 : vector<16xi32>) semaphore(%arg11 : memref<!tpu.dma_semaphore, #tpu.memory_space<semaphore_mem>>)
    %get3A_246 = arith.constant 448 : index
    %get3A_247 = tpu.vector_load %arg5[%get3A_246] {strides = array<i32>} : memref<1024xi32, #tpu.memory_space<vmem>>, vector<16xi32>,
    %add3A_248 = vector.broadcast %mul3A_22 : i32 to vector<16xi32>
    %add3A_249 = arith.addi %get3A_247, %add3A_248 : vector<16xi32>
    %dma_start3A_250 = arith.constant 448 : i32
    %dma_start3A_251 = tpu.memref_slice %arg7[%dma_start3A_250] : memref<1024xf32, #tpu.memory_space<vmem>> -> memref<16xf32, #tpu.memory_space<vmem>>
    %dma_start3A_252 = arith.constant 0 : i32
    %dma_start3A_253 = tpu.memref_slice %arg2[%dma_start3A_252] : memref<67108864xf32, #tpu.memory_space<hbm>> -> memref<67108864xf32, #tpu.memory_space<hbm>>
    tpu.enqueue_indirect_dma source(%dma_start3A_253 : memref<67108864xf32, #tpu.memory_space<hbm>>) target(%dma_start3A_251 : memref<16xf32, #tpu.memory_space<vmem>>) offsets(%add3A_249 : vector<16xi32>) semaphore(%arg11 : memref<!tpu.dma_semaphore, #tpu.memory_space<semaphore_mem>>)
    %get3A_254 = arith.constant 464 : index
    %get3A_255 = tpu.vector_load %arg5[%get3A_254] {strides = array<i32>} : memref<1024xi32, #tpu.memory_space<vmem>>, vector<16xi32>,
    %add3A_256 = vector.broadcast %mul3A_22 : i32 to vector<16xi32>
    %add3A_257 = arith.addi %get3A_255, %add3A_256 : vector<16xi32>
    %dma_start3A_258 = arith.constant 464 : i32
    %dma_start3A_259 = tpu.memref_slice %arg7[%dma_start3A_258] : memref<1024xf32, #tpu.memory_space<vmem>> -> memref<16xf32, #tpu.memory_space<vmem>>
    %dma_start3A_260 = arith.constant 0 : i32
    %dma_start3A_261 = tpu.memref_slice %arg2[%dma_start3A_260] : memref<67108864xf32, #tpu.memory_space<hbm>> -> memref<67108864xf32, #tpu.memory_space<hbm>>
    tpu.enqueue_indirect_dma source(%dma_start3A_261 : memref<67108864xf32, #tpu.memory_space<hbm>>) target(%dma_start3A_259 : memref<16xf32, #tpu.memory_space<vmem>>) offsets(%add3A_257 : vector<16xi32>) semaphore(%arg11 : memref<!tpu.dma_semaphore, #tpu.memory_space<semaphore_mem>>)
    %get3A_262 = arith.constant 480 : index
    %get3A_263 = tpu.vector_load %arg5[%get3A_262] {strides = array<i32>} : memref<1024xi32, #tpu.memory_space<vmem>>, vector<16xi32>,
    %add3A_264 = vector.broadcast %mul3A_22 : i32 to vector<16xi32>
    %add3A_265 = arith.addi %get3A_263, %add3A_264 : vector<16xi32>
    %dma_start3A_266 = arith.constant 480 : i32
    %dma_start3A_267 = tpu.memref_slice %arg7[%dma_start3A_266] : memref<1024xf32, #tpu.memory_space<vmem>> -> memref<16xf32, #tpu.memory_space<vmem>>
    %dma_start3A_268 = arith.constant 0 : i32
    %dma_start3A_269 = tpu.memref_slice %arg2[%dma_start3A_268] : memref<67108864xf32, #tpu.memory_space<hbm>> -> memref<67108864xf32, #tpu.memory_space<hbm>>
    tpu.enqueue_indirect_dma source(%dma_start3A_269 : memref<67108864xf32, #tpu.memory_space<hbm>>) target(%dma_start3A_267 : memref<16xf32, #tpu.memory_space<vmem>>) offsets(%add3A_265 : vector<16xi32>) semaphore(%arg11 : memref<!tpu.dma_semaphore, #tpu.memory_space<semaphore_mem>>)
    %get3A_270 = arith.constant 496 : index
    %get3A_271 = tpu.vector_load %arg5[%get3A_270] {strides = array<i32>} : memref<1024xi32, #tpu.memory_space<vmem>>, vector<16xi32>,
    %add3A_272 = vector.broadcast %mul3A_22 : i32 to vector<16xi32>
    %add3A_273 = arith.addi %get3A_271, %add3A_272 : vector<16xi32>
    %dma_start3A_274 = arith.constant 496 : i32
    %dma_start3A_275 = tpu.memref_slice %arg7[%dma_start3A_274] : memref<1024xf32, #tpu.memory_space<vmem>> -> memref<16xf32, #tpu.memory_space<vmem>>
    %dma_start3A_276 = arith.constant 0 : i32
    %dma_start3A_277 = tpu.memref_slice %arg2[%dma_start3A_276] : memref<67108864xf32, #tpu.memory_space<hbm>> -> memref<67108864xf32, #tpu.memory_space<hbm>>
    tpu.enqueue_indirect_dma source(%dma_start3A_277 : memref<67108864xf32, #tpu.memory_space<hbm>>) target(%dma_start3A_275 : memref<16xf32, #tpu.memory_space<vmem>>) offsets(%add3A_273 : vector<16xi32>) semaphore(%arg11 : memref<!tpu.dma_semaphore, #tpu.memory_space<semaphore_mem>>)
    %get3A_278 = arith.constant 512 : index
    %get3A_279 = tpu.vector_load %arg5[%get3A_278] {strides = array<i32>} : memref<1024xi32, #tpu.memory_space<vmem>>, vector<16xi32>,
    %add3A_280 = vector.broadcast %mul3A_22 : i32 to vector<16xi32>
    %add3A_281 = arith.addi %get3A_279, %add3A_280 : vector<16xi32>
    %dma_start3A_282 = arith.constant 512 : i32
    %dma_start3A_283 = tpu.memref_slice %arg7[%dma_start3A_282] : memref<1024xf32, #tpu.memory_space<vmem>> -> memref<16xf32, #tpu.memory_space<vmem>>
    %dma_start3A_284 = arith.constant 0 : i32
    %dma_start3A_285 = tpu.memref_slice %arg2[%dma_start3A_284] : memref<67108864xf32, #tpu.memory_space<hbm>> -> memref<67108864xf32, #tpu.memory_space<hbm>>
    tpu.enqueue_indirect_dma source(%dma_start3A_285 : memref<67108864xf32, #tpu.memory_space<hbm>>) target(%dma_start3A_283 : memref<16xf32, #tpu.memory_space<vmem>>) offsets(%add3A_281 : vector<16xi32>) semaphore(%arg11 : memref<!tpu.dma_semaphore, #tpu.memory_space<semaphore_mem>>)
    %get3A_286 = arith.constant 528 : index
    %get3A_287 = tpu.vector_load %arg5[%get3A_286] {strides = array<i32>} : memref<1024xi32, #tpu.memory_space<vmem>>, vector<16xi32>,
    %add3A_288 = vector.broadcast %mul3A_22 : i32 to vector<16xi32>
    %add3A_289 = arith.addi %get3A_287, %add3A_288 : vector<16xi32>
    %dma_start3A_290 = arith.constant 528 : i32
    %dma_start3A_291 = tpu.memref_slice %arg7[%dma_start3A_290] : memref<1024xf32, #tpu.memory_space<vmem>> -> memref<16xf32, #tpu.memory_space<vmem>>
    %dma_start3A_292 = arith.constant 0 : i32
    %dma_start3A_293 = tpu.memref_slice %arg2[%dma_start3A_292] : memref<67108864xf32, #tpu.memory_space<hbm>> -> memref<67108864xf32, #tpu.memory_space<hbm>>
    tpu.enqueue_indirect_dma source(%dma_start3A_293 : memref<67108864xf32, #tpu.memory_space<hbm>>) target(%dma_start3A_291 : memref<16xf32, #tpu.memory_space<vmem>>) offsets(%add3A_289 : vector<16xi32>) semaphore(%arg11 : memref<!tpu.dma_semaphore, #tpu.memory_space<semaphore_mem>>)
    %get3A_294 = arith.constant 544 : index
    %get3A_295 = tpu.vector_load %arg5[%get3A_294] {strides = array<i32>} : memref<1024xi32, #tpu.memory_space<vmem>>, vector<16xi32>,
    %add3A_296 = vector.broadcast %mul3A_22 : i32 to vector<16xi32>
    %add3A_297 = arith.addi %get3A_295, %add3A_296 : vector<16xi32>
    %dma_start3A_298 = arith.constant 544 : i32
    %dma_start3A_299 = tpu.memref_slice %arg7[%dma_start3A_298] : memref<1024xf32, #tpu.memory_space<vmem>> -> memref<16xf32, #tpu.memory_space<vmem>>
    %dma_start3A_300 = arith.constant 0 : i32
    %dma_start3A_301 = tpu.memref_slice %arg2[%dma_start3A_300] : memref<67108864xf32, #tpu.memory_space<hbm>> -> memref<67108864xf32, #tpu.memory_space<hbm>>
    tpu.enqueue_indirect_dma source(%dma_start3A_301 : memref<67108864xf32, #tpu.memory_space<hbm>>) target(%dma_start3A_299 : memref<16xf32, #tpu.memory_space<vmem>>) offsets(%add3A_297 : vector<16xi32>) semaphore(%arg11 : memref<!tpu.dma_semaphore, #tpu.memory_space<semaphore_mem>>)
    %get3A_302 = arith.constant 560 : index
    %get3A_303 = tpu.vector_load %arg5[%get3A_302] {strides = array<i32>} : memref<1024xi32, #tpu.memory_space<vmem>>, vector<16xi32>,
    %add3A_304 = vector.broadcast %mul3A_22 : i32 to vector<16xi32>
    %add3A_305 = arith.addi %get3A_303, %add3A_304 : vector<16xi32>
    %dma_start3A_306 = arith.constant 560 : i32
    %dma_start3A_307 = tpu.memref_slice %arg7[%dma_start3A_306] : memref<1024xf32, #tpu.memory_space<vmem>> -> memref<16xf32, #tpu.memory_space<vmem>>
    %dma_start3A_308 = arith.constant 0 : i32
    %dma_start3A_309 = tpu.memref_slice %arg2[%dma_start3A_308] : memref<67108864xf32, #tpu.memory_space<hbm>> -> memref<67108864xf32, #tpu.memory_space<hbm>>
    tpu.enqueue_indirect_dma source(%dma_start3A_309 : memref<67108864xf32, #tpu.memory_space<hbm>>) target(%dma_start3A_307 : memref<16xf32, #tpu.memory_space<vmem>>) offsets(%add3A_305 : vector<16xi32>) semaphore(%arg11 : memref<!tpu.dma_semaphore, #tpu.memory_space<semaphore_mem>>)
    %get3A_310 = arith.constant 576 : index
    %get3A_311 = tpu.vector_load %arg5[%get3A_310] {strides = array<i32>} : memref<1024xi32, #tpu.memory_space<vmem>>, vector<16xi32>,
    %add3A_312 = vector.broadcast %mul3A_22 : i32 to vector<16xi32>
    %add3A_313 = arith.addi %get3A_311, %add3A_312 : vector<16xi32>
    %dma_start3A_314 = arith.constant 576 : i32
    %dma_start3A_315 = tpu.memref_slice %arg7[%dma_start3A_314] : memref<1024xf32, #tpu.memory_space<vmem>> -> memref<16xf32, #tpu.memory_space<vmem>>
    %dma_start3A_316 = arith.constant 0 : i32
    %dma_start3A_317 = tpu.memref_slice %arg2[%dma_start3A_316] : memref<67108864xf32, #tpu.memory_space<hbm>> -> memref<67108864xf32, #tpu.memory_space<hbm>>
    tpu.enqueue_indirect_dma source(%dma_start3A_317 : memref<67108864xf32, #tpu.memory_space<hbm>>) target(%dma_start3A_315 : memref<16xf32, #tpu.memory_space<vmem>>) offsets(%add3A_313 : vector<16xi32>) semaphore(%arg11 : memref<!tpu.dma_semaphore, #tpu.memory_space<semaphore_mem>>)
    %get3A_318 = arith.constant 592 : index
    %get3A_319 = tpu.vector_load %arg5[%get3A_318] {strides = array<i32>} : memref<1024xi32, #tpu.memory_space<vmem>>, vector<16xi32>,
    %add3A_320 = vector.broadcast %mul3A_22 : i32 to vector<16xi32>
    %add3A_321 = arith.addi %get3A_319, %add3A_320 : vector<16xi32>
    %dma_start3A_322 = arith.constant 592 : i32
    %dma_start3A_323 = tpu.memref_slice %arg7[%dma_start3A_322] : memref<1024xf32, #tpu.memory_space<vmem>> -> memref<16xf32, #tpu.memory_space<vmem>>
    %dma_start3A_324 = arith.constant 0 : i32
    %dma_start3A_325 = tpu.memref_slice %arg2[%dma_start3A_324] : memref<67108864xf32, #tpu.memory_space<hbm>> -> memref<67108864xf32, #tpu.memory_space<hbm>>
    tpu.enqueue_indirect_dma source(%dma_start3A_325 : memref<67108864xf32, #tpu.memory_space<hbm>>) target(%dma_start3A_323 : memref<16xf32, #tpu.memory_space<vmem>>) offsets(%add3A_321 : vector<16xi32>) semaphore(%arg11 : memref<!tpu.dma_semaphore, #tpu.memory_space<semaphore_mem>>)
    %get3A_326 = arith.constant 608 : index
    %get3A_327 = tpu.vector_load %arg5[%get3A_326] {strides = array<i32>} : memref<1024xi32, #tpu.memory_space<vmem>>, vector<16xi32>,
    %add3A_328 = vector.broadcast %mul3A_22 : i32 to vector<16xi32>
    %add3A_329 = arith.addi %get3A_327, %add3A_328 : vector<16xi32>
    %dma_start3A_330 = arith.constant 608 : i32
    %dma_start3A_331 = tpu.memref_slice %arg7[%dma_start3A_330] : memref<1024xf32, #tpu.memory_space<vmem>> -> memref<16xf32, #tpu.memory_space<vmem>>
    %dma_start3A_332 = arith.constant 0 : i32
    %dma_start3A_333 = tpu.memref_slice %arg2[%dma_start3A_332] : memref<67108864xf32, #tpu.memory_space<hbm>> -> memref<67108864xf32, #tpu.memory_space<hbm>>
    tpu.enqueue_indirect_dma source(%dma_start3A_333 : memref<67108864xf32, #tpu.memory_space<hbm>>) target(%dma_start3A_331 : memref<16xf32, #tpu.memory_space<vmem>>) offsets(%add3A_329 : vector<16xi32>) semaphore(%arg11 : memref<!tpu.dma_semaphore, #tpu.memory_space<semaphore_mem>>)
    %get3A_334 = arith.constant 624 : index
    %get3A_335 = tpu.vector_load %arg5[%get3A_334] {strides = array<i32>} : memref<1024xi32, #tpu.memory_space<vmem>>, vector<16xi32>,
    %add3A_336 = vector.broadcast %mul3A_22 : i32 to vector<16xi32>
    %add3A_337 = arith.addi %get3A_335, %add3A_336 : vector<16xi32>
    %dma_start3A_338 = arith.constant 624 : i32
    %dma_start3A_339 = tpu.memref_slice %arg7[%dma_start3A_338] : memref<1024xf32, #tpu.memory_space<vmem>> -> memref<16xf32, #tpu.memory_space<vmem>>
    %dma_start3A_340 = arith.constant 0 : i32
    %dma_start3A_341 = tpu.memref_slice %arg2[%dma_start3A_340] : memref<67108864xf32, #tpu.memory_space<hbm>> -> memref<67108864xf32, #tpu.memory_space<hbm>>
    tpu.enqueue_indirect_dma source(%dma_start3A_341 : memref<67108864xf32, #tpu.memory_space<hbm>>) target(%dma_start3A_339 : memref<16xf32, #tpu.memory_space<vmem>>) offsets(%add3A_337 : vector<16xi32>) semaphore(%arg11 : memref<!tpu.dma_semaphore, #tpu.memory_space<semaphore_mem>>)
    %get3A_342 = arith.constant 640 : index
    %get3A_343 = tpu.vector_load %arg5[%get3A_342] {strides = array<i32>} : memref<1024xi32, #tpu.memory_space<vmem>>, vector<16xi32>,
    %add3A_344 = vector.broadcast %mul3A_22 : i32 to vector<16xi32>
    %add3A_345 = arith.addi %get3A_343, %add3A_344 : vector<16xi32>
    %dma_start3A_346 = arith.constant 640 : i32
    %dma_start3A_347 = tpu.memref_slice %arg7[%dma_start3A_346] : memref<1024xf32, #tpu.memory_space<vmem>> -> memref<16xf32, #tpu.memory_space<vmem>>
    %dma_start3A_348 = arith.constant 0 : i32
    %dma_start3A_349 = tpu.memref_slice %arg2[%dma_start3A_348] : memref<67108864xf32, #tpu.memory_space<hbm>> -> memref<67108864xf32, #tpu.memory_space<hbm>>
    tpu.enqueue_indirect_dma source(%dma_start3A_349 : memref<67108864xf32, #tpu.memory_space<hbm>>) target(%dma_start3A_347 : memref<16xf32, #tpu.memory_space<vmem>>) offsets(%add3A_345 : vector<16xi32>) semaphore(%arg11 : memref<!tpu.dma_semaphore, #tpu.memory_space<semaphore_mem>>)
    %get3A_350 = arith.constant 656 : index
    %get3A_351 = tpu.vector_load %arg5[%get3A_350] {strides = array<i32>} : memref<1024xi32, #tpu.memory_space<vmem>>, vector<16xi32>,
    %add3A_352 = vector.broadcast %mul3A_22 : i32 to vector<16xi32>
    %add3A_353 = arith.addi %get3A_351, %add3A_352 : vector<16xi32>
    %dma_start3A_354 = arith.constant 656 : i32
    %dma_start3A_355 = tpu.memref_slice %arg7[%dma_start3A_354] : memref<1024xf32, #tpu.memory_space<vmem>> -> memref<16xf32, #tpu.memory_space<vmem>>
    %dma_start3A_356 = arith.constant 0 : i32
    %dma_start3A_357 = tpu.memref_slice %arg2[%dma_start3A_356] : memref<67108864xf32, #tpu.memory_space<hbm>> -> memref<67108864xf32, #tpu.memory_space<hbm>>
    tpu.enqueue_indirect_dma source(%dma_start3A_357 : memref<67108864xf32, #tpu.memory_space<hbm>>) target(%dma_start3A_355 : memref<16xf32, #tpu.memory_space<vmem>>) offsets(%add3A_353 : vector<16xi32>) semaphore(%arg11 : memref<!tpu.dma_semaphore, #tpu.memory_space<semaphore_mem>>)
    %get3A_358 = arith.constant 672 : index
    %get3A_359 = tpu.vector_load %arg5[%get3A_358] {strides = array<i32>} : memref<1024xi32, #tpu.memory_space<vmem>>, vector<16xi32>,
    %add3A_360 = vector.broadcast %mul3A_22 : i32 to vector<16xi32>
    %add3A_361 = arith.addi %get3A_359, %add3A_360 : vector<16xi32>
    %dma_start3A_362 = arith.constant 672 : i32
    %dma_start3A_363 = tpu.memref_slice %arg7[%dma_start3A_362] : memref<1024xf32, #tpu.memory_space<vmem>> -> memref<16xf32, #tpu.memory_space<vmem>>
    %dma_start3A_364 = arith.constant 0 : i32
    %dma_start3A_365 = tpu.memref_slice %arg2[%dma_start3A_364] : memref<67108864xf32, #tpu.memory_space<hbm>> -> memref<67108864xf32, #tpu.memory_space<hbm>>
    tpu.enqueue_indirect_dma source(%dma_start3A_365 : memref<67108864xf32, #tpu.memory_space<hbm>>) target(%dma_start3A_363 : memref<16xf32, #tpu.memory_space<vmem>>) offsets(%add3A_361 : vector<16xi32>) semaphore(%arg11 : memref<!tpu.dma_semaphore, #tpu.memory_space<semaphore_mem>>)
    %get3A_366 = arith.constant 688 : index
    %get3A_367 = tpu.vector_load %arg5[%get3A_366] {strides = array<i32>} : memref<1024xi32, #tpu.memory_space<vmem>>, vector<16xi32>,
    %add3A_368 = vector.broadcast %mul3A_22 : i32 to vector<16xi32>
    %add3A_369 = arith.addi %get3A_367, %add3A_368 : vector<16xi32>
    %dma_start3A_370 = arith.constant 688 : i32
    %dma_start3A_371 = tpu.memref_slice %arg7[%dma_start3A_370] : memref<1024xf32, #tpu.memory_space<vmem>> -> memref<16xf32, #tpu.memory_space<vmem>>
    %dma_start3A_372 = arith.constant 0 : i32
    %dma_start3A_373 = tpu.memref_slice %arg2[%dma_start3A_372] : memref<67108864xf32, #tpu.memory_space<hbm>> -> memref<67108864xf32, #tpu.memory_space<hbm>>
    tpu.enqueue_indirect_dma source(%dma_start3A_373 : memref<67108864xf32, #tpu.memory_space<hbm>>) target(%dma_start3A_371 : memref<16xf32, #tpu.memory_space<vmem>>) offsets(%add3A_369 : vector<16xi32>) semaphore(%arg11 : memref<!tpu.dma_semaphore, #tpu.memory_space<semaphore_mem>>)
    %get3A_374 = arith.constant 704 : index
    %get3A_375 = tpu.vector_load %arg5[%get3A_374] {strides = array<i32>} : memref<1024xi32, #tpu.memory_space<vmem>>, vector<16xi32>,
    %add3A_376 = vector.broadcast %mul3A_22 : i32 to vector<16xi32>
    %add3A_377 = arith.addi %get3A_375, %add3A_376 : vector<16xi32>
    %dma_start3A_378 = arith.constant 704 : i32
    %dma_start3A_379 = tpu.memref_slice %arg7[%dma_start3A_378] : memref<1024xf32, #tpu.memory_space<vmem>> -> memref<16xf32, #tpu.memory_space<vmem>>
    %dma_start3A_380 = arith.constant 0 : i32
    %dma_start3A_381 = tpu.memref_slice %arg2[%dma_start3A_380] : memref<67108864xf32, #tpu.memory_space<hbm>> -> memref<67108864xf32, #tpu.memory_space<hbm>>
    tpu.enqueue_indirect_dma source(%dma_start3A_381 : memref<67108864xf32, #tpu.memory_space<hbm>>) target(%dma_start3A_379 : memref<16xf32, #tpu.memory_space<vmem>>) offsets(%add3A_377 : vector<16xi32>) semaphore(%arg11 : memref<!tpu.dma_semaphore, #tpu.memory_space<semaphore_mem>>)
    %get3A_382 = arith.constant 720 : index
    %get3A_383 = tpu.vector_load %arg5[%get3A_382] {strides = array<i32>} : memref<1024xi32, #tpu.memory_space<vmem>>, vector<16xi32>,
    %add3A_384 = vector.broadcast %mul3A_22 : i32 to vector<16xi32>
    %add3A_385 = arith.addi %get3A_383, %add3A_384 : vector<16xi32>
    %dma_start3A_386 = arith.constant 720 : i32
    %dma_start3A_387 = tpu.memref_slice %arg7[%dma_start3A_386] : memref<1024xf32, #tpu.memory_space<vmem>> -> memref<16xf32, #tpu.memory_space<vmem>>
    %dma_start3A_388 = arith.constant 0 : i32
    %dma_start3A_389 = tpu.memref_slice %arg2[%dma_start3A_388] : memref<67108864xf32, #tpu.memory_space<hbm>> -> memref<67108864xf32, #tpu.memory_space<hbm>>
    tpu.enqueue_indirect_dma source(%dma_start3A_389 : memref<67108864xf32, #tpu.memory_space<hbm>>) target(%dma_start3A_387 : memref<16xf32, #tpu.memory_space<vmem>>) offsets(%add3A_385 : vector<16xi32>) semaphore(%arg11 : memref<!tpu.dma_semaphore, #tpu.memory_space<semaphore_mem>>)
    %get3A_390 = arith.constant 736 : index
    %get3A_391 = tpu.vector_load %arg5[%get3A_390] {strides = array<i32>} : memref<1024xi32, #tpu.memory_space<vmem>>, vector<16xi32>,
    %add3A_392 = vector.broadcast %mul3A_22 : i32 to vector<16xi32>
    %add3A_393 = arith.addi %get3A_391, %add3A_392 : vector<16xi32>
    %dma_start3A_394 = arith.constant 736 : i32
    %dma_start3A_395 = tpu.memref_slice %arg7[%dma_start3A_394] : memref<1024xf32, #tpu.memory_space<vmem>> -> memref<16xf32, #tpu.memory_space<vmem>>
    %dma_start3A_396 = arith.constant 0 : i32
    %dma_start3A_397 = tpu.memref_slice %arg2[%dma_start3A_396] : memref<67108864xf32, #tpu.memory_space<hbm>> -> memref<67108864xf32, #tpu.memory_space<hbm>>
    tpu.enqueue_indirect_dma source(%dma_start3A_397 : memref<67108864xf32, #tpu.memory_space<hbm>>) target(%dma_start3A_395 : memref<16xf32, #tpu.memory_space<vmem>>) offsets(%add3A_393 : vector<16xi32>) semaphore(%arg11 : memref<!tpu.dma_semaphore, #tpu.memory_space<semaphore_mem>>)
    %get3A_398 = arith.constant 752 : index
    %get3A_399 = tpu.vector_load %arg5[%get3A_398] {strides = array<i32>} : memref<1024xi32, #tpu.memory_space<vmem>>, vector<16xi32>,
    %add3A_400 = vector.broadcast %mul3A_22 : i32 to vector<16xi32>
    %add3A_401 = arith.addi %get3A_399, %add3A_400 : vector<16xi32>
    %dma_start3A_402 = arith.constant 752 : i32
    %dma_start3A_403 = tpu.memref_slice %arg7[%dma_start3A_402] : memref<1024xf32, #tpu.memory_space<vmem>> -> memref<16xf32, #tpu.memory_space<vmem>>
    %dma_start3A_404 = arith.constant 0 : i32
    %dma_start3A_405 = tpu.memref_slice %arg2[%dma_start3A_404] : memref<67108864xf32, #tpu.memory_space<hbm>> -> memref<67108864xf32, #tpu.memory_space<hbm>>
    tpu.enqueue_indirect_dma source(%dma_start3A_405 : memref<67108864xf32, #tpu.memory_space<hbm>>) target(%dma_start3A_403 : memref<16xf32, #tpu.memory_space<vmem>>) offsets(%add3A_401 : vector<16xi32>) semaphore(%arg11 : memref<!tpu.dma_semaphore, #tpu.memory_space<semaphore_mem>>)
    %get3A_406 = arith.constant 768 : index
    %get3A_407 = tpu.vector_load %arg5[%get3A_406] {strides = array<i32>} : memref<1024xi32, #tpu.memory_space<vmem>>, vector<16xi32>,
    %add3A_408 = vector.broadcast %mul3A_22 : i32 to vector<16xi32>
    %add3A_409 = arith.addi %get3A_407, %add3A_408 : vector<16xi32>
    %dma_start3A_410 = arith.constant 768 : i32
    %dma_start3A_411 = tpu.memref_slice %arg7[%dma_start3A_410] : memref<1024xf32, #tpu.memory_space<vmem>> -> memref<16xf32, #tpu.memory_space<vmem>>
    %dma_start3A_412 = arith.constant 0 : i32
    %dma_start3A_413 = tpu.memref_slice %arg2[%dma_start3A_412] : memref<67108864xf32, #tpu.memory_space<hbm>> -> memref<67108864xf32, #tpu.memory_space<hbm>>
    tpu.enqueue_indirect_dma source(%dma_start3A_413 : memref<67108864xf32, #tpu.memory_space<hbm>>) target(%dma_start3A_411 : memref<16xf32, #tpu.memory_space<vmem>>) offsets(%add3A_409 : vector<16xi32>) semaphore(%arg11 : memref<!tpu.dma_semaphore, #tpu.memory_space<semaphore_mem>>)
    %get3A_414 = arith.constant 784 : index
    %get3A_415 = tpu.vector_load %arg5[%get3A_414] {strides = array<i32>} : memref<1024xi32, #tpu.memory_space<vmem>>, vector<16xi32>,
    %add3A_416 = vector.broadcast %mul3A_22 : i32 to vector<16xi32>
    %add3A_417 = arith.addi %get3A_415, %add3A_416 : vector<16xi32>
    %dma_start3A_418 = arith.constant 784 : i32
    %dma_start3A_419 = tpu.memref_slice %arg7[%dma_start3A_418] : memref<1024xf32, #tpu.memory_space<vmem>> -> memref<16xf32, #tpu.memory_space<vmem>>
    %dma_start3A_420 = arith.constant 0 : i32
    %dma_start3A_421 = tpu.memref_slice %arg2[%dma_start3A_420] : memref<67108864xf32, #tpu.memory_space<hbm>> -> memref<67108864xf32, #tpu.memory_space<hbm>>
    tpu.enqueue_indirect_dma source(%dma_start3A_421 : memref<67108864xf32, #tpu.memory_space<hbm>>) target(%dma_start3A_419 : memref<16xf32, #tpu.memory_space<vmem>>) offsets(%add3A_417 : vector<16xi32>) semaphore(%arg11 : memref<!tpu.dma_semaphore, #tpu.memory_space<semaphore_mem>>)
    %get3A_422 = arith.constant 800 : index
    %get3A_423 = tpu.vector_load %arg5[%get3A_422] {strides = array<i32>} : memref<1024xi32, #tpu.memory_space<vmem>>, vector<16xi32>,
    %add3A_424 = vector.broadcast %mul3A_22 : i32 to vector<16xi32>
    %add3A_425 = arith.addi %get3A_423, %add3A_424 : vector<16xi32>
    %dma_start3A_426 = arith.constant 800 : i32
    %dma_start3A_427 = tpu.memref_slice %arg7[%dma_start3A_426] : memref<1024xf32, #tpu.memory_space<vmem>> -> memref<16xf32, #tpu.memory_space<vmem>>
    %dma_start3A_428 = arith.constant 0 : i32
    %dma_start3A_429 = tpu.memref_slice %arg2[%dma_start3A_428] : memref<67108864xf32, #tpu.memory_space<hbm>> -> memref<67108864xf32, #tpu.memory_space<hbm>>
    tpu.enqueue_indirect_dma source(%dma_start3A_429 : memref<67108864xf32, #tpu.memory_space<hbm>>) target(%dma_start3A_427 : memref<16xf32, #tpu.memory_space<vmem>>) offsets(%add3A_425 : vector<16xi32>) semaphore(%arg11 : memref<!tpu.dma_semaphore, #tpu.memory_space<semaphore_mem>>)
    %get3A_430 = arith.constant 816 : index
    %get3A_431 = tpu.vector_load %arg5[%get3A_430] {strides = array<i32>} : memref<1024xi32, #tpu.memory_space<vmem>>, vector<16xi32>,
    %add3A_432 = vector.broadcast %mul3A_22 : i32 to vector<16xi32>
    %add3A_433 = arith.addi %get3A_431, %add3A_432 : vector<16xi32>
    %dma_start3A_434 = arith.constant 816 : i32
    %dma_start3A_435 = tpu.memref_slice %arg7[%dma_start3A_434] : memref<1024xf32, #tpu.memory_space<vmem>> -> memref<16xf32, #tpu.memory_space<vmem>>
    %dma_start3A_436 = arith.constant 0 : i32
    %dma_start3A_437 = tpu.memref_slice %arg2[%dma_start3A_436] : memref<67108864xf32, #tpu.memory_space<hbm>> -> memref<67108864xf32, #tpu.memory_space<hbm>>
    tpu.enqueue_indirect_dma source(%dma_start3A_437 : memref<67108864xf32, #tpu.memory_space<hbm>>) target(%dma_start3A_435 : memref<16xf32, #tpu.memory_space<vmem>>) offsets(%add3A_433 : vector<16xi32>) semaphore(%arg11 : memref<!tpu.dma_semaphore, #tpu.memory_space<semaphore_mem>>)
    %get3A_438 = arith.constant 832 : index
    %get3A_439 = tpu.vector_load %arg5[%get3A_438] {strides = array<i32>} : memref<1024xi32, #tpu.memory_space<vmem>>, vector<16xi32>,
    %add3A_440 = vector.broadcast %mul3A_22 : i32 to vector<16xi32>
    %add3A_441 = arith.addi %get3A_439, %add3A_440 : vector<16xi32>
    %dma_start3A_442 = arith.constant 832 : i32
    %dma_start3A_443 = tpu.memref_slice %arg7[%dma_start3A_442] : memref<1024xf32, #tpu.memory_space<vmem>> -> memref<16xf32, #tpu.memory_space<vmem>>
    %dma_start3A_444 = arith.constant 0 : i32
    %dma_start3A_445 = tpu.memref_slice %arg2[%dma_start3A_444] : memref<67108864xf32, #tpu.memory_space<hbm>> -> memref<67108864xf32, #tpu.memory_space<hbm>>
    tpu.enqueue_indirect_dma source(%dma_start3A_445 : memref<67108864xf32, #tpu.memory_space<hbm>>) target(%dma_start3A_443 : memref<16xf32, #tpu.memory_space<vmem>>) offsets(%add3A_441 : vector<16xi32>) semaphore(%arg11 : memref<!tpu.dma_semaphore, #tpu.memory_space<semaphore_mem>>)
    %get3A_446 = arith.constant 848 : index
    %get3A_447 = tpu.vector_load %arg5[%get3A_446] {strides = array<i32>} : memref<1024xi32, #tpu.memory_space<vmem>>, vector<16xi32>,
    %add3A_448 = vector.broadcast %mul3A_22 : i32 to vector<16xi32>
    %add3A_449 = arith.addi %get3A_447, %add3A_448 : vector<16xi32>
    %dma_start3A_450 = arith.constant 848 : i32
    %dma_start3A_451 = tpu.memref_slice %arg7[%dma_start3A_450] : memref<1024xf32, #tpu.memory_space<vmem>> -> memref<16xf32, #tpu.memory_space<vmem>>
    %dma_start3A_452 = arith.constant 0 : i32
    %dma_start3A_453 = tpu.memref_slice %arg2[%dma_start3A_452] : memref<67108864xf32, #tpu.memory_space<hbm>> -> memref<67108864xf32, #tpu.memory_space<hbm>>
    tpu.enqueue_indirect_dma source(%dma_start3A_453 : memref<67108864xf32, #tpu.memory_space<hbm>>) target(%dma_start3A_451 : memref<16xf32, #tpu.memory_space<vmem>>) offsets(%add3A_449 : vector<16xi32>) semaphore(%arg11 : memref<!tpu.dma_semaphore, #tpu.memory_space<semaphore_mem>>)
    %get3A_454 = arith.constant 864 : index
    %get3A_455 = tpu.vector_load %arg5[%get3A_454] {strides = array<i32>} : memref<1024xi32, #tpu.memory_space<vmem>>, vector<16xi32>,
    %add3A_456 = vector.broadcast %mul3A_22 : i32 to vector<16xi32>
    %add3A_457 = arith.addi %get3A_455, %add3A_456 : vector<16xi32>
    %dma_start3A_458 = arith.constant 864 : i32
    %dma_start3A_459 = tpu.memref_slice %arg7[%dma_start3A_458] : memref<1024xf32, #tpu.memory_space<vmem>> -> memref<16xf32, #tpu.memory_space<vmem>>
    %dma_start3A_460 = arith.constant 0 : i32
    %dma_start3A_461 = tpu.memref_slice %arg2[%dma_start3A_460] : memref<67108864xf32, #tpu.memory_space<hbm>> -> memref<67108864xf32, #tpu.memory_space<hbm>>
    tpu.enqueue_indirect_dma source(%dma_start3A_461 : memref<67108864xf32, #tpu.memory_space<hbm>>) target(%dma_start3A_459 : memref<16xf32, #tpu.memory_space<vmem>>) offsets(%add3A_457 : vector<16xi32>) semaphore(%arg11 : memref<!tpu.dma_semaphore, #tpu.memory_space<semaphore_mem>>)
    %get3A_462 = arith.constant 880 : index
    %get3A_463 = tpu.vector_load %arg5[%get3A_462] {strides = array<i32>} : memref<1024xi32, #tpu.memory_space<vmem>>, vector<16xi32>,
    %add3A_464 = vector.broadcast %mul3A_22 : i32 to vector<16xi32>
    %add3A_465 = arith.addi %get3A_463, %add3A_464 : vector<16xi32>
    %dma_start3A_466 = arith.constant 880 : i32
    %dma_start3A_467 = tpu.memref_slice %arg7[%dma_start3A_466] : memref<1024xf32, #tpu.memory_space<vmem>> -> memref<16xf32, #tpu.memory_space<vmem>>
    %dma_start3A_468 = arith.constant 0 : i32
    %dma_start3A_469 = tpu.memref_slice %arg2[%dma_start3A_468] : memref<67108864xf32, #tpu.memory_space<hbm>> -> memref<67108864xf32, #tpu.memory_space<hbm>>
    tpu.enqueue_indirect_dma source(%dma_start3A_469 : memref<67108864xf32, #tpu.memory_space<hbm>>) target(%dma_start3A_467 : memref<16xf32, #tpu.memory_space<vmem>>) offsets(%add3A_465 : vector<16xi32>) semaphore(%arg11 : memref<!tpu.dma_semaphore, #tpu.memory_space<semaphore_mem>>)
    %get3A_470 = arith.constant 896 : index
    %get3A_471 = tpu.vector_load %arg5[%get3A_470] {strides = array<i32>} : memref<1024xi32, #tpu.memory_space<vmem>>, vector<16xi32>,
    %add3A_472 = vector.broadcast %mul3A_22 : i32 to vector<16xi32>
    %add3A_473 = arith.addi %get3A_471, %add3A_472 : vector<16xi32>
    %dma_start3A_474 = arith.constant 896 : i32
    %dma_start3A_475 = tpu.memref_slice %arg7[%dma_start3A_474] : memref<1024xf32, #tpu.memory_space<vmem>> -> memref<16xf32, #tpu.memory_space<vmem>>
    %dma_start3A_476 = arith.constant 0 : i32
    %dma_start3A_477 = tpu.memref_slice %arg2[%dma_start3A_476] : memref<67108864xf32, #tpu.memory_space<hbm>> -> memref<67108864xf32, #tpu.memory_space<hbm>>
    tpu.enqueue_indirect_dma source(%dma_start3A_477 : memref<67108864xf32, #tpu.memory_space<hbm>>) target(%dma_start3A_475 : memref<16xf32, #tpu.memory_space<vmem>>) offsets(%add3A_473 : vector<16xi32>) semaphore(%arg11 : memref<!tpu.dma_semaphore, #tpu.memory_space<semaphore_mem>>)
    %get3A_478 = arith.constant 912 : index
    %get3A_479 = tpu.vector_load %arg5[%get3A_478] {strides = array<i32>} : memref<1024xi32, #tpu.memory_space<vmem>>, vector<16xi32>,
    %add3A_480 = vector.broadcast %mul3A_22 : i32 to vector<16xi32>
    %add3A_481 = arith.addi %get3A_479, %add3A_480 : vector<16xi32>
    %dma_start3A_482 = arith.constant 912 : i32
    %dma_start3A_483 = tpu.memref_slice %arg7[%dma_start3A_482] : memref<1024xf32, #tpu.memory_space<vmem>> -> memref<16xf32, #tpu.memory_space<vmem>>
    %dma_start3A_484 = arith.constant 0 : i32
    %dma_start3A_485 = tpu.memref_slice %arg2[%dma_start3A_484] : memref<67108864xf32, #tpu.memory_space<hbm>> -> memref<67108864xf32, #tpu.memory_space<hbm>>
    tpu.enqueue_indirect_dma source(%dma_start3A_485 : memref<67108864xf32, #tpu.memory_space<hbm>>) target(%dma_start3A_483 : memref<16xf32, #tpu.memory_space<vmem>>) offsets(%add3A_481 : vector<16xi32>) semaphore(%arg11 : memref<!tpu.dma_semaphore, #tpu.memory_space<semaphore_mem>>)
    %get3A_486 = arith.constant 928 : index
    %get3A_487 = tpu.vector_load %arg5[%get3A_486] {strides = array<i32>} : memref<1024xi32, #tpu.memory_space<vmem>>, vector<16xi32>,
    %add3A_488 = vector.broadcast %mul3A_22 : i32 to vector<16xi32>
    %add3A_489 = arith.addi %get3A_487, %add3A_488 : vector<16xi32>
    %dma_start3A_490 = arith.constant 928 : i32
    %dma_start3A_491 = tpu.memref_slice %arg7[%dma_start3A_490] : memref<1024xf32, #tpu.memory_space<vmem>> -> memref<16xf32, #tpu.memory_space<vmem>>
    %dma_start3A_492 = arith.constant 0 : i32
    %dma_start3A_493 = tpu.memref_slice %arg2[%dma_start3A_492] : memref<67108864xf32, #tpu.memory_space<hbm>> -> memref<67108864xf32, #tpu.memory_space<hbm>>
    tpu.enqueue_indirect_dma source(%dma_start3A_493 : memref<67108864xf32, #tpu.memory_space<hbm>>) target(%dma_start3A_491 : memref<16xf32, #tpu.memory_space<vmem>>) offsets(%add3A_489 : vector<16xi32>) semaphore(%arg11 : memref<!tpu.dma_semaphore, #tpu.memory_space<semaphore_mem>>)
    %get3A_494 = arith.constant 944 : index
    %get3A_495 = tpu.vector_load %arg5[%get3A_494] {strides = array<i32>} : memref<1024xi32, #tpu.memory_space<vmem>>, vector<16xi32>,
    %add3A_496 = vector.broadcast %mul3A_22 : i32 to vector<16xi32>
    %add3A_497 = arith.addi %get3A_495, %add3A_496 : vector<16xi32>
    %dma_start3A_498 = arith.constant 944 : i32
    %dma_start3A_499 = tpu.memref_slice %arg7[%dma_start3A_498] : memref<1024xf32, #tpu.memory_space<vmem>> -> memref<16xf32, #tpu.memory_space<vmem>>
    %dma_start3A_500 = arith.constant 0 : i32
    %dma_start3A_501 = tpu.memref_slice %arg2[%dma_start3A_500] : memref<67108864xf32, #tpu.memory_space<hbm>> -> memref<67108864xf32, #tpu.memory_space<hbm>>
    tpu.enqueue_indirect_dma source(%dma_start3A_501 : memref<67108864xf32, #tpu.memory_space<hbm>>) target(%dma_start3A_499 : memref<16xf32, #tpu.memory_space<vmem>>) offsets(%add3A_497 : vector<16xi32>) semaphore(%arg11 : memref<!tpu.dma_semaphore, #tpu.memory_space<semaphore_mem>>)
    %get3A_502 = arith.constant 960 : index
    %get3A_503 = tpu.vector_load %arg5[%get3A_502] {strides = array<i32>} : memref<1024xi32, #tpu.memory_space<vmem>>, vector<16xi32>,
    %add3A_504 = vector.broadcast %mul3A_22 : i32 to vector<16xi32>
    %add3A_505 = arith.addi %get3A_503, %add3A_504 : vector<16xi32>
    %dma_start3A_506 = arith.constant 960 : i32
    %dma_start3A_507 = tpu.memref_slice %arg7[%dma_start3A_506] : memref<1024xf32, #tpu.memory_space<vmem>> -> memref<16xf32, #tpu.memory_space<vmem>>
    %dma_start3A_508 = arith.constant 0 : i32
    %dma_start3A_509 = tpu.memref_slice %arg2[%dma_start3A_508] : memref<67108864xf32, #tpu.memory_space<hbm>> -> memref<67108864xf32, #tpu.memory_space<hbm>>
    tpu.enqueue_indirect_dma source(%dma_start3A_509 : memref<67108864xf32, #tpu.memory_space<hbm>>) target(%dma_start3A_507 : memref<16xf32, #tpu.memory_space<vmem>>) offsets(%add3A_505 : vector<16xi32>) semaphore(%arg11 : memref<!tpu.dma_semaphore, #tpu.memory_space<semaphore_mem>>)
    %get3A_510 = arith.constant 976 : index
    %get3A_511 = tpu.vector_load %arg5[%get3A_510] {strides = array<i32>} : memref<1024xi32, #tpu.memory_space<vmem>>, vector<16xi32>,
    %add3A_512 = vector.broadcast %mul3A_22 : i32 to vector<16xi32>
    %add3A_513 = arith.addi %get3A_511, %add3A_512 : vector<16xi32>
    %dma_start3A_514 = arith.constant 976 : i32
    %dma_start3A_515 = tpu.memref_slice %arg7[%dma_start3A_514] : memref<1024xf32, #tpu.memory_space<vmem>> -> memref<16xf32, #tpu.memory_space<vmem>>
    %dma_start3A_516 = arith.constant 0 : i32
    %dma_start3A_517 = tpu.memref_slice %arg2[%dma_start3A_516] : memref<67108864xf32, #tpu.memory_space<hbm>> -> memref<67108864xf32, #tpu.memory_space<hbm>>
    tpu.enqueue_indirect_dma source(%dma_start3A_517 : memref<67108864xf32, #tpu.memory_space<hbm>>) target(%dma_start3A_515 : memref<16xf32, #tpu.memory_space<vmem>>) offsets(%add3A_513 : vector<16xi32>) semaphore(%arg11 : memref<!tpu.dma_semaphore, #tpu.memory_space<semaphore_mem>>)
    %get3A_518 = arith.constant 992 : index
    %get3A_519 = tpu.vector_load %arg5[%get3A_518] {strides = array<i32>} : memref<1024xi32, #tpu.memory_space<vmem>>, vector<16xi32>,
    %add3A_520 = vector.broadcast %mul3A_22 : i32 to vector<16xi32>
    %add3A_521 = arith.addi %get3A_519, %add3A_520 : vector<16xi32>
    %dma_start3A_522 = arith.constant 992 : i32
    %dma_start3A_523 = tpu.memref_slice %arg7[%dma_start3A_522] : memref<1024xf32, #tpu.memory_space<vmem>> -> memref<16xf32, #tpu.memory_space<vmem>>
    %dma_start3A_524 = arith.constant 0 : i32
    %dma_start3A_525 = tpu.memref_slice %arg2[%dma_start3A_524] : memref<67108864xf32, #tpu.memory_space<hbm>> -> memref<67108864xf32, #tpu.memory_space<hbm>>
    tpu.enqueue_indirect_dma source(%dma_start3A_525 : memref<67108864xf32, #tpu.memory_space<hbm>>) target(%dma_start3A_523 : memref<16xf32, #tpu.memory_space<vmem>>) offsets(%add3A_521 : vector<16xi32>) semaphore(%arg11 : memref<!tpu.dma_semaphore, #tpu.memory_space<semaphore_mem>>)
    %get3A_526 = arith.constant 1008 : index
    %get3A_527 = tpu.vector_load %arg5[%get3A_526] {strides = array<i32>} : memref<1024xi32, #tpu.memory_space<vmem>>, vector<16xi32>,
    %add3A_528 = vector.broadcast %mul3A_22 : i32 to vector<16xi32>
    %add3A_529 = arith.addi %get3A_527, %add3A_528 : vector<16xi32>
    %dma_start3A_530 = arith.constant 1008 : i32
    %dma_start3A_531 = tpu.memref_slice %arg7[%dma_start3A_530] : memref<1024xf32, #tpu.memory_space<vmem>> -> memref<16xf32, #tpu.memory_space<vmem>>
    %dma_start3A_532 = arith.constant 0 : i32
    %dma_start3A_533 = tpu.memref_slice %arg2[%dma_start3A_532] : memref<67108864xf32, #tpu.memory_space<hbm>> -> memref<67108864xf32, #tpu.memory_space<hbm>>
    tpu.enqueue_indirect_dma source(%dma_start3A_533 : memref<67108864xf32, #tpu.memory_space<hbm>>) target(%dma_start3A_531 : memref<16xf32, #tpu.memory_space<vmem>>) offsets(%add3A_529 : vector<16xi32>) semaphore(%arg11 : memref<!tpu.dma_semaphore, #tpu.memory_space<semaphore_mem>>)
    %scan3A = arith.constant 0 : i32
    %scan3A_534 = arith.constant 0 : i32
    %scan3A_535 = arith.constant 32 : i32
    %scan3A_536 = arith.addi %scan3A_534, %scan3A_535 : i32
    %scan3A_537 = arith.constant 1 : i32
    %scan3A_538 = scf.for %scan3A_552 = %scan3A_534 to %scan3A_536 step %scan3A_537 iter_args(%scan3A_553 = %scan3A) -> (i32)  : i32 {
      %mul3A_554 = arith.constant 2 : i32
      %mul3A_555 = arith.muli %mul3A_554, %scan3A_552 : i32
      %add3A_556 = arith.addi %mul3A_2, %mul3A_555 : i32
      %add3A_557 = arith.constant 1 : i32
      %add3A_558 = arith.addi %add3A_556, %add3A_557 : i32
      %dma_wait3A_559 = arith.constant 0 : i32
      %dma_wait3A_560 = tpu.memref_slice %arg3[%add3A_558, %dma_wait3A_559] : memref<2048x1024xi32, #tpu.memory_space<hbm>> -> memref<1x1024xi32, #tpu.memory_space<hbm>>
      %dma_wait3A_561 = tpu.memref_squeeze %dma_wait3A_560 : memref<1x1024xi32, #tpu.memory_space<hbm>> -> memref<1024xi32, #tpu.memory_space<hbm>>
      %dma_wait3A_562 = arith.constant 0 : i32
      %dma_wait3A_563 = tpu.memref_slice %arg3[%add3A_558, %dma_wait3A_562] : memref<2048x1024xi32, #tpu.memory_space<hbm>> -> memref<1x1024xi32, #tpu.memory_space<hbm>>
      %dma_wait3A_564 = tpu.memref_squeeze %dma_wait3A_563 : memref<1x1024xi32, #tpu.memory_space<hbm>> -> memref<1024xi32, #tpu.memory_space<hbm>>
      tpu.wait_dma2 semaphore(%arg10 : memref<!tpu.dma_semaphore, #tpu.memory_space<semaphore_mem>>) src(%dma_wait3A_564 : memref<1024xi32, #tpu.memory_space<hbm>>) dst(%arg6 : memref<1024xi32, #tpu.memory_space<vmem>>)
      %gt3A = arith.constant 0 : i32
      %gt3A_565 = arith.cmpi sgt, %scan3A_552, %gt3A : i32
      %convert_element_type3A = arith.extui %gt3A_565 : i1 to i32
      %cond3A = arith.constant 0 : i32
      %cond3A_566 = arith.cmpi ne, %convert_element_type3A, %cond3A : i32
      scf.if %cond3A_566 {
        %dma_wait3A_1115 = arith.constant 0 : i32
        %dma_wait3A_1116 = tpu.memref_slice %arg4[%mul3A_2, %dma_wait3A_1115] : memref<2048x1024xf32, #tpu.memory_space<hbm>> -> memref<1x1024xf32, #tpu.memory_space<hbm>>
        %dma_wait3A_1117 = tpu.memref_squeeze %dma_wait3A_1116 : memref<1x1024xf32, #tpu.memory_space<hbm>> -> memref<1024xf32, #tpu.memory_space<hbm>>
        %dma_wait3A_1118 = arith.constant 0 : i32
        %dma_wait3A_1119 = tpu.memref_slice %arg4[%mul3A_2, %dma_wait3A_1118] : memref<2048x1024xf32, #tpu.memory_space<hbm>> -> memref<1x1024xf32, #tpu.memory_space<hbm>>
        %dma_wait3A_1120 = tpu.memref_squeeze %dma_wait3A_1119 : memref<1x1024xf32, #tpu.memory_space<hbm>> -> memref<1024xf32, #tpu.memory_space<hbm>>
        tpu.wait_dma2 semaphore(%arg14 : memref<!tpu.dma_semaphore, #tpu.memory_space<semaphore_mem>>) src(%arg8 : memref<1024xf32, #tpu.memory_space<vmem>>) dst(%dma_wait3A_1120 : memref<1024xf32, #tpu.memory_space<hbm>>)
      } else {
      }
      %add3A_567 = arith.constant 1 : i32
      %add3A_568 = arith.addi %add3A_556, %add3A_567 : i32
      %mul3A_569 = arith.constant 32768 : i32
      %mul3A_570 = arith.muli %add3A_568, %mul3A_569 : i32
      %get3A_571 = arith.constant 0 : index
      %get3A_572 = tpu.vector_load %arg6[%get3A_571] {strides = array<i32>} : memref<1024xi32, #tpu.memory_space<vmem>>, vector<16xi32>,
      %add3A_573 = vector.broadcast %mul3A_570 : i32 to vector<16xi32>
      %add3A_574 = arith.addi %get3A_572, %add3A_573 : vector<16xi32>
      %dma_start3A_575 = arith.constant 0 : i32
      %dma_start3A_576 = tpu.memref_slice %arg8[%dma_start3A_575] : memref<1024xf32, #tpu.memory_space<vmem>> -> memref<16xf32, #tpu.memory_space<vmem>>
      %dma_start3A_577 = arith.constant 0 : i32
      %dma_start3A_578 = tpu.memref_slice %arg2[%dma_start3A_577] : memref<67108864xf32, #tpu.memory_space<hbm>> -> memref<67108864xf32, #tpu.memory_space<hbm>>
      tpu.enqueue_indirect_dma source(%dma_start3A_578 : memref<67108864xf32, #tpu.memory_space<hbm>>) target(%dma_start3A_576 : memref<16xf32, #tpu.memory_space<vmem>>) offsets(%add3A_574 : vector<16xi32>) semaphore(%arg12 : memref<!tpu.dma_semaphore, #tpu.memory_space<semaphore_mem>>)
      %get3A_579 = arith.constant 16 : index
      %get3A_580 = tpu.vector_load %arg6[%get3A_579] {strides = array<i32>} : memref<1024xi32, #tpu.memory_space<vmem>>, vector<16xi32>,
      %add3A_581 = vector.broadcast %mul3A_570 : i32 to vector<16xi32>
      %add3A_582 = arith.addi %get3A_580, %add3A_581 : vector<16xi32>
      %dma_start3A_583 = arith.constant 16 : i32
      %dma_start3A_584 = tpu.memref_slice %arg8[%dma_start3A_583] : memref<1024xf32, #tpu.memory_space<vmem>> -> memref<16xf32, #tpu.memory_space<vmem>>
      %dma_start3A_585 = arith.constant 0 : i32
      %dma_start3A_586 = tpu.memref_slice %arg2[%dma_start3A_585] : memref<67108864xf32, #tpu.memory_space<hbm>> -> memref<67108864xf32, #tpu.memory_space<hbm>>
      tpu.enqueue_indirect_dma source(%dma_start3A_586 : memref<67108864xf32, #tpu.memory_space<hbm>>) target(%dma_start3A_584 : memref<16xf32, #tpu.memory_space<vmem>>) offsets(%add3A_582 : vector<16xi32>) semaphore(%arg12 : memref<!tpu.dma_semaphore, #tpu.memory_space<semaphore_mem>>)
      %get3A_587 = arith.constant 32 : index
      %get3A_588 = tpu.vector_load %arg6[%get3A_587] {strides = array<i32>} : memref<1024xi32, #tpu.memory_space<vmem>>, vector<16xi32>,
      %add3A_589 = vector.broadcast %mul3A_570 : i32 to vector<16xi32>
      %add3A_590 = arith.addi %get3A_588, %add3A_589 : vector<16xi32>
      %dma_start3A_591 = arith.constant 32 : i32
      %dma_start3A_592 = tpu.memref_slice %arg8[%dma_start3A_591] : memref<1024xf32, #tpu.memory_space<vmem>> -> memref<16xf32, #tpu.memory_space<vmem>>
      %dma_start3A_593 = arith.constant 0 : i32
      %dma_start3A_594 = tpu.memref_slice %arg2[%dma_start3A_593] : memref<67108864xf32, #tpu.memory_space<hbm>> -> memref<67108864xf32, #tpu.memory_space<hbm>>
      tpu.enqueue_indirect_dma source(%dma_start3A_594 : memref<67108864xf32, #tpu.memory_space<hbm>>) target(%dma_start3A_592 : memref<16xf32, #tpu.memory_space<vmem>>) offsets(%add3A_590 : vector<16xi32>) semaphore(%arg12 : memref<!tpu.dma_semaphore, #tpu.memory_space<semaphore_mem>>)
      %get3A_595 = arith.constant 48 : index
      %get3A_596 = tpu.vector_load %arg6[%get3A_595] {strides = array<i32>} : memref<1024xi32, #tpu.memory_space<vmem>>, vector<16xi32>,
      %add3A_597 = vector.broadcast %mul3A_570 : i32 to vector<16xi32>
      %add3A_598 = arith.addi %get3A_596, %add3A_597 : vector<16xi32>
      %dma_start3A_599 = arith.constant 48 : i32
      %dma_start3A_600 = tpu.memref_slice %arg8[%dma_start3A_599] : memref<1024xf32, #tpu.memory_space<vmem>> -> memref<16xf32, #tpu.memory_space<vmem>>
      %dma_start3A_601 = arith.constant 0 : i32
      %dma_start3A_602 = tpu.memref_slice %arg2[%dma_start3A_601] : memref<67108864xf32, #tpu.memory_space<hbm>> -> memref<67108864xf32, #tpu.memory_space<hbm>>
      tpu.enqueue_indirect_dma source(%dma_start3A_602 : memref<67108864xf32, #tpu.memory_space<hbm>>) target(%dma_start3A_600 : memref<16xf32, #tpu.memory_space<vmem>>) offsets(%add3A_598 : vector<16xi32>) semaphore(%arg12 : memref<!tpu.dma_semaphore, #tpu.memory_space<semaphore_mem>>)
      %get3A_603 = arith.constant 64 : index
      %get3A_604 = tpu.vector_load %arg6[%get3A_603] {strides = array<i32>} : memref<1024xi32, #tpu.memory_space<vmem>>, vector<16xi32>,
      %add3A_605 = vector.broadcast %mul3A_570 : i32 to vector<16xi32>
      %add3A_606 = arith.addi %get3A_604, %add3A_605 : vector<16xi32>
      %dma_start3A_607 = arith.constant 64 : i32
      %dma_start3A_608 = tpu.memref_slice %arg8[%dma_start3A_607] : memref<1024xf32, #tpu.memory_space<vmem>> -> memref<16xf32, #tpu.memory_space<vmem>>
      %dma_start3A_609 = arith.constant 0 : i32
      %dma_start3A_610 = tpu.memref_slice %arg2[%dma_start3A_609] : memref<67108864xf32, #tpu.memory_space<hbm>> -> memref<67108864xf32, #tpu.memory_space<hbm>>
      tpu.enqueue_indirect_dma source(%dma_start3A_610 : memref<67108864xf32, #tpu.memory_space<hbm>>) target(%dma_start3A_608 : memref<16xf32, #tpu.memory_space<vmem>>) offsets(%add3A_606 : vector<16xi32>) semaphore(%arg12 : memref<!tpu.dma_semaphore, #tpu.memory_space<semaphore_mem>>)
      %get3A_611 = arith.constant 80 : index
      %get3A_612 = tpu.vector_load %arg6[%get3A_611] {strides = array<i32>} : memref<1024xi32, #tpu.memory_space<vmem>>, vector<16xi32>,
      %add3A_613 = vector.broadcast %mul3A_570 : i32 to vector<16xi32>
      %add3A_614 = arith.addi %get3A_612, %add3A_613 : vector<16xi32>
      %dma_start3A_615 = arith.constant 80 : i32
      %dma_start3A_616 = tpu.memref_slice %arg8[%dma_start3A_615] : memref<1024xf32, #tpu.memory_space<vmem>> -> memref<16xf32, #tpu.memory_space<vmem>>
      %dma_start3A_617 = arith.constant 0 : i32
      %dma_start3A_618 = tpu.memref_slice %arg2[%dma_start3A_617] : memref<67108864xf32, #tpu.memory_space<hbm>> -> memref<67108864xf32, #tpu.memory_space<hbm>>
      tpu.enqueue_indirect_dma source(%dma_start3A_618 : memref<67108864xf32, #tpu.memory_space<hbm>>) target(%dma_start3A_616 : memref<16xf32, #tpu.memory_space<vmem>>) offsets(%add3A_614 : vector<16xi32>) semaphore(%arg12 : memref<!tpu.dma_semaphore, #tpu.memory_space<semaphore_mem>>)
      %get3A_619 = arith.constant 96 : index
      %get3A_620 = tpu.vector_load %arg6[%get3A_619] {strides = array<i32>} : memref<1024xi32, #tpu.memory_space<vmem>>, vector<16xi32>,
      %add3A_621 = vector.broadcast %mul3A_570 : i32 to vector<16xi32>
      %add3A_622 = arith.addi %get3A_620, %add3A_621 : vector<16xi32>
      %dma_start3A_623 = arith.constant 96 : i32
      %dma_start3A_624 = tpu.memref_slice %arg8[%dma_start3A_623] : memref<1024xf32, #tpu.memory_space<vmem>> -> memref<16xf32, #tpu.memory_space<vmem>>
      %dma_start3A_625 = arith.constant 0 : i32
      %dma_start3A_626 = tpu.memref_slice %arg2[%dma_start3A_625] : memref<67108864xf32, #tpu.memory_space<hbm>> -> memref<67108864xf32, #tpu.memory_space<hbm>>
      tpu.enqueue_indirect_dma source(%dma_start3A_626 : memref<67108864xf32, #tpu.memory_space<hbm>>) target(%dma_start3A_624 : memref<16xf32, #tpu.memory_space<vmem>>) offsets(%add3A_622 : vector<16xi32>) semaphore(%arg12 : memref<!tpu.dma_semaphore, #tpu.memory_space<semaphore_mem>>)
      %get3A_627 = arith.constant 112 : index
      %get3A_628 = tpu.vector_load %arg6[%get3A_627] {strides = array<i32>} : memref<1024xi32, #tpu.memory_space<vmem>>, vector<16xi32>,
      %add3A_629 = vector.broadcast %mul3A_570 : i32 to vector<16xi32>
      %add3A_630 = arith.addi %get3A_628, %add3A_629 : vector<16xi32>
      %dma_start3A_631 = arith.constant 112 : i32
      %dma_start3A_632 = tpu.memref_slice %arg8[%dma_start3A_631] : memref<1024xf32, #tpu.memory_space<vmem>> -> memref<16xf32, #tpu.memory_space<vmem>>
      %dma_start3A_633 = arith.constant 0 : i32
      %dma_start3A_634 = tpu.memref_slice %arg2[%dma_start3A_633] : memref<67108864xf32, #tpu.memory_space<hbm>> -> memref<67108864xf32, #tpu.memory_space<hbm>>
      tpu.enqueue_indirect_dma source(%dma_start3A_634 : memref<67108864xf32, #tpu.memory_space<hbm>>) target(%dma_start3A_632 : memref<16xf32, #tpu.memory_space<vmem>>) offsets(%add3A_630 : vector<16xi32>) semaphore(%arg12 : memref<!tpu.dma_semaphore, #tpu.memory_space<semaphore_mem>>)
      %get3A_635 = arith.constant 128 : index
      %get3A_636 = tpu.vector_load %arg6[%get3A_635] {strides = array<i32>} : memref<1024xi32, #tpu.memory_space<vmem>>, vector<16xi32>,
      %add3A_637 = vector.broadcast %mul3A_570 : i32 to vector<16xi32>
      %add3A_638 = arith.addi %get3A_636, %add3A_637 : vector<16xi32>
      %dma_start3A_639 = arith.constant 128 : i32
      %dma_start3A_640 = tpu.memref_slice %arg8[%dma_start3A_639] : memref<1024xf32, #tpu.memory_space<vmem>> -> memref<16xf32, #tpu.memory_space<vmem>>
      %dma_start3A_641 = arith.constant 0 : i32
      %dma_start3A_642 = tpu.memref_slice %arg2[%dma_start3A_641] : memref<67108864xf32, #tpu.memory_space<hbm>> -> memref<67108864xf32, #tpu.memory_space<hbm>>
      tpu.enqueue_indirect_dma source(%dma_start3A_642 : memref<67108864xf32, #tpu.memory_space<hbm>>) target(%dma_start3A_640 : memref<16xf32, #tpu.memory_space<vmem>>) offsets(%add3A_638 : vector<16xi32>) semaphore(%arg12 : memref<!tpu.dma_semaphore, #tpu.memory_space<semaphore_mem>>)
      %get3A_643 = arith.constant 144 : index
      %get3A_644 = tpu.vector_load %arg6[%get3A_643] {strides = array<i32>} : memref<1024xi32, #tpu.memory_space<vmem>>, vector<16xi32>,
      %add3A_645 = vector.broadcast %mul3A_570 : i32 to vector<16xi32>
      %add3A_646 = arith.addi %get3A_644, %add3A_645 : vector<16xi32>
      %dma_start3A_647 = arith.constant 144 : i32
      %dma_start3A_648 = tpu.memref_slice %arg8[%dma_start3A_647] : memref<1024xf32, #tpu.memory_space<vmem>> -> memref<16xf32, #tpu.memory_space<vmem>>
      %dma_start3A_649 = arith.constant 0 : i32
      %dma_start3A_650 = tpu.memref_slice %arg2[%dma_start3A_649] : memref<67108864xf32, #tpu.memory_space<hbm>> -> memref<67108864xf32, #tpu.memory_space<hbm>>
      tpu.enqueue_indirect_dma source(%dma_start3A_650 : memref<67108864xf32, #tpu.memory_space<hbm>>) target(%dma_start3A_648 : memref<16xf32, #tpu.memory_space<vmem>>) offsets(%add3A_646 : vector<16xi32>) semaphore(%arg12 : memref<!tpu.dma_semaphore, #tpu.memory_space<semaphore_mem>>)
      %get3A_651 = arith.constant 160 : index
      %get3A_652 = tpu.vector_load %arg6[%get3A_651] {strides = array<i32>} : memref<1024xi32, #tpu.memory_space<vmem>>, vector<16xi32>,
      %add3A_653 = vector.broadcast %mul3A_570 : i32 to vector<16xi32>
      %add3A_654 = arith.addi %get3A_652, %add3A_653 : vector<16xi32>
      %dma_start3A_655 = arith.constant 160 : i32
      %dma_start3A_656 = tpu.memref_slice %arg8[%dma_start3A_655] : memref<1024xf32, #tpu.memory_space<vmem>> -> memref<16xf32, #tpu.memory_space<vmem>>
      %dma_start3A_657 = arith.constant 0 : i32
      %dma_start3A_658 = tpu.memref_slice %arg2[%dma_start3A_657] : memref<67108864xf32, #tpu.memory_space<hbm>> -> memref<67108864xf32, #tpu.memory_space<hbm>>
      tpu.enqueue_indirect_dma source(%dma_start3A_658 : memref<67108864xf32, #tpu.memory_space<hbm>>) target(%dma_start3A_656 : memref<16xf32, #tpu.memory_space<vmem>>) offsets(%add3A_654 : vector<16xi32>) semaphore(%arg12 : memref<!tpu.dma_semaphore, #tpu.memory_space<semaphore_mem>>)
      %get3A_659 = arith.constant 176 : index
      %get3A_660 = tpu.vector_load %arg6[%get3A_659] {strides = array<i32>} : memref<1024xi32, #tpu.memory_space<vmem>>, vector<16xi32>,
      %add3A_661 = vector.broadcast %mul3A_570 : i32 to vector<16xi32>
      %add3A_662 = arith.addi %get3A_660, %add3A_661 : vector<16xi32>
      %dma_start3A_663 = arith.constant 176 : i32
      %dma_start3A_664 = tpu.memref_slice %arg8[%dma_start3A_663] : memref<1024xf32, #tpu.memory_space<vmem>> -> memref<16xf32, #tpu.memory_space<vmem>>
      %dma_start3A_665 = arith.constant 0 : i32
      %dma_start3A_666 = tpu.memref_slice %arg2[%dma_start3A_665] : memref<67108864xf32, #tpu.memory_space<hbm>> -> memref<67108864xf32, #tpu.memory_space<hbm>>
      tpu.enqueue_indirect_dma source(%dma_start3A_666 : memref<67108864xf32, #tpu.memory_space<hbm>>) target(%dma_start3A_664 : memref<16xf32, #tpu.memory_space<vmem>>) offsets(%add3A_662 : vector<16xi32>) semaphore(%arg12 : memref<!tpu.dma_semaphore, #tpu.memory_space<semaphore_mem>>)
      %get3A_667 = arith.constant 192 : index
      %get3A_668 = tpu.vector_load %arg6[%get3A_667] {strides = array<i32>} : memref<1024xi32, #tpu.memory_space<vmem>>, vector<16xi32>,
      %add3A_669 = vector.broadcast %mul3A_570 : i32 to vector<16xi32>
      %add3A_670 = arith.addi %get3A_668, %add3A_669 : vector<16xi32>
      %dma_start3A_671 = arith.constant 192 : i32
      %dma_start3A_672 = tpu.memref_slice %arg8[%dma_start3A_671] : memref<1024xf32, #tpu.memory_space<vmem>> -> memref<16xf32, #tpu.memory_space<vmem>>
      %dma_start3A_673 = arith.constant 0 : i32
      %dma_start3A_674 = tpu.memref_slice %arg2[%dma_start3A_673] : memref<67108864xf32, #tpu.memory_space<hbm>> -> memref<67108864xf32, #tpu.memory_space<hbm>>
      tpu.enqueue_indirect_dma source(%dma_start3A_674 : memref<67108864xf32, #tpu.memory_space<hbm>>) target(%dma_start3A_672 : memref<16xf32, #tpu.memory_space<vmem>>) offsets(%add3A_670 : vector<16xi32>) semaphore(%arg12 : memref<!tpu.dma_semaphore, #tpu.memory_space<semaphore_mem>>)
      %get3A_675 = arith.constant 208 : index
      %get3A_676 = tpu.vector_load %arg6[%get3A_675] {strides = array<i32>} : memref<1024xi32, #tpu.memory_space<vmem>>, vector<16xi32>,
      %add3A_677 = vector.broadcast %mul3A_570 : i32 to vector<16xi32>
      %add3A_678 = arith.addi %get3A_676, %add3A_677 : vector<16xi32>
      %dma_start3A_679 = arith.constant 208 : i32
      %dma_start3A_680 = tpu.memref_slice %arg8[%dma_start3A_679] : memref<1024xf32, #tpu.memory_space<vmem>> -> memref<16xf32, #tpu.memory_space<vmem>>
      %dma_start3A_681 = arith.constant 0 : i32
      %dma_start3A_682 = tpu.memref_slice %arg2[%dma_start3A_681] : memref<67108864xf32, #tpu.memory_space<hbm>> -> memref<67108864xf32, #tpu.memory_space<hbm>>
      tpu.enqueue_indirect_dma source(%dma_start3A_682 : memref<67108864xf32, #tpu.memory_space<hbm>>) target(%dma_start3A_680 : memref<16xf32, #tpu.memory_space<vmem>>) offsets(%add3A_678 : vector<16xi32>) semaphore(%arg12 : memref<!tpu.dma_semaphore, #tpu.memory_space<semaphore_mem>>)
      %get3A_683 = arith.constant 224 : index
      %get3A_684 = tpu.vector_load %arg6[%get3A_683] {strides = array<i32>} : memref<1024xi32, #tpu.memory_space<vmem>>, vector<16xi32>,
      %add3A_685 = vector.broadcast %mul3A_570 : i32 to vector<16xi32>
      %add3A_686 = arith.addi %get3A_684, %add3A_685 : vector<16xi32>
      %dma_start3A_687 = arith.constant 224 : i32
      %dma_start3A_688 = tpu.memref_slice %arg8[%dma_start3A_687] : memref<1024xf32, #tpu.memory_space<vmem>> -> memref<16xf32, #tpu.memory_space<vmem>>
      %dma_start3A_689 = arith.constant 0 : i32
      %dma_start3A_690 = tpu.memref_slice %arg2[%dma_start3A_689] : memref<67108864xf32, #tpu.memory_space<hbm>> -> memref<67108864xf32, #tpu.memory_space<hbm>>
      tpu.enqueue_indirect_dma source(%dma_start3A_690 : memref<67108864xf32, #tpu.memory_space<hbm>>) target(%dma_start3A_688 : memref<16xf32, #tpu.memory_space<vmem>>) offsets(%add3A_686 : vector<16xi32>) semaphore(%arg12 : memref<!tpu.dma_semaphore, #tpu.memory_space<semaphore_mem>>)
      %get3A_691 = arith.constant 240 : index
      %get3A_692 = tpu.vector_load %arg6[%get3A_691] {strides = array<i32>} : memref<1024xi32, #tpu.memory_space<vmem>>, vector<16xi32>,
      %add3A_693 = vector.broadcast %mul3A_570 : i32 to vector<16xi32>
      %add3A_694 = arith.addi %get3A_692, %add3A_693 : vector<16xi32>
      %dma_start3A_695 = arith.constant 240 : i32
      %dma_start3A_696 = tpu.memref_slice %arg8[%dma_start3A_695] : memref<1024xf32, #tpu.memory_space<vmem>> -> memref<16xf32, #tpu.memory_space<vmem>>
      %dma_start3A_697 = arith.constant 0 : i32
      %dma_start3A_698 = tpu.memref_slice %arg2[%dma_start3A_697] : memref<67108864xf32, #tpu.memory_space<hbm>> -> memref<67108864xf32, #tpu.memory_space<hbm>>
      tpu.enqueue_indirect_dma source(%dma_start3A_698 : memref<67108864xf32, #tpu.memory_space<hbm>>) target(%dma_start3A_696 : memref<16xf32, #tpu.memory_space<vmem>>) offsets(%add3A_694 : vector<16xi32>) semaphore(%arg12 : memref<!tpu.dma_semaphore, #tpu.memory_space<semaphore_mem>>)
      %get3A_699 = arith.constant 256 : index
      %get3A_700 = tpu.vector_load %arg6[%get3A_699] {strides = array<i32>} : memref<1024xi32, #tpu.memory_space<vmem>>, vector<16xi32>,
      %add3A_701 = vector.broadcast %mul3A_570 : i32 to vector<16xi32>
      %add3A_702 = arith.addi %get3A_700, %add3A_701 : vector<16xi32>
      %dma_start3A_703 = arith.constant 256 : i32
      %dma_start3A_704 = tpu.memref_slice %arg8[%dma_start3A_703] : memref<1024xf32, #tpu.memory_space<vmem>> -> memref<16xf32, #tpu.memory_space<vmem>>
      %dma_start3A_705 = arith.constant 0 : i32
      %dma_start3A_706 = tpu.memref_slice %arg2[%dma_start3A_705] : memref<67108864xf32, #tpu.memory_space<hbm>> -> memref<67108864xf32, #tpu.memory_space<hbm>>
      tpu.enqueue_indirect_dma source(%dma_start3A_706 : memref<67108864xf32, #tpu.memory_space<hbm>>) target(%dma_start3A_704 : memref<16xf32, #tpu.memory_space<vmem>>) offsets(%add3A_702 : vector<16xi32>) semaphore(%arg12 : memref<!tpu.dma_semaphore, #tpu.memory_space<semaphore_mem>>)
      %get3A_707 = arith.constant 272 : index
      %get3A_708 = tpu.vector_load %arg6[%get3A_707] {strides = array<i32>} : memref<1024xi32, #tpu.memory_space<vmem>>, vector<16xi32>,
      %add3A_709 = vector.broadcast %mul3A_570 : i32 to vector<16xi32>
      %add3A_710 = arith.addi %get3A_708, %add3A_709 : vector<16xi32>
      %dma_start3A_711 = arith.constant 272 : i32
      %dma_start3A_712 = tpu.memref_slice %arg8[%dma_start3A_711] : memref<1024xf32, #tpu.memory_space<vmem>> -> memref<16xf32, #tpu.memory_space<vmem>>
      %dma_start3A_713 = arith.constant 0 : i32
      %dma_start3A_714 = tpu.memref_slice %arg2[%dma_start3A_713] : memref<67108864xf32, #tpu.memory_space<hbm>> -> memref<67108864xf32, #tpu.memory_space<hbm>>
      tpu.enqueue_indirect_dma source(%dma_start3A_714 : memref<67108864xf32, #tpu.memory_space<hbm>>) target(%dma_start3A_712 : memref<16xf32, #tpu.memory_space<vmem>>) offsets(%add3A_710 : vector<16xi32>) semaphore(%arg12 : memref<!tpu.dma_semaphore, #tpu.memory_space<semaphore_mem>>)
      %get3A_715 = arith.constant 288 : index
      %get3A_716 = tpu.vector_load %arg6[%get3A_715] {strides = array<i32>} : memref<1024xi32, #tpu.memory_space<vmem>>, vector<16xi32>,
      %add3A_717 = vector.broadcast %mul3A_570 : i32 to vector<16xi32>
      %add3A_718 = arith.addi %get3A_716, %add3A_717 : vector<16xi32>
      %dma_start3A_719 = arith.constant 288 : i32
      %dma_start3A_720 = tpu.memref_slice %arg8[%dma_start3A_719] : memref<1024xf32, #tpu.memory_space<vmem>> -> memref<16xf32, #tpu.memory_space<vmem>>
      %dma_start3A_721 = arith.constant 0 : i32
      %dma_start3A_722 = tpu.memref_slice %arg2[%dma_start3A_721] : memref<67108864xf32, #tpu.memory_space<hbm>> -> memref<67108864xf32, #tpu.memory_space<hbm>>
      tpu.enqueue_indirect_dma source(%dma_start3A_722 : memref<67108864xf32, #tpu.memory_space<hbm>>) target(%dma_start3A_720 : memref<16xf32, #tpu.memory_space<vmem>>) offsets(%add3A_718 : vector<16xi32>) semaphore(%arg12 : memref<!tpu.dma_semaphore, #tpu.memory_space<semaphore_mem>>)
      %get3A_723 = arith.constant 304 : index
      %get3A_724 = tpu.vector_load %arg6[%get3A_723] {strides = array<i32>} : memref<1024xi32, #tpu.memory_space<vmem>>, vector<16xi32>,
      %add3A_725 = vector.broadcast %mul3A_570 : i32 to vector<16xi32>
      %add3A_726 = arith.addi %get3A_724, %add3A_725 : vector<16xi32>
      %dma_start3A_727 = arith.constant 304 : i32
      %dma_start3A_728 = tpu.memref_slice %arg8[%dma_start3A_727] : memref<1024xf32, #tpu.memory_space<vmem>> -> memref<16xf32, #tpu.memory_space<vmem>>
      %dma_start3A_729 = arith.constant 0 : i32
      %dma_start3A_730 = tpu.memref_slice %arg2[%dma_start3A_729] : memref<67108864xf32, #tpu.memory_space<hbm>> -> memref<67108864xf32, #tpu.memory_space<hbm>>
      tpu.enqueue_indirect_dma source(%dma_start3A_730 : memref<67108864xf32, #tpu.memory_space<hbm>>) target(%dma_start3A_728 : memref<16xf32, #tpu.memory_space<vmem>>) offsets(%add3A_726 : vector<16xi32>) semaphore(%arg12 : memref<!tpu.dma_semaphore, #tpu.memory_space<semaphore_mem>>)
      %get3A_731 = arith.constant 320 : index
      %get3A_732 = tpu.vector_load %arg6[%get3A_731] {strides = array<i32>} : memref<1024xi32, #tpu.memory_space<vmem>>, vector<16xi32>,
      %add3A_733 = vector.broadcast %mul3A_570 : i32 to vector<16xi32>
      %add3A_734 = arith.addi %get3A_732, %add3A_733 : vector<16xi32>
      %dma_start3A_735 = arith.constant 320 : i32
      %dma_start3A_736 = tpu.memref_slice %arg8[%dma_start3A_735] : memref<1024xf32, #tpu.memory_space<vmem>> -> memref<16xf32, #tpu.memory_space<vmem>>
      %dma_start3A_737 = arith.constant 0 : i32
      %dma_start3A_738 = tpu.memref_slice %arg2[%dma_start3A_737] : memref<67108864xf32, #tpu.memory_space<hbm>> -> memref<67108864xf32, #tpu.memory_space<hbm>>
      tpu.enqueue_indirect_dma source(%dma_start3A_738 : memref<67108864xf32, #tpu.memory_space<hbm>>) target(%dma_start3A_736 : memref<16xf32, #tpu.memory_space<vmem>>) offsets(%add3A_734 : vector<16xi32>) semaphore(%arg12 : memref<!tpu.dma_semaphore, #tpu.memory_space<semaphore_mem>>)
      %get3A_739 = arith.constant 336 : index
      %get3A_740 = tpu.vector_load %arg6[%get3A_739] {strides = array<i32>} : memref<1024xi32, #tpu.memory_space<vmem>>, vector<16xi32>,
      %add3A_741 = vector.broadcast %mul3A_570 : i32 to vector<16xi32>
      %add3A_742 = arith.addi %get3A_740, %add3A_741 : vector<16xi32>
      %dma_start3A_743 = arith.constant 336 : i32
      %dma_start3A_744 = tpu.memref_slice %arg8[%dma_start3A_743] : memref<1024xf32, #tpu.memory_space<vmem>> -> memref<16xf32, #tpu.memory_space<vmem>>
      %dma_start3A_745 = arith.constant 0 : i32
      %dma_start3A_746 = tpu.memref_slice %arg2[%dma_start3A_745] : memref<67108864xf32, #tpu.memory_space<hbm>> -> memref<67108864xf32, #tpu.memory_space<hbm>>
      tpu.enqueue_indirect_dma source(%dma_start3A_746 : memref<67108864xf32, #tpu.memory_space<hbm>>) target(%dma_start3A_744 : memref<16xf32, #tpu.memory_space<vmem>>) offsets(%add3A_742 : vector<16xi32>) semaphore(%arg12 : memref<!tpu.dma_semaphore, #tpu.memory_space<semaphore_mem>>)
      %get3A_747 = arith.constant 352 : index
      %get3A_748 = tpu.vector_load %arg6[%get3A_747] {strides = array<i32>} : memref<1024xi32, #tpu.memory_space<vmem>>, vector<16xi32>,
      %add3A_749 = vector.broadcast %mul3A_570 : i32 to vector<16xi32>
      %add3A_750 = arith.addi %get3A_748, %add3A_749 : vector<16xi32>
      %dma_start3A_751 = arith.constant 352 : i32
      %dma_start3A_752 = tpu.memref_slice %arg8[%dma_start3A_751] : memref<1024xf32, #tpu.memory_space<vmem>> -> memref<16xf32, #tpu.memory_space<vmem>>
      %dma_start3A_753 = arith.constant 0 : i32
      %dma_start3A_754 = tpu.memref_slice %arg2[%dma_start3A_753] : memref<67108864xf32, #tpu.memory_space<hbm>> -> memref<67108864xf32, #tpu.memory_space<hbm>>
      tpu.enqueue_indirect_dma source(%dma_start3A_754 : memref<67108864xf32, #tpu.memory_space<hbm>>) target(%dma_start3A_752 : memref<16xf32, #tpu.memory_space<vmem>>) offsets(%add3A_750 : vector<16xi32>) semaphore(%arg12 : memref<!tpu.dma_semaphore, #tpu.memory_space<semaphore_mem>>)
      %get3A_755 = arith.constant 368 : index
      %get3A_756 = tpu.vector_load %arg6[%get3A_755] {strides = array<i32>} : memref<1024xi32, #tpu.memory_space<vmem>>, vector<16xi32>,
      %add3A_757 = vector.broadcast %mul3A_570 : i32 to vector<16xi32>
      %add3A_758 = arith.addi %get3A_756, %add3A_757 : vector<16xi32>
      %dma_start3A_759 = arith.constant 368 : i32
      %dma_start3A_760 = tpu.memref_slice %arg8[%dma_start3A_759] : memref<1024xf32, #tpu.memory_space<vmem>> -> memref<16xf32, #tpu.memory_space<vmem>>
      %dma_start3A_761 = arith.constant 0 : i32
      %dma_start3A_762 = tpu.memref_slice %arg2[%dma_start3A_761] : memref<67108864xf32, #tpu.memory_space<hbm>> -> memref<67108864xf32, #tpu.memory_space<hbm>>
      tpu.enqueue_indirect_dma source(%dma_start3A_762 : memref<67108864xf32, #tpu.memory_space<hbm>>) target(%dma_start3A_760 : memref<16xf32, #tpu.memory_space<vmem>>) offsets(%add3A_758 : vector<16xi32>) semaphore(%arg12 : memref<!tpu.dma_semaphore, #tpu.memory_space<semaphore_mem>>)
      %get3A_763 = arith.constant 384 : index
      %get3A_764 = tpu.vector_load %arg6[%get3A_763] {strides = array<i32>} : memref<1024xi32, #tpu.memory_space<vmem>>, vector<16xi32>,
      %add3A_765 = vector.broadcast %mul3A_570 : i32 to vector<16xi32>
      %add3A_766 = arith.addi %get3A_764, %add3A_765 : vector<16xi32>
      %dma_start3A_767 = arith.constant 384 : i32
      %dma_start3A_768 = tpu.memref_slice %arg8[%dma_start3A_767] : memref<1024xf32, #tpu.memory_space<vmem>> -> memref<16xf32, #tpu.memory_space<vmem>>
      %dma_start3A_769 = arith.constant 0 : i32
      %dma_start3A_770 = tpu.memref_slice %arg2[%dma_start3A_769] : memref<67108864xf32, #tpu.memory_space<hbm>> -> memref<67108864xf32, #tpu.memory_space<hbm>>
      tpu.enqueue_indirect_dma source(%dma_start3A_770 : memref<67108864xf32, #tpu.memory_space<hbm>>) target(%dma_start3A_768 : memref<16xf32, #tpu.memory_space<vmem>>) offsets(%add3A_766 : vector<16xi32>) semaphore(%arg12 : memref<!tpu.dma_semaphore, #tpu.memory_space<semaphore_mem>>)
      %get3A_771 = arith.constant 400 : index
      %get3A_772 = tpu.vector_load %arg6[%get3A_771] {strides = array<i32>} : memref<1024xi32, #tpu.memory_space<vmem>>, vector<16xi32>,
      %add3A_773 = vector.broadcast %mul3A_570 : i32 to vector<16xi32>
      %add3A_774 = arith.addi %get3A_772, %add3A_773 : vector<16xi32>
      %dma_start3A_775 = arith.constant 400 : i32
      %dma_start3A_776 = tpu.memref_slice %arg8[%dma_start3A_775] : memref<1024xf32, #tpu.memory_space<vmem>> -> memref<16xf32, #tpu.memory_space<vmem>>
      %dma_start3A_777 = arith.constant 0 : i32
      %dma_start3A_778 = tpu.memref_slice %arg2[%dma_start3A_777] : memref<67108864xf32, #tpu.memory_space<hbm>> -> memref<67108864xf32, #tpu.memory_space<hbm>>
      tpu.enqueue_indirect_dma source(%dma_start3A_778 : memref<67108864xf32, #tpu.memory_space<hbm>>) target(%dma_start3A_776 : memref<16xf32, #tpu.memory_space<vmem>>) offsets(%add3A_774 : vector<16xi32>) semaphore(%arg12 : memref<!tpu.dma_semaphore, #tpu.memory_space<semaphore_mem>>)
      %get3A_779 = arith.constant 416 : index
      %get3A_780 = tpu.vector_load %arg6[%get3A_779] {strides = array<i32>} : memref<1024xi32, #tpu.memory_space<vmem>>, vector<16xi32>,
      %add3A_781 = vector.broadcast %mul3A_570 : i32 to vector<16xi32>
      %add3A_782 = arith.addi %get3A_780, %add3A_781 : vector<16xi32>
      %dma_start3A_783 = arith.constant 416 : i32
      %dma_start3A_784 = tpu.memref_slice %arg8[%dma_start3A_783] : memref<1024xf32, #tpu.memory_space<vmem>> -> memref<16xf32, #tpu.memory_space<vmem>>
      %dma_start3A_785 = arith.constant 0 : i32
      %dma_start3A_786 = tpu.memref_slice %arg2[%dma_start3A_785] : memref<67108864xf32, #tpu.memory_space<hbm>> -> memref<67108864xf32, #tpu.memory_space<hbm>>
      tpu.enqueue_indirect_dma source(%dma_start3A_786 : memref<67108864xf32, #tpu.memory_space<hbm>>) target(%dma_start3A_784 : memref<16xf32, #tpu.memory_space<vmem>>) offsets(%add3A_782 : vector<16xi32>) semaphore(%arg12 : memref<!tpu.dma_semaphore, #tpu.memory_space<semaphore_mem>>)
      %get3A_787 = arith.constant 432 : index
      %get3A_788 = tpu.vector_load %arg6[%get3A_787] {strides = array<i32>} : memref<1024xi32, #tpu.memory_space<vmem>>, vector<16xi32>,
      %add3A_789 = vector.broadcast %mul3A_570 : i32 to vector<16xi32>
      %add3A_790 = arith.addi %get3A_788, %add3A_789 : vector<16xi32>
      %dma_start3A_791 = arith.constant 432 : i32
      %dma_start3A_792 = tpu.memref_slice %arg8[%dma_start3A_791] : memref<1024xf32, #tpu.memory_space<vmem>> -> memref<16xf32, #tpu.memory_space<vmem>>
      %dma_start3A_793 = arith.constant 0 : i32
      %dma_start3A_794 = tpu.memref_slice %arg2[%dma_start3A_793] : memref<67108864xf32, #tpu.memory_space<hbm>> -> memref<67108864xf32, #tpu.memory_space<hbm>>
      tpu.enqueue_indirect_dma source(%dma_start3A_794 : memref<67108864xf32, #tpu.memory_space<hbm>>) target(%dma_start3A_792 : memref<16xf32, #tpu.memory_space<vmem>>) offsets(%add3A_790 : vector<16xi32>) semaphore(%arg12 : memref<!tpu.dma_semaphore, #tpu.memory_space<semaphore_mem>>)
      %get3A_795 = arith.constant 448 : index
      %get3A_796 = tpu.vector_load %arg6[%get3A_795] {strides = array<i32>} : memref<1024xi32, #tpu.memory_space<vmem>>, vector<16xi32>,
      %add3A_797 = vector.broadcast %mul3A_570 : i32 to vector<16xi32>
      %add3A_798 = arith.addi %get3A_796, %add3A_797 : vector<16xi32>
      %dma_start3A_799 = arith.constant 448 : i32
      %dma_start3A_800 = tpu.memref_slice %arg8[%dma_start3A_799] : memref<1024xf32, #tpu.memory_space<vmem>> -> memref<16xf32, #tpu.memory_space<vmem>>
      %dma_start3A_801 = arith.constant 0 : i32
      %dma_start3A_802 = tpu.memref_slice %arg2[%dma_start3A_801] : memref<67108864xf32, #tpu.memory_space<hbm>> -> memref<67108864xf32, #tpu.memory_space<hbm>>
      tpu.enqueue_indirect_dma source(%dma_start3A_802 : memref<67108864xf32, #tpu.memory_space<hbm>>) target(%dma_start3A_800 : memref<16xf32, #tpu.memory_space<vmem>>) offsets(%add3A_798 : vector<16xi32>) semaphore(%arg12 : memref<!tpu.dma_semaphore, #tpu.memory_space<semaphore_mem>>)
      %get3A_803 = arith.constant 464 : index
      %get3A_804 = tpu.vector_load %arg6[%get3A_803] {strides = array<i32>} : memref<1024xi32, #tpu.memory_space<vmem>>, vector<16xi32>,
      %add3A_805 = vector.broadcast %mul3A_570 : i32 to vector<16xi32>
      %add3A_806 = arith.addi %get3A_804, %add3A_805 : vector<16xi32>
      %dma_start3A_807 = arith.constant 464 : i32
      %dma_start3A_808 = tpu.memref_slice %arg8[%dma_start3A_807] : memref<1024xf32, #tpu.memory_space<vmem>> -> memref<16xf32, #tpu.memory_space<vmem>>
      %dma_start3A_809 = arith.constant 0 : i32
      %dma_start3A_810 = tpu.memref_slice %arg2[%dma_start3A_809] : memref<67108864xf32, #tpu.memory_space<hbm>> -> memref<67108864xf32, #tpu.memory_space<hbm>>
      tpu.enqueue_indirect_dma source(%dma_start3A_810 : memref<67108864xf32, #tpu.memory_space<hbm>>) target(%dma_start3A_808 : memref<16xf32, #tpu.memory_space<vmem>>) offsets(%add3A_806 : vector<16xi32>) semaphore(%arg12 : memref<!tpu.dma_semaphore, #tpu.memory_space<semaphore_mem>>)
      %get3A_811 = arith.constant 480 : index
      %get3A_812 = tpu.vector_load %arg6[%get3A_811] {strides = array<i32>} : memref<1024xi32, #tpu.memory_space<vmem>>, vector<16xi32>,
      %add3A_813 = vector.broadcast %mul3A_570 : i32 to vector<16xi32>
      %add3A_814 = arith.addi %get3A_812, %add3A_813 : vector<16xi32>
      %dma_start3A_815 = arith.constant 480 : i32
      %dma_start3A_816 = tpu.memref_slice %arg8[%dma_start3A_815] : memref<1024xf32, #tpu.memory_space<vmem>> -> memref<16xf32, #tpu.memory_space<vmem>>
      %dma_start3A_817 = arith.constant 0 : i32
      %dma_start3A_818 = tpu.memref_slice %arg2[%dma_start3A_817] : memref<67108864xf32, #tpu.memory_space<hbm>> -> memref<67108864xf32, #tpu.memory_space<hbm>>
      tpu.enqueue_indirect_dma source(%dma_start3A_818 : memref<67108864xf32, #tpu.memory_space<hbm>>) target(%dma_start3A_816 : memref<16xf32, #tpu.memory_space<vmem>>) offsets(%add3A_814 : vector<16xi32>) semaphore(%arg12 : memref<!tpu.dma_semaphore, #tpu.memory_space<semaphore_mem>>)
      %get3A_819 = arith.constant 496 : index
      %get3A_820 = tpu.vector_load %arg6[%get3A_819] {strides = array<i32>} : memref<1024xi32, #tpu.memory_space<vmem>>, vector<16xi32>,
      %add3A_821 = vector.broadcast %mul3A_570 : i32 to vector<16xi32>
      %add3A_822 = arith.addi %get3A_820, %add3A_821 : vector<16xi32>
      %dma_start3A_823 = arith.constant 496 : i32
      %dma_start3A_824 = tpu.memref_slice %arg8[%dma_start3A_823] : memref<1024xf32, #tpu.memory_space<vmem>> -> memref<16xf32, #tpu.memory_space<vmem>>
      %dma_start3A_825 = arith.constant 0 : i32
      %dma_start3A_826 = tpu.memref_slice %arg2[%dma_start3A_825] : memref<67108864xf32, #tpu.memory_space<hbm>> -> memref<67108864xf32, #tpu.memory_space<hbm>>
      tpu.enqueue_indirect_dma source(%dma_start3A_826 : memref<67108864xf32, #tpu.memory_space<hbm>>) target(%dma_start3A_824 : memref<16xf32, #tpu.memory_space<vmem>>) offsets(%add3A_822 : vector<16xi32>) semaphore(%arg12 : memref<!tpu.dma_semaphore, #tpu.memory_space<semaphore_mem>>)
      %get3A_827 = arith.constant 512 : index
      %get3A_828 = tpu.vector_load %arg6[%get3A_827] {strides = array<i32>} : memref<1024xi32, #tpu.memory_space<vmem>>, vector<16xi32>,
      %add3A_829 = vector.broadcast %mul3A_570 : i32 to vector<16xi32>
      %add3A_830 = arith.addi %get3A_828, %add3A_829 : vector<16xi32>
      %dma_start3A_831 = arith.constant 512 : i32
      %dma_start3A_832 = tpu.memref_slice %arg8[%dma_start3A_831] : memref<1024xf32, #tpu.memory_space<vmem>> -> memref<16xf32, #tpu.memory_space<vmem>>
      %dma_start3A_833 = arith.constant 0 : i32
      %dma_start3A_834 = tpu.memref_slice %arg2[%dma_start3A_833] : memref<67108864xf32, #tpu.memory_space<hbm>> -> memref<67108864xf32, #tpu.memory_space<hbm>>
      tpu.enqueue_indirect_dma source(%dma_start3A_834 : memref<67108864xf32, #tpu.memory_space<hbm>>) target(%dma_start3A_832 : memref<16xf32, #tpu.memory_space<vmem>>) offsets(%add3A_830 : vector<16xi32>) semaphore(%arg12 : memref<!tpu.dma_semaphore, #tpu.memory_space<semaphore_mem>>)
      %get3A_835 = arith.constant 528 : index
      %get3A_836 = tpu.vector_load %arg6[%get3A_835] {strides = array<i32>} : memref<1024xi32, #tpu.memory_space<vmem>>, vector<16xi32>,
      %add3A_837 = vector.broadcast %mul3A_570 : i32 to vector<16xi32>
      %add3A_838 = arith.addi %get3A_836, %add3A_837 : vector<16xi32>
      %dma_start3A_839 = arith.constant 528 : i32
      %dma_start3A_840 = tpu.memref_slice %arg8[%dma_start3A_839] : memref<1024xf32, #tpu.memory_space<vmem>> -> memref<16xf32, #tpu.memory_space<vmem>>
      %dma_start3A_841 = arith.constant 0 : i32
      %dma_start3A_842 = tpu.memref_slice %arg2[%dma_start3A_841] : memref<67108864xf32, #tpu.memory_space<hbm>> -> memref<67108864xf32, #tpu.memory_space<hbm>>
      tpu.enqueue_indirect_dma source(%dma_start3A_842 : memref<67108864xf32, #tpu.memory_space<hbm>>) target(%dma_start3A_840 : memref<16xf32, #tpu.memory_space<vmem>>) offsets(%add3A_838 : vector<16xi32>) semaphore(%arg12 : memref<!tpu.dma_semaphore, #tpu.memory_space<semaphore_mem>>)
      %get3A_843 = arith.constant 544 : index
      %get3A_844 = tpu.vector_load %arg6[%get3A_843] {strides = array<i32>} : memref<1024xi32, #tpu.memory_space<vmem>>, vector<16xi32>,
      %add3A_845 = vector.broadcast %mul3A_570 : i32 to vector<16xi32>
      %add3A_846 = arith.addi %get3A_844, %add3A_845 : vector<16xi32>
      %dma_start3A_847 = arith.constant 544 : i32
      %dma_start3A_848 = tpu.memref_slice %arg8[%dma_start3A_847] : memref<1024xf32, #tpu.memory_space<vmem>> -> memref<16xf32, #tpu.memory_space<vmem>>
      %dma_start3A_849 = arith.constant 0 : i32
      %dma_start3A_850 = tpu.memref_slice %arg2[%dma_start3A_849] : memref<67108864xf32, #tpu.memory_space<hbm>> -> memref<67108864xf32, #tpu.memory_space<hbm>>
      tpu.enqueue_indirect_dma source(%dma_start3A_850 : memref<67108864xf32, #tpu.memory_space<hbm>>) target(%dma_start3A_848 : memref<16xf32, #tpu.memory_space<vmem>>) offsets(%add3A_846 : vector<16xi32>) semaphore(%arg12 : memref<!tpu.dma_semaphore, #tpu.memory_space<semaphore_mem>>)
      %get3A_851 = arith.constant 560 : index
      %get3A_852 = tpu.vector_load %arg6[%get3A_851] {strides = array<i32>} : memref<1024xi32, #tpu.memory_space<vmem>>, vector<16xi32>,
      %add3A_853 = vector.broadcast %mul3A_570 : i32 to vector<16xi32>
      %add3A_854 = arith.addi %get3A_852, %add3A_853 : vector<16xi32>
      %dma_start3A_855 = arith.constant 560 : i32
      %dma_start3A_856 = tpu.memref_slice %arg8[%dma_start3A_855] : memref<1024xf32, #tpu.memory_space<vmem>> -> memref<16xf32, #tpu.memory_space<vmem>>
      %dma_start3A_857 = arith.constant 0 : i32
      %dma_start3A_858 = tpu.memref_slice %arg2[%dma_start3A_857] : memref<67108864xf32, #tpu.memory_space<hbm>> -> memref<67108864xf32, #tpu.memory_space<hbm>>
      tpu.enqueue_indirect_dma source(%dma_start3A_858 : memref<67108864xf32, #tpu.memory_space<hbm>>) target(%dma_start3A_856 : memref<16xf32, #tpu.memory_space<vmem>>) offsets(%add3A_854 : vector<16xi32>) semaphore(%arg12 : memref<!tpu.dma_semaphore, #tpu.memory_space<semaphore_mem>>)
      %get3A_859 = arith.constant 576 : index
      %get3A_860 = tpu.vector_load %arg6[%get3A_859] {strides = array<i32>} : memref<1024xi32, #tpu.memory_space<vmem>>, vector<16xi32>,
      %add3A_861 = vector.broadcast %mul3A_570 : i32 to vector<16xi32>
      %add3A_862 = arith.addi %get3A_860, %add3A_861 : vector<16xi32>
      %dma_start3A_863 = arith.constant 576 : i32
      %dma_start3A_864 = tpu.memref_slice %arg8[%dma_start3A_863] : memref<1024xf32, #tpu.memory_space<vmem>> -> memref<16xf32, #tpu.memory_space<vmem>>
      %dma_start3A_865 = arith.constant 0 : i32
      %dma_start3A_866 = tpu.memref_slice %arg2[%dma_start3A_865] : memref<67108864xf32, #tpu.memory_space<hbm>> -> memref<67108864xf32, #tpu.memory_space<hbm>>
      tpu.enqueue_indirect_dma source(%dma_start3A_866 : memref<67108864xf32, #tpu.memory_space<hbm>>) target(%dma_start3A_864 : memref<16xf32, #tpu.memory_space<vmem>>) offsets(%add3A_862 : vector<16xi32>) semaphore(%arg12 : memref<!tpu.dma_semaphore, #tpu.memory_space<semaphore_mem>>)
      %get3A_867 = arith.constant 592 : index
      %get3A_868 = tpu.vector_load %arg6[%get3A_867] {strides = array<i32>} : memref<1024xi32, #tpu.memory_space<vmem>>, vector<16xi32>,
      %add3A_869 = vector.broadcast %mul3A_570 : i32 to vector<16xi32>
      %add3A_870 = arith.addi %get3A_868, %add3A_869 : vector<16xi32>
      %dma_start3A_871 = arith.constant 592 : i32
      %dma_start3A_872 = tpu.memref_slice %arg8[%dma_start3A_871] : memref<1024xf32, #tpu.memory_space<vmem>> -> memref<16xf32, #tpu.memory_space<vmem>>
      %dma_start3A_873 = arith.constant 0 : i32
      %dma_start3A_874 = tpu.memref_slice %arg2[%dma_start3A_873] : memref<67108864xf32, #tpu.memory_space<hbm>> -> memref<67108864xf32, #tpu.memory_space<hbm>>
      tpu.enqueue_indirect_dma source(%dma_start3A_874 : memref<67108864xf32, #tpu.memory_space<hbm>>) target(%dma_start3A_872 : memref<16xf32, #tpu.memory_space<vmem>>) offsets(%add3A_870 : vector<16xi32>) semaphore(%arg12 : memref<!tpu.dma_semaphore, #tpu.memory_space<semaphore_mem>>)
      %get3A_875 = arith.constant 608 : index
      %get3A_876 = tpu.vector_load %arg6[%get3A_875] {strides = array<i32>} : memref<1024xi32, #tpu.memory_space<vmem>>, vector<16xi32>,
      %add3A_877 = vector.broadcast %mul3A_570 : i32 to vector<16xi32>
      %add3A_878 = arith.addi %get3A_876, %add3A_877 : vector<16xi32>
      %dma_start3A_879 = arith.constant 608 : i32
      %dma_start3A_880 = tpu.memref_slice %arg8[%dma_start3A_879] : memref<1024xf32, #tpu.memory_space<vmem>> -> memref<16xf32, #tpu.memory_space<vmem>>
      %dma_start3A_881 = arith.constant 0 : i32
      %dma_start3A_882 = tpu.memref_slice %arg2[%dma_start3A_881] : memref<67108864xf32, #tpu.memory_space<hbm>> -> memref<67108864xf32, #tpu.memory_space<hbm>>
      tpu.enqueue_indirect_dma source(%dma_start3A_882 : memref<67108864xf32, #tpu.memory_space<hbm>>) target(%dma_start3A_880 : memref<16xf32, #tpu.memory_space<vmem>>) offsets(%add3A_878 : vector<16xi32>) semaphore(%arg12 : memref<!tpu.dma_semaphore, #tpu.memory_space<semaphore_mem>>)
      %get3A_883 = arith.constant 624 : index
      %get3A_884 = tpu.vector_load %arg6[%get3A_883] {strides = array<i32>} : memref<1024xi32, #tpu.memory_space<vmem>>, vector<16xi32>,
      %add3A_885 = vector.broadcast %mul3A_570 : i32 to vector<16xi32>
      %add3A_886 = arith.addi %get3A_884, %add3A_885 : vector<16xi32>
      %dma_start3A_887 = arith.constant 624 : i32
      %dma_start3A_888 = tpu.memref_slice %arg8[%dma_start3A_887] : memref<1024xf32, #tpu.memory_space<vmem>> -> memref<16xf32, #tpu.memory_space<vmem>>
      %dma_start3A_889 = arith.constant 0 : i32
      %dma_start3A_890 = tpu.memref_slice %arg2[%dma_start3A_889] : memref<67108864xf32, #tpu.memory_space<hbm>> -> memref<67108864xf32, #tpu.memory_space<hbm>>
      tpu.enqueue_indirect_dma source(%dma_start3A_890 : memref<67108864xf32, #tpu.memory_space<hbm>>) target(%dma_start3A_888 : memref<16xf32, #tpu.memory_space<vmem>>) offsets(%add3A_886 : vector<16xi32>) semaphore(%arg12 : memref<!tpu.dma_semaphore, #tpu.memory_space<semaphore_mem>>)
      %get3A_891 = arith.constant 640 : index
      %get3A_892 = tpu.vector_load %arg6[%get3A_891] {strides = array<i32>} : memref<1024xi32, #tpu.memory_space<vmem>>, vector<16xi32>,
      %add3A_893 = vector.broadcast %mul3A_570 : i32 to vector<16xi32>
      %add3A_894 = arith.addi %get3A_892, %add3A_893 : vector<16xi32>
      %dma_start3A_895 = arith.constant 640 : i32
      %dma_start3A_896 = tpu.memref_slice %arg8[%dma_start3A_895] : memref<1024xf32, #tpu.memory_space<vmem>> -> memref<16xf32, #tpu.memory_space<vmem>>
      %dma_start3A_897 = arith.constant 0 : i32
      %dma_start3A_898 = tpu.memref_slice %arg2[%dma_start3A_897] : memref<67108864xf32, #tpu.memory_space<hbm>> -> memref<67108864xf32, #tpu.memory_space<hbm>>
      tpu.enqueue_indirect_dma source(%dma_start3A_898 : memref<67108864xf32, #tpu.memory_space<hbm>>) target(%dma_start3A_896 : memref<16xf32, #tpu.memory_space<vmem>>) offsets(%add3A_894 : vector<16xi32>) semaphore(%arg12 : memref<!tpu.dma_semaphore, #tpu.memory_space<semaphore_mem>>)
      %get3A_899 = arith.constant 656 : index
      %get3A_900 = tpu.vector_load %arg6[%get3A_899] {strides = array<i32>} : memref<1024xi32, #tpu.memory_space<vmem>>, vector<16xi32>,
      %add3A_901 = vector.broadcast %mul3A_570 : i32 to vector<16xi32>
      %add3A_902 = arith.addi %get3A_900, %add3A_901 : vector<16xi32>
      %dma_start3A_903 = arith.constant 656 : i32
      %dma_start3A_904 = tpu.memref_slice %arg8[%dma_start3A_903] : memref<1024xf32, #tpu.memory_space<vmem>> -> memref<16xf32, #tpu.memory_space<vmem>>
      %dma_start3A_905 = arith.constant 0 : i32
      %dma_start3A_906 = tpu.memref_slice %arg2[%dma_start3A_905] : memref<67108864xf32, #tpu.memory_space<hbm>> -> memref<67108864xf32, #tpu.memory_space<hbm>>
      tpu.enqueue_indirect_dma source(%dma_start3A_906 : memref<67108864xf32, #tpu.memory_space<hbm>>) target(%dma_start3A_904 : memref<16xf32, #tpu.memory_space<vmem>>) offsets(%add3A_902 : vector<16xi32>) semaphore(%arg12 : memref<!tpu.dma_semaphore, #tpu.memory_space<semaphore_mem>>)
      %get3A_907 = arith.constant 672 : index
      %get3A_908 = tpu.vector_load %arg6[%get3A_907] {strides = array<i32>} : memref<1024xi32, #tpu.memory_space<vmem>>, vector<16xi32>,
      %add3A_909 = vector.broadcast %mul3A_570 : i32 to vector<16xi32>
      %add3A_910 = arith.addi %get3A_908, %add3A_909 : vector<16xi32>
      %dma_start3A_911 = arith.constant 672 : i32
      %dma_start3A_912 = tpu.memref_slice %arg8[%dma_start3A_911] : memref<1024xf32, #tpu.memory_space<vmem>> -> memref<16xf32, #tpu.memory_space<vmem>>
      %dma_start3A_913 = arith.constant 0 : i32
      %dma_start3A_914 = tpu.memref_slice %arg2[%dma_start3A_913] : memref<67108864xf32, #tpu.memory_space<hbm>> -> memref<67108864xf32, #tpu.memory_space<hbm>>
      tpu.enqueue_indirect_dma source(%dma_start3A_914 : memref<67108864xf32, #tpu.memory_space<hbm>>) target(%dma_start3A_912 : memref<16xf32, #tpu.memory_space<vmem>>) offsets(%add3A_910 : vector<16xi32>) semaphore(%arg12 : memref<!tpu.dma_semaphore, #tpu.memory_space<semaphore_mem>>)
      %get3A_915 = arith.constant 688 : index
      %get3A_916 = tpu.vector_load %arg6[%get3A_915] {strides = array<i32>} : memref<1024xi32, #tpu.memory_space<vmem>>, vector<16xi32>,
      %add3A_917 = vector.broadcast %mul3A_570 : i32 to vector<16xi32>
      %add3A_918 = arith.addi %get3A_916, %add3A_917 : vector<16xi32>
      %dma_start3A_919 = arith.constant 688 : i32
      %dma_start3A_920 = tpu.memref_slice %arg8[%dma_start3A_919] : memref<1024xf32, #tpu.memory_space<vmem>> -> memref<16xf32, #tpu.memory_space<vmem>>
      %dma_start3A_921 = arith.constant 0 : i32
      %dma_start3A_922 = tpu.memref_slice %arg2[%dma_start3A_921] : memref<67108864xf32, #tpu.memory_space<hbm>> -> memref<67108864xf32, #tpu.memory_space<hbm>>
      tpu.enqueue_indirect_dma source(%dma_start3A_922 : memref<67108864xf32, #tpu.memory_space<hbm>>) target(%dma_start3A_920 : memref<16xf32, #tpu.memory_space<vmem>>) offsets(%add3A_918 : vector<16xi32>) semaphore(%arg12 : memref<!tpu.dma_semaphore, #tpu.memory_space<semaphore_mem>>)
      %get3A_923 = arith.constant 704 : index
      %get3A_924 = tpu.vector_load %arg6[%get3A_923] {strides = array<i32>} : memref<1024xi32, #tpu.memory_space<vmem>>, vector<16xi32>,
      %add3A_925 = vector.broadcast %mul3A_570 : i32 to vector<16xi32>
      %add3A_926 = arith.addi %get3A_924, %add3A_925 : vector<16xi32>
      %dma_start3A_927 = arith.constant 704 : i32
      %dma_start3A_928 = tpu.memref_slice %arg8[%dma_start3A_927] : memref<1024xf32, #tpu.memory_space<vmem>> -> memref<16xf32, #tpu.memory_space<vmem>>
      %dma_start3A_929 = arith.constant 0 : i32
      %dma_start3A_930 = tpu.memref_slice %arg2[%dma_start3A_929] : memref<67108864xf32, #tpu.memory_space<hbm>> -> memref<67108864xf32, #tpu.memory_space<hbm>>
      tpu.enqueue_indirect_dma source(%dma_start3A_930 : memref<67108864xf32, #tpu.memory_space<hbm>>) target(%dma_start3A_928 : memref<16xf32, #tpu.memory_space<vmem>>) offsets(%add3A_926 : vector<16xi32>) semaphore(%arg12 : memref<!tpu.dma_semaphore, #tpu.memory_space<semaphore_mem>>)
      %get3A_931 = arith.constant 720 : index
      %get3A_932 = tpu.vector_load %arg6[%get3A_931] {strides = array<i32>} : memref<1024xi32, #tpu.memory_space<vmem>>, vector<16xi32>,
      %add3A_933 = vector.broadcast %mul3A_570 : i32 to vector<16xi32>
      %add3A_934 = arith.addi %get3A_932, %add3A_933 : vector<16xi32>
      %dma_start3A_935 = arith.constant 720 : i32
      %dma_start3A_936 = tpu.memref_slice %arg8[%dma_start3A_935] : memref<1024xf32, #tpu.memory_space<vmem>> -> memref<16xf32, #tpu.memory_space<vmem>>
      %dma_start3A_937 = arith.constant 0 : i32
      %dma_start3A_938 = tpu.memref_slice %arg2[%dma_start3A_937] : memref<67108864xf32, #tpu.memory_space<hbm>> -> memref<67108864xf32, #tpu.memory_space<hbm>>
      tpu.enqueue_indirect_dma source(%dma_start3A_938 : memref<67108864xf32, #tpu.memory_space<hbm>>) target(%dma_start3A_936 : memref<16xf32, #tpu.memory_space<vmem>>) offsets(%add3A_934 : vector<16xi32>) semaphore(%arg12 : memref<!tpu.dma_semaphore, #tpu.memory_space<semaphore_mem>>)
      %get3A_939 = arith.constant 736 : index
      %get3A_940 = tpu.vector_load %arg6[%get3A_939] {strides = array<i32>} : memref<1024xi32, #tpu.memory_space<vmem>>, vector<16xi32>,
      %add3A_941 = vector.broadcast %mul3A_570 : i32 to vector<16xi32>
      %add3A_942 = arith.addi %get3A_940, %add3A_941 : vector<16xi32>
      %dma_start3A_943 = arith.constant 736 : i32
      %dma_start3A_944 = tpu.memref_slice %arg8[%dma_start3A_943] : memref<1024xf32, #tpu.memory_space<vmem>> -> memref<16xf32, #tpu.memory_space<vmem>>
      %dma_start3A_945 = arith.constant 0 : i32
      %dma_start3A_946 = tpu.memref_slice %arg2[%dma_start3A_945] : memref<67108864xf32, #tpu.memory_space<hbm>> -> memref<67108864xf32, #tpu.memory_space<hbm>>
      tpu.enqueue_indirect_dma source(%dma_start3A_946 : memref<67108864xf32, #tpu.memory_space<hbm>>) target(%dma_start3A_944 : memref<16xf32, #tpu.memory_space<vmem>>) offsets(%add3A_942 : vector<16xi32>) semaphore(%arg12 : memref<!tpu.dma_semaphore, #tpu.memory_space<semaphore_mem>>)
      %get3A_947 = arith.constant 752 : index
      %get3A_948 = tpu.vector_load %arg6[%get3A_947] {strides = array<i32>} : memref<1024xi32, #tpu.memory_space<vmem>>, vector<16xi32>,
      %add3A_949 = vector.broadcast %mul3A_570 : i32 to vector<16xi32>
      %add3A_950 = arith.addi %get3A_948, %add3A_949 : vector<16xi32>
      %dma_start3A_951 = arith.constant 752 : i32
      %dma_start3A_952 = tpu.memref_slice %arg8[%dma_start3A_951] : memref<1024xf32, #tpu.memory_space<vmem>> -> memref<16xf32, #tpu.memory_space<vmem>>
      %dma_start3A_953 = arith.constant 0 : i32
      %dma_start3A_954 = tpu.memref_slice %arg2[%dma_start3A_953] : memref<67108864xf32, #tpu.memory_space<hbm>> -> memref<67108864xf32, #tpu.memory_space<hbm>>
      tpu.enqueue_indirect_dma source(%dma_start3A_954 : memref<67108864xf32, #tpu.memory_space<hbm>>) target(%dma_start3A_952 : memref<16xf32, #tpu.memory_space<vmem>>) offsets(%add3A_950 : vector<16xi32>) semaphore(%arg12 : memref<!tpu.dma_semaphore, #tpu.memory_space<semaphore_mem>>)
      %get3A_955 = arith.constant 768 : index
      %get3A_956 = tpu.vector_load %arg6[%get3A_955] {strides = array<i32>} : memref<1024xi32, #tpu.memory_space<vmem>>, vector<16xi32>,
      %add3A_957 = vector.broadcast %mul3A_570 : i32 to vector<16xi32>
      %add3A_958 = arith.addi %get3A_956, %add3A_957 : vector<16xi32>
      %dma_start3A_959 = arith.constant 768 : i32
      %dma_start3A_960 = tpu.memref_slice %arg8[%dma_start3A_959] : memref<1024xf32, #tpu.memory_space<vmem>> -> memref<16xf32, #tpu.memory_space<vmem>>
      %dma_start3A_961 = arith.constant 0 : i32
      %dma_start3A_962 = tpu.memref_slice %arg2[%dma_start3A_961] : memref<67108864xf32, #tpu.memory_space<hbm>> -> memref<67108864xf32, #tpu.memory_space<hbm>>
      tpu.enqueue_indirect_dma source(%dma_start3A_962 : memref<67108864xf32, #tpu.memory_space<hbm>>) target(%dma_start3A_960 : memref<16xf32, #tpu.memory_space<vmem>>) offsets(%add3A_958 : vector<16xi32>) semaphore(%arg12 : memref<!tpu.dma_semaphore, #tpu.memory_space<semaphore_mem>>)
      %get3A_963 = arith.constant 784 : index
      %get3A_964 = tpu.vector_load %arg6[%get3A_963] {strides = array<i32>} : memref<1024xi32, #tpu.memory_space<vmem>>, vector<16xi32>,
      %add3A_965 = vector.broadcast %mul3A_570 : i32 to vector<16xi32>
      %add3A_966 = arith.addi %get3A_964, %add3A_965 : vector<16xi32>
      %dma_start3A_967 = arith.constant 784 : i32
      %dma_start3A_968 = tpu.memref_slice %arg8[%dma_start3A_967] : memref<1024xf32, #tpu.memory_space<vmem>> -> memref<16xf32, #tpu.memory_space<vmem>>
      %dma_start3A_969 = arith.constant 0 : i32
      %dma_start3A_970 = tpu.memref_slice %arg2[%dma_start3A_969] : memref<67108864xf32, #tpu.memory_space<hbm>> -> memref<67108864xf32, #tpu.memory_space<hbm>>
      tpu.enqueue_indirect_dma source(%dma_start3A_970 : memref<67108864xf32, #tpu.memory_space<hbm>>) target(%dma_start3A_968 : memref<16xf32, #tpu.memory_space<vmem>>) offsets(%add3A_966 : vector<16xi32>) semaphore(%arg12 : memref<!tpu.dma_semaphore, #tpu.memory_space<semaphore_mem>>)
      %get3A_971 = arith.constant 800 : index
      %get3A_972 = tpu.vector_load %arg6[%get3A_971] {strides = array<i32>} : memref<1024xi32, #tpu.memory_space<vmem>>, vector<16xi32>,
      %add3A_973 = vector.broadcast %mul3A_570 : i32 to vector<16xi32>
      %add3A_974 = arith.addi %get3A_972, %add3A_973 : vector<16xi32>
      %dma_start3A_975 = arith.constant 800 : i32
      %dma_start3A_976 = tpu.memref_slice %arg8[%dma_start3A_975] : memref<1024xf32, #tpu.memory_space<vmem>> -> memref<16xf32, #tpu.memory_space<vmem>>
      %dma_start3A_977 = arith.constant 0 : i32
      %dma_start3A_978 = tpu.memref_slice %arg2[%dma_start3A_977] : memref<67108864xf32, #tpu.memory_space<hbm>> -> memref<67108864xf32, #tpu.memory_space<hbm>>
      tpu.enqueue_indirect_dma source(%dma_start3A_978 : memref<67108864xf32, #tpu.memory_space<hbm>>) target(%dma_start3A_976 : memref<16xf32, #tpu.memory_space<vmem>>) offsets(%add3A_974 : vector<16xi32>) semaphore(%arg12 : memref<!tpu.dma_semaphore, #tpu.memory_space<semaphore_mem>>)
      %get3A_979 = arith.constant 816 : index
      %get3A_980 = tpu.vector_load %arg6[%get3A_979] {strides = array<i32>} : memref<1024xi32, #tpu.memory_space<vmem>>, vector<16xi32>,
      %add3A_981 = vector.broadcast %mul3A_570 : i32 to vector<16xi32>
      %add3A_982 = arith.addi %get3A_980, %add3A_981 : vector<16xi32>
      %dma_start3A_983 = arith.constant 816 : i32
      %dma_start3A_984 = tpu.memref_slice %arg8[%dma_start3A_983] : memref<1024xf32, #tpu.memory_space<vmem>> -> memref<16xf32, #tpu.memory_space<vmem>>
      %dma_start3A_985 = arith.constant 0 : i32
      %dma_start3A_986 = tpu.memref_slice %arg2[%dma_start3A_985] : memref<67108864xf32, #tpu.memory_space<hbm>> -> memref<67108864xf32, #tpu.memory_space<hbm>>
      tpu.enqueue_indirect_dma source(%dma_start3A_986 : memref<67108864xf32, #tpu.memory_space<hbm>>) target(%dma_start3A_984 : memref<16xf32, #tpu.memory_space<vmem>>) offsets(%add3A_982 : vector<16xi32>) semaphore(%arg12 : memref<!tpu.dma_semaphore, #tpu.memory_space<semaphore_mem>>)
      %get3A_987 = arith.constant 832 : index
      %get3A_988 = tpu.vector_load %arg6[%get3A_987] {strides = array<i32>} : memref<1024xi32, #tpu.memory_space<vmem>>, vector<16xi32>,
      %add3A_989 = vector.broadcast %mul3A_570 : i32 to vector<16xi32>
      %add3A_990 = arith.addi %get3A_988, %add3A_989 : vector<16xi32>
      %dma_start3A_991 = arith.constant 832 : i32
      %dma_start3A_992 = tpu.memref_slice %arg8[%dma_start3A_991] : memref<1024xf32, #tpu.memory_space<vmem>> -> memref<16xf32, #tpu.memory_space<vmem>>
      %dma_start3A_993 = arith.constant 0 : i32
      %dma_start3A_994 = tpu.memref_slice %arg2[%dma_start3A_993] : memref<67108864xf32, #tpu.memory_space<hbm>> -> memref<67108864xf32, #tpu.memory_space<hbm>>
      tpu.enqueue_indirect_dma source(%dma_start3A_994 : memref<67108864xf32, #tpu.memory_space<hbm>>) target(%dma_start3A_992 : memref<16xf32, #tpu.memory_space<vmem>>) offsets(%add3A_990 : vector<16xi32>) semaphore(%arg12 : memref<!tpu.dma_semaphore, #tpu.memory_space<semaphore_mem>>)
      %get3A_995 = arith.constant 848 : index
      %get3A_996 = tpu.vector_load %arg6[%get3A_995] {strides = array<i32>} : memref<1024xi32, #tpu.memory_space<vmem>>, vector<16xi32>,
      %add3A_997 = vector.broadcast %mul3A_570 : i32 to vector<16xi32>
      %add3A_998 = arith.addi %get3A_996, %add3A_997 : vector<16xi32>
      %dma_start3A_999 = arith.constant 848 : i32
      %dma_start3A_1000 = tpu.memref_slice %arg8[%dma_start3A_999] : memref<1024xf32, #tpu.memory_space<vmem>> -> memref<16xf32, #tpu.memory_space<vmem>>
      %dma_start3A_1001 = arith.constant 0 : i32
      %dma_start3A_1002 = tpu.memref_slice %arg2[%dma_start3A_1001] : memref<67108864xf32, #tpu.memory_space<hbm>> -> memref<67108864xf32, #tpu.memory_space<hbm>>
      tpu.enqueue_indirect_dma source(%dma_start3A_1002 : memref<67108864xf32, #tpu.memory_space<hbm>>) target(%dma_start3A_1000 : memref<16xf32, #tpu.memory_space<vmem>>) offsets(%add3A_998 : vector<16xi32>) semaphore(%arg12 : memref<!tpu.dma_semaphore, #tpu.memory_space<semaphore_mem>>)
      %get3A_1003 = arith.constant 864 : index
      %get3A_1004 = tpu.vector_load %arg6[%get3A_1003] {strides = array<i32>} : memref<1024xi32, #tpu.memory_space<vmem>>, vector<16xi32>,
      %add3A_1005 = vector.broadcast %mul3A_570 : i32 to vector<16xi32>
      %add3A_1006 = arith.addi %get3A_1004, %add3A_1005 : vector<16xi32>
      %dma_start3A_1007 = arith.constant 864 : i32
      %dma_start3A_1008 = tpu.memref_slice %arg8[%dma_start3A_1007] : memref<1024xf32, #tpu.memory_space<vmem>> -> memref<16xf32, #tpu.memory_space<vmem>>
      %dma_start3A_1009 = arith.constant 0 : i32
      %dma_start3A_1010 = tpu.memref_slice %arg2[%dma_start3A_1009] : memref<67108864xf32, #tpu.memory_space<hbm>> -> memref<67108864xf32, #tpu.memory_space<hbm>>
      tpu.enqueue_indirect_dma source(%dma_start3A_1010 : memref<67108864xf32, #tpu.memory_space<hbm>>) target(%dma_start3A_1008 : memref<16xf32, #tpu.memory_space<vmem>>) offsets(%add3A_1006 : vector<16xi32>) semaphore(%arg12 : memref<!tpu.dma_semaphore, #tpu.memory_space<semaphore_mem>>)
      %get3A_1011 = arith.constant 880 : index
      %get3A_1012 = tpu.vector_load %arg6[%get3A_1011] {strides = array<i32>} : memref<1024xi32, #tpu.memory_space<vmem>>, vector<16xi32>,
      %add3A_1013 = vector.broadcast %mul3A_570 : i32 to vector<16xi32>
      %add3A_1014 = arith.addi %get3A_1012, %add3A_1013 : vector<16xi32>
      %dma_start3A_1015 = arith.constant 880 : i32
      %dma_start3A_1016 = tpu.memref_slice %arg8[%dma_start3A_1015] : memref<1024xf32, #tpu.memory_space<vmem>> -> memref<16xf32, #tpu.memory_space<vmem>>
      %dma_start3A_1017 = arith.constant 0 : i32
      %dma_start3A_1018 = tpu.memref_slice %arg2[%dma_start3A_1017] : memref<67108864xf32, #tpu.memory_space<hbm>> -> memref<67108864xf32, #tpu.memory_space<hbm>>
      tpu.enqueue_indirect_dma source(%dma_start3A_1018 : memref<67108864xf32, #tpu.memory_space<hbm>>) target(%dma_start3A_1016 : memref<16xf32, #tpu.memory_space<vmem>>) offsets(%add3A_1014 : vector<16xi32>) semaphore(%arg12 : memref<!tpu.dma_semaphore, #tpu.memory_space<semaphore_mem>>)
      %get3A_1019 = arith.constant 896 : index
      %get3A_1020 = tpu.vector_load %arg6[%get3A_1019] {strides = array<i32>} : memref<1024xi32, #tpu.memory_space<vmem>>, vector<16xi32>,
      %add3A_1021 = vector.broadcast %mul3A_570 : i32 to vector<16xi32>
      %add3A_1022 = arith.addi %get3A_1020, %add3A_1021 : vector<16xi32>
      %dma_start3A_1023 = arith.constant 896 : i32
      %dma_start3A_1024 = tpu.memref_slice %arg8[%dma_start3A_1023] : memref<1024xf32, #tpu.memory_space<vmem>> -> memref<16xf32, #tpu.memory_space<vmem>>
      %dma_start3A_1025 = arith.constant 0 : i32
      %dma_start3A_1026 = tpu.memref_slice %arg2[%dma_start3A_1025] : memref<67108864xf32, #tpu.memory_space<hbm>> -> memref<67108864xf32, #tpu.memory_space<hbm>>
      tpu.enqueue_indirect_dma source(%dma_start3A_1026 : memref<67108864xf32, #tpu.memory_space<hbm>>) target(%dma_start3A_1024 : memref<16xf32, #tpu.memory_space<vmem>>) offsets(%add3A_1022 : vector<16xi32>) semaphore(%arg12 : memref<!tpu.dma_semaphore, #tpu.memory_space<semaphore_mem>>)
      %get3A_1027 = arith.constant 912 : index
      %get3A_1028 = tpu.vector_load %arg6[%get3A_1027] {strides = array<i32>} : memref<1024xi32, #tpu.memory_space<vmem>>, vector<16xi32>,
      %add3A_1029 = vector.broadcast %mul3A_570 : i32 to vector<16xi32>
      %add3A_1030 = arith.addi %get3A_1028, %add3A_1029 : vector<16xi32>
      %dma_start3A_1031 = arith.constant 912 : i32
      %dma_start3A_1032 = tpu.memref_slice %arg8[%dma_start3A_1031] : memref<1024xf32, #tpu.memory_space<vmem>> -> memref<16xf32, #tpu.memory_space<vmem>>
      %dma_start3A_1033 = arith.constant 0 : i32
      %dma_start3A_1034 = tpu.memref_slice %arg2[%dma_start3A_1033] : memref<67108864xf32, #tpu.memory_space<hbm>> -> memref<67108864xf32, #tpu.memory_space<hbm>>
      tpu.enqueue_indirect_dma source(%dma_start3A_1034 : memref<67108864xf32, #tpu.memory_space<hbm>>) target(%dma_start3A_1032 : memref<16xf32, #tpu.memory_space<vmem>>) offsets(%add3A_1030 : vector<16xi32>) semaphore(%arg12 : memref<!tpu.dma_semaphore, #tpu.memory_space<semaphore_mem>>)
      %get3A_1035 = arith.constant 928 : index
      %get3A_1036 = tpu.vector_load %arg6[%get3A_1035] {strides = array<i32>} : memref<1024xi32, #tpu.memory_space<vmem>>, vector<16xi32>,
      %add3A_1037 = vector.broadcast %mul3A_570 : i32 to vector<16xi32>
      %add3A_1038 = arith.addi %get3A_1036, %add3A_1037 : vector<16xi32>
      %dma_start3A_1039 = arith.constant 928 : i32
      %dma_start3A_1040 = tpu.memref_slice %arg8[%dma_start3A_1039] : memref<1024xf32, #tpu.memory_space<vmem>> -> memref<16xf32, #tpu.memory_space<vmem>>
      %dma_start3A_1041 = arith.constant 0 : i32
      %dma_start3A_1042 = tpu.memref_slice %arg2[%dma_start3A_1041] : memref<67108864xf32, #tpu.memory_space<hbm>> -> memref<67108864xf32, #tpu.memory_space<hbm>>
      tpu.enqueue_indirect_dma source(%dma_start3A_1042 : memref<67108864xf32, #tpu.memory_space<hbm>>) target(%dma_start3A_1040 : memref<16xf32, #tpu.memory_space<vmem>>) offsets(%add3A_1038 : vector<16xi32>) semaphore(%arg12 : memref<!tpu.dma_semaphore, #tpu.memory_space<semaphore_mem>>)
      %get3A_1043 = arith.constant 944 : index
      %get3A_1044 = tpu.vector_load %arg6[%get3A_1043] {strides = array<i32>} : memref<1024xi32, #tpu.memory_space<vmem>>, vector<16xi32>,
      %add3A_1045 = vector.broadcast %mul3A_570 : i32 to vector<16xi32>
      %add3A_1046 = arith.addi %get3A_1044, %add3A_1045 : vector<16xi32>
      %dma_start3A_1047 = arith.constant 944 : i32
      %dma_start3A_1048 = tpu.memref_slice %arg8[%dma_start3A_1047] : memref<1024xf32, #tpu.memory_space<vmem>> -> memref<16xf32, #tpu.memory_space<vmem>>
      %dma_start3A_1049 = arith.constant 0 : i32
      %dma_start3A_1050 = tpu.memref_slice %arg2[%dma_start3A_1049] : memref<67108864xf32, #tpu.memory_space<hbm>> -> memref<67108864xf32, #tpu.memory_space<hbm>>
      tpu.enqueue_indirect_dma source(%dma_start3A_1050 : memref<67108864xf32, #tpu.memory_space<hbm>>) target(%dma_start3A_1048 : memref<16xf32, #tpu.memory_space<vmem>>) offsets(%add3A_1046 : vector<16xi32>) semaphore(%arg12 : memref<!tpu.dma_semaphore, #tpu.memory_space<semaphore_mem>>)
      %get3A_1051 = arith.constant 960 : index
      %get3A_1052 = tpu.vector_load %arg6[%get3A_1051] {strides = array<i32>} : memref<1024xi32, #tpu.memory_space<vmem>>, vector<16xi32>,
      %add3A_1053 = vector.broadcast %mul3A_570 : i32 to vector<16xi32>
      %add3A_1054 = arith.addi %get3A_1052, %add3A_1053 : vector<16xi32>
      %dma_start3A_1055 = arith.constant 960 : i32
      %dma_start3A_1056 = tpu.memref_slice %arg8[%dma_start3A_1055] : memref<1024xf32, #tpu.memory_space<vmem>> -> memref<16xf32, #tpu.memory_space<vmem>>
      %dma_start3A_1057 = arith.constant 0 : i32
      %dma_start3A_1058 = tpu.memref_slice %arg2[%dma_start3A_1057] : memref<67108864xf32, #tpu.memory_space<hbm>> -> memref<67108864xf32, #tpu.memory_space<hbm>>
      tpu.enqueue_indirect_dma source(%dma_start3A_1058 : memref<67108864xf32, #tpu.memory_space<hbm>>) target(%dma_start3A_1056 : memref<16xf32, #tpu.memory_space<vmem>>) offsets(%add3A_1054 : vector<16xi32>) semaphore(%arg12 : memref<!tpu.dma_semaphore, #tpu.memory_space<semaphore_mem>>)
      %get3A_1059 = arith.constant 976 : index
      %get3A_1060 = tpu.vector_load %arg6[%get3A_1059] {strides = array<i32>} : memref<1024xi32, #tpu.memory_space<vmem>>, vector<16xi32>,
      %add3A_1061 = vector.broadcast %mul3A_570 : i32 to vector<16xi32>
      %add3A_1062 = arith.addi %get3A_1060, %add3A_1061 : vector<16xi32>
      %dma_start3A_1063 = arith.constant 976 : i32
      %dma_start3A_1064 = tpu.memref_slice %arg8[%dma_start3A_1063] : memref<1024xf32, #tpu.memory_space<vmem>> -> memref<16xf32, #tpu.memory_space<vmem>>
      %dma_start3A_1065 = arith.constant 0 : i32
      %dma_start3A_1066 = tpu.memref_slice %arg2[%dma_start3A_1065] : memref<67108864xf32, #tpu.memory_space<hbm>> -> memref<67108864xf32, #tpu.memory_space<hbm>>
      tpu.enqueue_indirect_dma source(%dma_start3A_1066 : memref<67108864xf32, #tpu.memory_space<hbm>>) target(%dma_start3A_1064 : memref<16xf32, #tpu.memory_space<vmem>>) offsets(%add3A_1062 : vector<16xi32>) semaphore(%arg12 : memref<!tpu.dma_semaphore, #tpu.memory_space<semaphore_mem>>)
      %get3A_1067 = arith.constant 992 : index
      %get3A_1068 = tpu.vector_load %arg6[%get3A_1067] {strides = array<i32>} : memref<1024xi32, #tpu.memory_space<vmem>>, vector<16xi32>,
      %add3A_1069 = vector.broadcast %mul3A_570 : i32 to vector<16xi32>
      %add3A_1070 = arith.addi %get3A_1068, %add3A_1069 : vector<16xi32>
      %dma_start3A_1071 = arith.constant 992 : i32
      %dma_start3A_1072 = tpu.memref_slice %arg8[%dma_start3A_1071] : memref<1024xf32, #tpu.memory_space<vmem>> -> memref<16xf32, #tpu.memory_space<vmem>>
      %dma_start3A_1073 = arith.constant 0 : i32
      %dma_start3A_1074 = tpu.memref_slice %arg2[%dma_start3A_1073] : memref<67108864xf32, #tpu.memory_space<hbm>> -> memref<67108864xf32, #tpu.memory_space<hbm>>
      tpu.enqueue_indirect_dma source(%dma_start3A_1074 : memref<67108864xf32, #tpu.memory_space<hbm>>) target(%dma_start3A_1072 : memref<16xf32, #tpu.memory_space<vmem>>) offsets(%add3A_1070 : vector<16xi32>) semaphore(%arg12 : memref<!tpu.dma_semaphore, #tpu.memory_space<semaphore_mem>>)
      %get3A_1075 = arith.constant 1008 : index
      %get3A_1076 = tpu.vector_load %arg6[%get3A_1075] {strides = array<i32>} : memref<1024xi32, #tpu.memory_space<vmem>>, vector<16xi32>,
      %add3A_1077 = vector.broadcast %mul3A_570 : i32 to vector<16xi32>
      %add3A_1078 = arith.addi %get3A_1076, %add3A_1077 : vector<16xi32>
      %dma_start3A_1079 = arith.constant 1008 : i32
      %dma_start3A_1080 = tpu.memref_slice %arg8[%dma_start3A_1079] : memref<1024xf32, #tpu.memory_space<vmem>> -> memref<16xf32, #tpu.memory_space<vmem>>
      %dma_start3A_1081 = arith.constant 0 : i32
      %dma_start3A_1082 = tpu.memref_slice %arg2[%dma_start3A_1081] : memref<67108864xf32, #tpu.memory_space<hbm>> -> memref<67108864xf32, #tpu.memory_space<hbm>>
      tpu.enqueue_indirect_dma source(%dma_start3A_1082 : memref<67108864xf32, #tpu.memory_space<hbm>>) target(%dma_start3A_1080 : memref<16xf32, #tpu.memory_space<vmem>>) offsets(%add3A_1078 : vector<16xi32>) semaphore(%arg12 : memref<!tpu.dma_semaphore, #tpu.memory_space<semaphore_mem>>)
      %lt3A = arith.constant 31 : i32
      %lt3A_1083 = arith.cmpi slt, %scan3A_552, %lt3A : i32
      %convert_element_type3A_1084 = arith.extui %lt3A_1083 : i1 to i32
      %cond3A_1085 = arith.constant 0 : i32
      %cond3A_1086 = arith.cmpi ne, %convert_element_type3A_1084, %cond3A_1085 : i32
      scf.if %cond3A_1086 {
        %add3A_1115 = arith.constant 2 : i32
        %add3A_1116 = arith.addi %add3A_556, %add3A_1115 : i32
        %dma_start3A_1117 = arith.constant 0 : i32
        %dma_start3A_1118 = tpu.memref_slice %arg3[%add3A_1116, %dma_start3A_1117] : memref<2048x1024xi32, #tpu.memory_space<hbm>> -> memref<1x1024xi32, #tpu.memory_space<hbm>>
        %dma_start3A_1119 = tpu.memref_squeeze %dma_start3A_1118 : memref<1x1024xi32, #tpu.memory_space<hbm>> -> memref<1024xi32, #tpu.memory_space<hbm>>
        %dma_start3A_1120 = arith.constant 0 : i32
        %dma_start3A_1121 = tpu.memref_slice %arg3[%add3A_1116, %dma_start3A_1120] : memref<2048x1024xi32, #tpu.memory_space<hbm>> -> memref<1x1024xi32, #tpu.memory_space<hbm>>
        %dma_start3A_1122 = tpu.memref_squeeze %dma_start3A_1121 : memref<1x1024xi32, #tpu.memory_space<hbm>> -> memref<1024xi32, #tpu.memory_space<hbm>>
        tpu.enqueue_dma source(%dma_start3A_1122 : memref<1024xi32, #tpu.memory_space<hbm>>) target(%arg5 : memref<1024xi32, #tpu.memory_space<vmem>>) target_semaphore(%arg9 : memref<!tpu.dma_semaphore, #tpu.memory_space<semaphore_mem>>)
      } else {
      }
      %dma_wait3A_1087 = arith.constant 0 : i32
      %dma_wait3A_1088 = tpu.memref_slice %arg2[%dma_wait3A_1087] : memref<67108864xf32, #tpu.memory_space<hbm>> -> memref<1024xf32, #tpu.memory_space<hbm>>
      %dma_wait3A_1089 = arith.constant 0 : i32
      %dma_wait3A_1090 = tpu.memref_slice %arg2[%dma_wait3A_1089] : memref<67108864xf32, #tpu.memory_space<hbm>> -> memref<1024xf32, #tpu.memory_space<hbm>>
      tpu.wait_dma2 semaphore(%arg11 : memref<!tpu.dma_semaphore, #tpu.memory_space<semaphore_mem>>) src(%dma_wait3A_1090 : memref<1024xf32, #tpu.memory_space<hbm>>) dst(%arg7 : memref<1024xf32, #tpu.memory_space<vmem>>)
      %dma_start3A_1091 = arith.constant 0 : i32
      %dma_start3A_1092 = tpu.memref_slice %arg4[%add3A_556, %dma_start3A_1091] : memref<2048x1024xf32, #tpu.memory_space<hbm>> -> memref<1x1024xf32, #tpu.memory_space<hbm>>
      %dma_start3A_1093 = tpu.memref_squeeze %dma_start3A_1092 : memref<1x1024xf32, #tpu.memory_space<hbm>> -> memref<1024xf32, #tpu.memory_space<hbm>>
      %dma_start3A_1094 = arith.constant 0 : i32
      %dma_start3A_1095 = tpu.memref_slice %arg4[%add3A_556, %dma_start3A_1094] : memref<2048x1024xf32, #tpu.memory_space<hbm>> -> memref<1x1024xf32, #tpu.memory_space<hbm>>
      %dma_start3A_1096 = tpu.memref_squeeze %dma_start3A_1095 : memref<1x1024xf32, #tpu.memory_space<hbm>> -> memref<1024xf32, #tpu.memory_space<hbm>>
      tpu.enqueue_dma source(%arg7 : memref<1024xf32, #tpu.memory_space<vmem>>) target(%dma_start3A_1096 : memref<1024xf32, #tpu.memory_space<hbm>>) target_semaphore(%arg13 : memref<!tpu.dma_semaphore, #tpu.memory_space<semaphore_mem>>)
      %lt3A_1097 = arith.constant 31 : i32
      %lt3A_1098 = arith.cmpi slt, %scan3A_552, %lt3A_1097 : i32
      %convert_element_type3A_1099 = arith.extui %lt3A_1098 : i1 to i32
      %cond3A_1100 = arith.constant 0 : i32
      %cond3A_1101 = arith.cmpi ne, %convert_element_type3A_1099, %cond3A_1100 : i32
      scf.if %cond3A_1101 {
        %add3A_1115 = arith.constant 2 : i32
        %add3A_1116 = arith.addi %add3A_556, %add3A_1115 : i32
        %dma_wait3A_1117 = arith.constant 0 : i32
        %dma_wait3A_1118 = tpu.memref_slice %arg3[%add3A_1116, %dma_wait3A_1117] : memref<2048x1024xi32, #tpu.memory_space<hbm>> -> memref<1x1024xi32, #tpu.memory_space<hbm>>
        %dma_wait3A_1119 = tpu.memref_squeeze %dma_wait3A_1118 : memref<1x1024xi32, #tpu.memory_space<hbm>> -> memref<1024xi32, #tpu.memory_space<hbm>>
        %dma_wait3A_1120 = arith.constant 0 : i32
        %dma_wait3A_1121 = tpu.memref_slice %arg3[%add3A_1116, %dma_wait3A_1120] : memref<2048x1024xi32, #tpu.memory_space<hbm>> -> memref<1x1024xi32, #tpu.memory_space<hbm>>
        %dma_wait3A_1122 = tpu.memref_squeeze %dma_wait3A_1121 : memref<1x1024xi32, #tpu.memory_space<hbm>> -> memref<1024xi32, #tpu.memory_space<hbm>>
        tpu.wait_dma2 semaphore(%arg9 : memref<!tpu.dma_semaphore, #tpu.memory_space<semaphore_mem>>) src(%dma_wait3A_1122 : memref<1024xi32, #tpu.memory_space<hbm>>) dst(%arg5 : memref<1024xi32, #tpu.memory_space<vmem>>)
        %dma_wait3A_1123 = arith.constant 0 : i32
        %dma_wait3A_1124 = tpu.memref_slice %arg4[%mul3A_2, %dma_wait3A_1123] : memref<2048x1024xf32, #tpu.memory_space<hbm>> -> memref<1x1024xf32, #tpu.memory_space<hbm>>
        %dma_wait3A_1125 = tpu.memref_squeeze %dma_wait3A_1124 : memref<1x1024xf32, #tpu.memory_space<hbm>> -> memref<1024xf32, #tpu.memory_space<hbm>>
        %dma_wait3A_1126 = arith.constant 0 : i32
        %dma_wait3A_1127 = tpu.memref_slice %arg4[%mul3A_2, %dma_wait3A_1126] : memref<2048x1024xf32, #tpu.memory_space<hbm>> -> memref<1x1024xf32, #tpu.memory_space<hbm>>
        %dma_wait3A_1128 = tpu.memref_squeeze %dma_wait3A_1127 : memref<1x1024xf32, #tpu.memory_space<hbm>> -> memref<1024xf32, #tpu.memory_space<hbm>>
        tpu.wait_dma2 semaphore(%arg13 : memref<!tpu.dma_semaphore, #tpu.memory_space<semaphore_mem>>) src(%arg7 : memref<1024xf32, #tpu.memory_space<vmem>>) dst(%dma_wait3A_1128 : memref<1024xf32, #tpu.memory_space<hbm>>)
        %add3A_1129 = arith.constant 2 : i32
        %add3A_1130 = arith.addi %add3A_556, %add3A_1129 : i32
        %mul3A_1131 = arith.constant 32768 : i32
        %mul3A_1132 = arith.muli %add3A_1130, %mul3A_1131 : i32
        %get3A_1133 = arith.constant 0 : index
        %get3A_1134 = tpu.vector_load %arg5[%get3A_1133] {strides = array<i32>} : memref<1024xi32, #tpu.memory_space<vmem>>, vector<16xi32>,
        %add3A_1135 = vector.broadcast %mul3A_1132 : i32 to vector<16xi32>
        %add3A_1136 = arith.addi %get3A_1134, %add3A_1135 : vector<16xi32>
        %dma_start3A_1137 = arith.constant 0 : i32
        %dma_start3A_1138 = tpu.memref_slice %arg7[%dma_start3A_1137] : memref<1024xf32, #tpu.memory_space<vmem>> -> memref<16xf32, #tpu.memory_space<vmem>>
        %dma_start3A_1139 = arith.constant 0 : i32
        %dma_start3A_1140 = tpu.memref_slice %arg2[%dma_start3A_1139] : memref<67108864xf32, #tpu.memory_space<hbm>> -> memref<67108864xf32, #tpu.memory_space<hbm>>
        tpu.enqueue_indirect_dma source(%dma_start3A_1140 : memref<67108864xf32, #tpu.memory_space<hbm>>) target(%dma_start3A_1138 : memref<16xf32, #tpu.memory_space<vmem>>) offsets(%add3A_1136 : vector<16xi32>) semaphore(%arg11 : memref<!tpu.dma_semaphore, #tpu.memory_space<semaphore_mem>>)
        %get3A_1141 = arith.constant 16 : index
        %get3A_1142 = tpu.vector_load %arg5[%get3A_1141] {strides = array<i32>} : memref<1024xi32, #tpu.memory_space<vmem>>, vector<16xi32>,
        %add3A_1143 = vector.broadcast %mul3A_1132 : i32 to vector<16xi32>
        %add3A_1144 = arith.addi %get3A_1142, %add3A_1143 : vector<16xi32>
        %dma_start3A_1145 = arith.constant 16 : i32
        %dma_start3A_1146 = tpu.memref_slice %arg7[%dma_start3A_1145] : memref<1024xf32, #tpu.memory_space<vmem>> -> memref<16xf32, #tpu.memory_space<vmem>>
        %dma_start3A_1147 = arith.constant 0 : i32
        %dma_start3A_1148 = tpu.memref_slice %arg2[%dma_start3A_1147] : memref<67108864xf32, #tpu.memory_space<hbm>> -> memref<67108864xf32, #tpu.memory_space<hbm>>
        tpu.enqueue_indirect_dma source(%dma_start3A_1148 : memref<67108864xf32, #tpu.memory_space<hbm>>) target(%dma_start3A_1146 : memref<16xf32, #tpu.memory_space<vmem>>) offsets(%add3A_1144 : vector<16xi32>) semaphore(%arg11 : memref<!tpu.dma_semaphore, #tpu.memory_space<semaphore_mem>>)
        %get3A_1149 = arith.constant 32 : index
        %get3A_1150 = tpu.vector_load %arg5[%get3A_1149] {strides = array<i32>} : memref<1024xi32, #tpu.memory_space<vmem>>, vector<16xi32>,
        %add3A_1151 = vector.broadcast %mul3A_1132 : i32 to vector<16xi32>
        %add3A_1152 = arith.addi %get3A_1150, %add3A_1151 : vector<16xi32>
        %dma_start3A_1153 = arith.constant 32 : i32
        %dma_start3A_1154 = tpu.memref_slice %arg7[%dma_start3A_1153] : memref<1024xf32, #tpu.memory_space<vmem>> -> memref<16xf32, #tpu.memory_space<vmem>>
        %dma_start3A_1155 = arith.constant 0 : i32
        %dma_start3A_1156 = tpu.memref_slice %arg2[%dma_start3A_1155] : memref<67108864xf32, #tpu.memory_space<hbm>> -> memref<67108864xf32, #tpu.memory_space<hbm>>
        tpu.enqueue_indirect_dma source(%dma_start3A_1156 : memref<67108864xf32, #tpu.memory_space<hbm>>) target(%dma_start3A_1154 : memref<16xf32, #tpu.memory_space<vmem>>) offsets(%add3A_1152 : vector<16xi32>) semaphore(%arg11 : memref<!tpu.dma_semaphore, #tpu.memory_space<semaphore_mem>>)
        %get3A_1157 = arith.constant 48 : index
        %get3A_1158 = tpu.vector_load %arg5[%get3A_1157] {strides = array<i32>} : memref<1024xi32, #tpu.memory_space<vmem>>, vector<16xi32>,
        %add3A_1159 = vector.broadcast %mul3A_1132 : i32 to vector<16xi32>
        %add3A_1160 = arith.addi %get3A_1158, %add3A_1159 : vector<16xi32>
        %dma_start3A_1161 = arith.constant 48 : i32
        %dma_start3A_1162 = tpu.memref_slice %arg7[%dma_start3A_1161] : memref<1024xf32, #tpu.memory_space<vmem>> -> memref<16xf32, #tpu.memory_space<vmem>>
        %dma_start3A_1163 = arith.constant 0 : i32
        %dma_start3A_1164 = tpu.memref_slice %arg2[%dma_start3A_1163] : memref<67108864xf32, #tpu.memory_space<hbm>> -> memref<67108864xf32, #tpu.memory_space<hbm>>
        tpu.enqueue_indirect_dma source(%dma_start3A_1164 : memref<67108864xf32, #tpu.memory_space<hbm>>) target(%dma_start3A_1162 : memref<16xf32, #tpu.memory_space<vmem>>) offsets(%add3A_1160 : vector<16xi32>) semaphore(%arg11 : memref<!tpu.dma_semaphore, #tpu.memory_space<semaphore_mem>>)
        %get3A_1165 = arith.constant 64 : index
        %get3A_1166 = tpu.vector_load %arg5[%get3A_1165] {strides = array<i32>} : memref<1024xi32, #tpu.memory_space<vmem>>, vector<16xi32>,
        %add3A_1167 = vector.broadcast %mul3A_1132 : i32 to vector<16xi32>
        %add3A_1168 = arith.addi %get3A_1166, %add3A_1167 : vector<16xi32>
        %dma_start3A_1169 = arith.constant 64 : i32
        %dma_start3A_1170 = tpu.memref_slice %arg7[%dma_start3A_1169] : memref<1024xf32, #tpu.memory_space<vmem>> -> memref<16xf32, #tpu.memory_space<vmem>>
        %dma_start3A_1171 = arith.constant 0 : i32
        %dma_start3A_1172 = tpu.memref_slice %arg2[%dma_start3A_1171] : memref<67108864xf32, #tpu.memory_space<hbm>> -> memref<67108864xf32, #tpu.memory_space<hbm>>
        tpu.enqueue_indirect_dma source(%dma_start3A_1172 : memref<67108864xf32, #tpu.memory_space<hbm>>) target(%dma_start3A_1170 : memref<16xf32, #tpu.memory_space<vmem>>) offsets(%add3A_1168 : vector<16xi32>) semaphore(%arg11 : memref<!tpu.dma_semaphore, #tpu.memory_space<semaphore_mem>>)
        %get3A_1173 = arith.constant 80 : index
        %get3A_1174 = tpu.vector_load %arg5[%get3A_1173] {strides = array<i32>} : memref<1024xi32, #tpu.memory_space<vmem>>, vector<16xi32>,
        %add3A_1175 = vector.broadcast %mul3A_1132 : i32 to vector<16xi32>
        %add3A_1176 = arith.addi %get3A_1174, %add3A_1175 : vector<16xi32>
        %dma_start3A_1177 = arith.constant 80 : i32
        %dma_start3A_1178 = tpu.memref_slice %arg7[%dma_start3A_1177] : memref<1024xf32, #tpu.memory_space<vmem>> -> memref<16xf32, #tpu.memory_space<vmem>>
        %dma_start3A_1179 = arith.constant 0 : i32
        %dma_start3A_1180 = tpu.memref_slice %arg2[%dma_start3A_1179] : memref<67108864xf32, #tpu.memory_space<hbm>> -> memref<67108864xf32, #tpu.memory_space<hbm>>
        tpu.enqueue_indirect_dma source(%dma_start3A_1180 : memref<67108864xf32, #tpu.memory_space<hbm>>) target(%dma_start3A_1178 : memref<16xf32, #tpu.memory_space<vmem>>) offsets(%add3A_1176 : vector<16xi32>) semaphore(%arg11 : memref<!tpu.dma_semaphore, #tpu.memory_space<semaphore_mem>>)
        %get3A_1181 = arith.constant 96 : index
        %get3A_1182 = tpu.vector_load %arg5[%get3A_1181] {strides = array<i32>} : memref<1024xi32, #tpu.memory_space<vmem>>, vector<16xi32>,
        %add3A_1183 = vector.broadcast %mul3A_1132 : i32 to vector<16xi32>
        %add3A_1184 = arith.addi %get3A_1182, %add3A_1183 : vector<16xi32>
        %dma_start3A_1185 = arith.constant 96 : i32
        %dma_start3A_1186 = tpu.memref_slice %arg7[%dma_start3A_1185] : memref<1024xf32, #tpu.memory_space<vmem>> -> memref<16xf32, #tpu.memory_space<vmem>>
        %dma_start3A_1187 = arith.constant 0 : i32
        %dma_start3A_1188 = tpu.memref_slice %arg2[%dma_start3A_1187] : memref<67108864xf32, #tpu.memory_space<hbm>> -> memref<67108864xf32, #tpu.memory_space<hbm>>
        tpu.enqueue_indirect_dma source(%dma_start3A_1188 : memref<67108864xf32, #tpu.memory_space<hbm>>) target(%dma_start3A_1186 : memref<16xf32, #tpu.memory_space<vmem>>) offsets(%add3A_1184 : vector<16xi32>) semaphore(%arg11 : memref<!tpu.dma_semaphore, #tpu.memory_space<semaphore_mem>>)
        %get3A_1189 = arith.constant 112 : index
        %get3A_1190 = tpu.vector_load %arg5[%get3A_1189] {strides = array<i32>} : memref<1024xi32, #tpu.memory_space<vmem>>, vector<16xi32>,
        %add3A_1191 = vector.broadcast %mul3A_1132 : i32 to vector<16xi32>
        %add3A_1192 = arith.addi %get3A_1190, %add3A_1191 : vector<16xi32>
        %dma_start3A_1193 = arith.constant 112 : i32
        %dma_start3A_1194 = tpu.memref_slice %arg7[%dma_start3A_1193] : memref<1024xf32, #tpu.memory_space<vmem>> -> memref<16xf32, #tpu.memory_space<vmem>>
        %dma_start3A_1195 = arith.constant 0 : i32
        %dma_start3A_1196 = tpu.memref_slice %arg2[%dma_start3A_1195] : memref<67108864xf32, #tpu.memory_space<hbm>> -> memref<67108864xf32, #tpu.memory_space<hbm>>
        tpu.enqueue_indirect_dma source(%dma_start3A_1196 : memref<67108864xf32, #tpu.memory_space<hbm>>) target(%dma_start3A_1194 : memref<16xf32, #tpu.memory_space<vmem>>) offsets(%add3A_1192 : vector<16xi32>) semaphore(%arg11 : memref<!tpu.dma_semaphore, #tpu.memory_space<semaphore_mem>>)
        %get3A_1197 = arith.constant 128 : index
        %get3A_1198 = tpu.vector_load %arg5[%get3A_1197] {strides = array<i32>} : memref<1024xi32, #tpu.memory_space<vmem>>, vector<16xi32>,
        %add3A_1199 = vector.broadcast %mul3A_1132 : i32 to vector<16xi32>
        %add3A_1200 = arith.addi %get3A_1198, %add3A_1199 : vector<16xi32>
        %dma_start3A_1201 = arith.constant 128 : i32
        %dma_start3A_1202 = tpu.memref_slice %arg7[%dma_start3A_1201] : memref<1024xf32, #tpu.memory_space<vmem>> -> memref<16xf32, #tpu.memory_space<vmem>>
        %dma_start3A_1203 = arith.constant 0 : i32
        %dma_start3A_1204 = tpu.memref_slice %arg2[%dma_start3A_1203] : memref<67108864xf32, #tpu.memory_space<hbm>> -> memref<67108864xf32, #tpu.memory_space<hbm>>
        tpu.enqueue_indirect_dma source(%dma_start3A_1204 : memref<67108864xf32, #tpu.memory_space<hbm>>) target(%dma_start3A_1202 : memref<16xf32, #tpu.memory_space<vmem>>) offsets(%add3A_1200 : vector<16xi32>) semaphore(%arg11 : memref<!tpu.dma_semaphore, #tpu.memory_space<semaphore_mem>>)
        %get3A_1205 = arith.constant 144 : index
        %get3A_1206 = tpu.vector_load %arg5[%get3A_1205] {strides = array<i32>} : memref<1024xi32, #tpu.memory_space<vmem>>, vector<16xi32>,
        %add3A_1207 = vector.broadcast %mul3A_1132 : i32 to vector<16xi32>
        %add3A_1208 = arith.addi %get3A_1206, %add3A_1207 : vector<16xi32>
        %dma_start3A_1209 = arith.constant 144 : i32
        %dma_start3A_1210 = tpu.memref_slice %arg7[%dma_start3A_1209] : memref<1024xf32, #tpu.memory_space<vmem>> -> memref<16xf32, #tpu.memory_space<vmem>>
        %dma_start3A_1211 = arith.constant 0 : i32
        %dma_start3A_1212 = tpu.memref_slice %arg2[%dma_start3A_1211] : memref<67108864xf32, #tpu.memory_space<hbm>> -> memref<67108864xf32, #tpu.memory_space<hbm>>
        tpu.enqueue_indirect_dma source(%dma_start3A_1212 : memref<67108864xf32, #tpu.memory_space<hbm>>) target(%dma_start3A_1210 : memref<16xf32, #tpu.memory_space<vmem>>) offsets(%add3A_1208 : vector<16xi32>) semaphore(%arg11 : memref<!tpu.dma_semaphore, #tpu.memory_space<semaphore_mem>>)
        %get3A_1213 = arith.constant 160 : index
        %get3A_1214 = tpu.vector_load %arg5[%get3A_1213] {strides = array<i32>} : memref<1024xi32, #tpu.memory_space<vmem>>, vector<16xi32>,
        %add3A_1215 = vector.broadcast %mul3A_1132 : i32 to vector<16xi32>
        %add3A_1216 = arith.addi %get3A_1214, %add3A_1215 : vector<16xi32>
        %dma_start3A_1217 = arith.constant 160 : i32
        %dma_start3A_1218 = tpu.memref_slice %arg7[%dma_start3A_1217] : memref<1024xf32, #tpu.memory_space<vmem>> -> memref<16xf32, #tpu.memory_space<vmem>>
        %dma_start3A_1219 = arith.constant 0 : i32
        %dma_start3A_1220 = tpu.memref_slice %arg2[%dma_start3A_1219] : memref<67108864xf32, #tpu.memory_space<hbm>> -> memref<67108864xf32, #tpu.memory_space<hbm>>
        tpu.enqueue_indirect_dma source(%dma_start3A_1220 : memref<67108864xf32, #tpu.memory_space<hbm>>) target(%dma_start3A_1218 : memref<16xf32, #tpu.memory_space<vmem>>) offsets(%add3A_1216 : vector<16xi32>) semaphore(%arg11 : memref<!tpu.dma_semaphore, #tpu.memory_space<semaphore_mem>>)
        %get3A_1221 = arith.constant 176 : index
        %get3A_1222 = tpu.vector_load %arg5[%get3A_1221] {strides = array<i32>} : memref<1024xi32, #tpu.memory_space<vmem>>, vector<16xi32>,
        %add3A_1223 = vector.broadcast %mul3A_1132 : i32 to vector<16xi32>
        %add3A_1224 = arith.addi %get3A_1222, %add3A_1223 : vector<16xi32>
        %dma_start3A_1225 = arith.constant 176 : i32
        %dma_start3A_1226 = tpu.memref_slice %arg7[%dma_start3A_1225] : memref<1024xf32, #tpu.memory_space<vmem>> -> memref<16xf32, #tpu.memory_space<vmem>>
        %dma_start3A_1227 = arith.constant 0 : i32
        %dma_start3A_1228 = tpu.memref_slice %arg2[%dma_start3A_1227] : memref<67108864xf32, #tpu.memory_space<hbm>> -> memref<67108864xf32, #tpu.memory_space<hbm>>
        tpu.enqueue_indirect_dma source(%dma_start3A_1228 : memref<67108864xf32, #tpu.memory_space<hbm>>) target(%dma_start3A_1226 : memref<16xf32, #tpu.memory_space<vmem>>) offsets(%add3A_1224 : vector<16xi32>) semaphore(%arg11 : memref<!tpu.dma_semaphore, #tpu.memory_space<semaphore_mem>>)
        %get3A_1229 = arith.constant 192 : index
        %get3A_1230 = tpu.vector_load %arg5[%get3A_1229] {strides = array<i32>} : memref<1024xi32, #tpu.memory_space<vmem>>, vector<16xi32>,
        %add3A_1231 = vector.broadcast %mul3A_1132 : i32 to vector<16xi32>
        %add3A_1232 = arith.addi %get3A_1230, %add3A_1231 : vector<16xi32>
        %dma_start3A_1233 = arith.constant 192 : i32
        %dma_start3A_1234 = tpu.memref_slice %arg7[%dma_start3A_1233] : memref<1024xf32, #tpu.memory_space<vmem>> -> memref<16xf32, #tpu.memory_space<vmem>>
        %dma_start3A_1235 = arith.constant 0 : i32
        %dma_start3A_1236 = tpu.memref_slice %arg2[%dma_start3A_1235] : memref<67108864xf32, #tpu.memory_space<hbm>> -> memref<67108864xf32, #tpu.memory_space<hbm>>
        tpu.enqueue_indirect_dma source(%dma_start3A_1236 : memref<67108864xf32, #tpu.memory_space<hbm>>) target(%dma_start3A_1234 : memref<16xf32, #tpu.memory_space<vmem>>) offsets(%add3A_1232 : vector<16xi32>) semaphore(%arg11 : memref<!tpu.dma_semaphore, #tpu.memory_space<semaphore_mem>>)
        %get3A_1237 = arith.constant 208 : index
        %get3A_1238 = tpu.vector_load %arg5[%get3A_1237] {strides = array<i32>} : memref<1024xi32, #tpu.memory_space<vmem>>, vector<16xi32>,
        %add3A_1239 = vector.broadcast %mul3A_1132 : i32 to vector<16xi32>
        %add3A_1240 = arith.addi %get3A_1238, %add3A_1239 : vector<16xi32>
        %dma_start3A_1241 = arith.constant 208 : i32
        %dma_start3A_1242 = tpu.memref_slice %arg7[%dma_start3A_1241] : memref<1024xf32, #tpu.memory_space<vmem>> -> memref<16xf32, #tpu.memory_space<vmem>>
        %dma_start3A_1243 = arith.constant 0 : i32
        %dma_start3A_1244 = tpu.memref_slice %arg2[%dma_start3A_1243] : memref<67108864xf32, #tpu.memory_space<hbm>> -> memref<67108864xf32, #tpu.memory_space<hbm>>
        tpu.enqueue_indirect_dma source(%dma_start3A_1244 : memref<67108864xf32, #tpu.memory_space<hbm>>) target(%dma_start3A_1242 : memref<16xf32, #tpu.memory_space<vmem>>) offsets(%add3A_1240 : vector<16xi32>) semaphore(%arg11 : memref<!tpu.dma_semaphore, #tpu.memory_space<semaphore_mem>>)
        %get3A_1245 = arith.constant 224 : index
        %get3A_1246 = tpu.vector_load %arg5[%get3A_1245] {strides = array<i32>} : memref<1024xi32, #tpu.memory_space<vmem>>, vector<16xi32>,
        %add3A_1247 = vector.broadcast %mul3A_1132 : i32 to vector<16xi32>
        %add3A_1248 = arith.addi %get3A_1246, %add3A_1247 : vector<16xi32>
        %dma_start3A_1249 = arith.constant 224 : i32
        %dma_start3A_1250 = tpu.memref_slice %arg7[%dma_start3A_1249] : memref<1024xf32, #tpu.memory_space<vmem>> -> memref<16xf32, #tpu.memory_space<vmem>>
        %dma_start3A_1251 = arith.constant 0 : i32
        %dma_start3A_1252 = tpu.memref_slice %arg2[%dma_start3A_1251] : memref<67108864xf32, #tpu.memory_space<hbm>> -> memref<67108864xf32, #tpu.memory_space<hbm>>
        tpu.enqueue_indirect_dma source(%dma_start3A_1252 : memref<67108864xf32, #tpu.memory_space<hbm>>) target(%dma_start3A_1250 : memref<16xf32, #tpu.memory_space<vmem>>) offsets(%add3A_1248 : vector<16xi32>) semaphore(%arg11 : memref<!tpu.dma_semaphore, #tpu.memory_space<semaphore_mem>>)
        %get3A_1253 = arith.constant 240 : index
        %get3A_1254 = tpu.vector_load %arg5[%get3A_1253] {strides = array<i32>} : memref<1024xi32, #tpu.memory_space<vmem>>, vector<16xi32>,
        %add3A_1255 = vector.broadcast %mul3A_1132 : i32 to vector<16xi32>
        %add3A_1256 = arith.addi %get3A_1254, %add3A_1255 : vector<16xi32>
        %dma_start3A_1257 = arith.constant 240 : i32
        %dma_start3A_1258 = tpu.memref_slice %arg7[%dma_start3A_1257] : memref<1024xf32, #tpu.memory_space<vmem>> -> memref<16xf32, #tpu.memory_space<vmem>>
        %dma_start3A_1259 = arith.constant 0 : i32
        %dma_start3A_1260 = tpu.memref_slice %arg2[%dma_start3A_1259] : memref<67108864xf32, #tpu.memory_space<hbm>> -> memref<67108864xf32, #tpu.memory_space<hbm>>
        tpu.enqueue_indirect_dma source(%dma_start3A_1260 : memref<67108864xf32, #tpu.memory_space<hbm>>) target(%dma_start3A_1258 : memref<16xf32, #tpu.memory_space<vmem>>) offsets(%add3A_1256 : vector<16xi32>) semaphore(%arg11 : memref<!tpu.dma_semaphore, #tpu.memory_space<semaphore_mem>>)
        %get3A_1261 = arith.constant 256 : index
        %get3A_1262 = tpu.vector_load %arg5[%get3A_1261] {strides = array<i32>} : memref<1024xi32, #tpu.memory_space<vmem>>, vector<16xi32>,
        %add3A_1263 = vector.broadcast %mul3A_1132 : i32 to vector<16xi32>
        %add3A_1264 = arith.addi %get3A_1262, %add3A_1263 : vector<16xi32>
        %dma_start3A_1265 = arith.constant 256 : i32
        %dma_start3A_1266 = tpu.memref_slice %arg7[%dma_start3A_1265] : memref<1024xf32, #tpu.memory_space<vmem>> -> memref<16xf32, #tpu.memory_space<vmem>>
        %dma_start3A_1267 = arith.constant 0 : i32
        %dma_start3A_1268 = tpu.memref_slice %arg2[%dma_start3A_1267] : memref<67108864xf32, #tpu.memory_space<hbm>> -> memref<67108864xf32, #tpu.memory_space<hbm>>
        tpu.enqueue_indirect_dma source(%dma_start3A_1268 : memref<67108864xf32, #tpu.memory_space<hbm>>) target(%dma_start3A_1266 : memref<16xf32, #tpu.memory_space<vmem>>) offsets(%add3A_1264 : vector<16xi32>) semaphore(%arg11 : memref<!tpu.dma_semaphore, #tpu.memory_space<semaphore_mem>>)
        %get3A_1269 = arith.constant 272 : index
        %get3A_1270 = tpu.vector_load %arg5[%get3A_1269] {strides = array<i32>} : memref<1024xi32, #tpu.memory_space<vmem>>, vector<16xi32>,
        %add3A_1271 = vector.broadcast %mul3A_1132 : i32 to vector<16xi32>
        %add3A_1272 = arith.addi %get3A_1270, %add3A_1271 : vector<16xi32>
        %dma_start3A_1273 = arith.constant 272 : i32
        %dma_start3A_1274 = tpu.memref_slice %arg7[%dma_start3A_1273] : memref<1024xf32, #tpu.memory_space<vmem>> -> memref<16xf32, #tpu.memory_space<vmem>>
        %dma_start3A_1275 = arith.constant 0 : i32
        %dma_start3A_1276 = tpu.memref_slice %arg2[%dma_start3A_1275] : memref<67108864xf32, #tpu.memory_space<hbm>> -> memref<67108864xf32, #tpu.memory_space<hbm>>
        tpu.enqueue_indirect_dma source(%dma_start3A_1276 : memref<67108864xf32, #tpu.memory_space<hbm>>) target(%dma_start3A_1274 : memref<16xf32, #tpu.memory_space<vmem>>) offsets(%add3A_1272 : vector<16xi32>) semaphore(%arg11 : memref<!tpu.dma_semaphore, #tpu.memory_space<semaphore_mem>>)
        %get3A_1277 = arith.constant 288 : index
        %get3A_1278 = tpu.vector_load %arg5[%get3A_1277] {strides = array<i32>} : memref<1024xi32, #tpu.memory_space<vmem>>, vector<16xi32>,
        %add3A_1279 = vector.broadcast %mul3A_1132 : i32 to vector<16xi32>
        %add3A_1280 = arith.addi %get3A_1278, %add3A_1279 : vector<16xi32>
        %dma_start3A_1281 = arith.constant 288 : i32
        %dma_start3A_1282 = tpu.memref_slice %arg7[%dma_start3A_1281] : memref<1024xf32, #tpu.memory_space<vmem>> -> memref<16xf32, #tpu.memory_space<vmem>>
        %dma_start3A_1283 = arith.constant 0 : i32
        %dma_start3A_1284 = tpu.memref_slice %arg2[%dma_start3A_1283] : memref<67108864xf32, #tpu.memory_space<hbm>> -> memref<67108864xf32, #tpu.memory_space<hbm>>
        tpu.enqueue_indirect_dma source(%dma_start3A_1284 : memref<67108864xf32, #tpu.memory_space<hbm>>) target(%dma_start3A_1282 : memref<16xf32, #tpu.memory_space<vmem>>) offsets(%add3A_1280 : vector<16xi32>) semaphore(%arg11 : memref<!tpu.dma_semaphore, #tpu.memory_space<semaphore_mem>>)
        %get3A_1285 = arith.constant 304 : index
        %get3A_1286 = tpu.vector_load %arg5[%get3A_1285] {strides = array<i32>} : memref<1024xi32, #tpu.memory_space<vmem>>, vector<16xi32>,
        %add3A_1287 = vector.broadcast %mul3A_1132 : i32 to vector<16xi32>
        %add3A_1288 = arith.addi %get3A_1286, %add3A_1287 : vector<16xi32>
        %dma_start3A_1289 = arith.constant 304 : i32
        %dma_start3A_1290 = tpu.memref_slice %arg7[%dma_start3A_1289] : memref<1024xf32, #tpu.memory_space<vmem>> -> memref<16xf32, #tpu.memory_space<vmem>>
        %dma_start3A_1291 = arith.constant 0 : i32
        %dma_start3A_1292 = tpu.memref_slice %arg2[%dma_start3A_1291] : memref<67108864xf32, #tpu.memory_space<hbm>> -> memref<67108864xf32, #tpu.memory_space<hbm>>
        tpu.enqueue_indirect_dma source(%dma_start3A_1292 : memref<67108864xf32, #tpu.memory_space<hbm>>) target(%dma_start3A_1290 : memref<16xf32, #tpu.memory_space<vmem>>) offsets(%add3A_1288 : vector<16xi32>) semaphore(%arg11 : memref<!tpu.dma_semaphore, #tpu.memory_space<semaphore_mem>>)
        %get3A_1293 = arith.constant 320 : index
        %get3A_1294 = tpu.vector_load %arg5[%get3A_1293] {strides = array<i32>} : memref<1024xi32, #tpu.memory_space<vmem>>, vector<16xi32>,
        %add3A_1295 = vector.broadcast %mul3A_1132 : i32 to vector<16xi32>
        %add3A_1296 = arith.addi %get3A_1294, %add3A_1295 : vector<16xi32>
        %dma_start3A_1297 = arith.constant 320 : i32
        %dma_start3A_1298 = tpu.memref_slice %arg7[%dma_start3A_1297] : memref<1024xf32, #tpu.memory_space<vmem>> -> memref<16xf32, #tpu.memory_space<vmem>>
        %dma_start3A_1299 = arith.constant 0 : i32
        %dma_start3A_1300 = tpu.memref_slice %arg2[%dma_start3A_1299] : memref<67108864xf32, #tpu.memory_space<hbm>> -> memref<67108864xf32, #tpu.memory_space<hbm>>
        tpu.enqueue_indirect_dma source(%dma_start3A_1300 : memref<67108864xf32, #tpu.memory_space<hbm>>) target(%dma_start3A_1298 : memref<16xf32, #tpu.memory_space<vmem>>) offsets(%add3A_1296 : vector<16xi32>) semaphore(%arg11 : memref<!tpu.dma_semaphore, #tpu.memory_space<semaphore_mem>>)
        %get3A_1301 = arith.constant 336 : index
        %get3A_1302 = tpu.vector_load %arg5[%get3A_1301] {strides = array<i32>} : memref<1024xi32, #tpu.memory_space<vmem>>, vector<16xi32>,
        %add3A_1303 = vector.broadcast %mul3A_1132 : i32 to vector<16xi32>
        %add3A_1304 = arith.addi %get3A_1302, %add3A_1303 : vector<16xi32>
        %dma_start3A_1305 = arith.constant 336 : i32
        %dma_start3A_1306 = tpu.memref_slice %arg7[%dma_start3A_1305] : memref<1024xf32, #tpu.memory_space<vmem>> -> memref<16xf32, #tpu.memory_space<vmem>>
        %dma_start3A_1307 = arith.constant 0 : i32
        %dma_start3A_1308 = tpu.memref_slice %arg2[%dma_start3A_1307] : memref<67108864xf32, #tpu.memory_space<hbm>> -> memref<67108864xf32, #tpu.memory_space<hbm>>
        tpu.enqueue_indirect_dma source(%dma_start3A_1308 : memref<67108864xf32, #tpu.memory_space<hbm>>) target(%dma_start3A_1306 : memref<16xf32, #tpu.memory_space<vmem>>) offsets(%add3A_1304 : vector<16xi32>) semaphore(%arg11 : memref<!tpu.dma_semaphore, #tpu.memory_space<semaphore_mem>>)
        %get3A_1309 = arith.constant 352 : index
        %get3A_1310 = tpu.vector_load %arg5[%get3A_1309] {strides = array<i32>} : memref<1024xi32, #tpu.memory_space<vmem>>, vector<16xi32>,
        %add3A_1311 = vector.broadcast %mul3A_1132 : i32 to vector<16xi32>
        %add3A_1312 = arith.addi %get3A_1310, %add3A_1311 : vector<16xi32>
        %dma_start3A_1313 = arith.constant 352 : i32
        %dma_start3A_1314 = tpu.memref_slice %arg7[%dma_start3A_1313] : memref<1024xf32, #tpu.memory_space<vmem>> -> memref<16xf32, #tpu.memory_space<vmem>>
        %dma_start3A_1315 = arith.constant 0 : i32
        %dma_start3A_1316 = tpu.memref_slice %arg2[%dma_start3A_1315] : memref<67108864xf32, #tpu.memory_space<hbm>> -> memref<67108864xf32, #tpu.memory_space<hbm>>
        tpu.enqueue_indirect_dma source(%dma_start3A_1316 : memref<67108864xf32, #tpu.memory_space<hbm>>) target(%dma_start3A_1314 : memref<16xf32, #tpu.memory_space<vmem>>) offsets(%add3A_1312 : vector<16xi32>) semaphore(%arg11 : memref<!tpu.dma_semaphore, #tpu.memory_space<semaphore_mem>>)
        %get3A_1317 = arith.constant 368 : index
        %get3A_1318 = tpu.vector_load %arg5[%get3A_1317] {strides = array<i32>} : memref<1024xi32, #tpu.memory_space<vmem>>, vector<16xi32>,
        %add3A_1319 = vector.broadcast %mul3A_1132 : i32 to vector<16xi32>
        %add3A_1320 = arith.addi %get3A_1318, %add3A_1319 : vector<16xi32>
        %dma_start3A_1321 = arith.constant 368 : i32
        %dma_start3A_1322 = tpu.memref_slice %arg7[%dma_start3A_1321] : memref<1024xf32, #tpu.memory_space<vmem>> -> memref<16xf32, #tpu.memory_space<vmem>>
        %dma_start3A_1323 = arith.constant 0 : i32
        %dma_start3A_1324 = tpu.memref_slice %arg2[%dma_start3A_1323] : memref<67108864xf32, #tpu.memory_space<hbm>> -> memref<67108864xf32, #tpu.memory_space<hbm>>
        tpu.enqueue_indirect_dma source(%dma_start3A_1324 : memref<67108864xf32, #tpu.memory_space<hbm>>) target(%dma_start3A_1322 : memref<16xf32, #tpu.memory_space<vmem>>) offsets(%add3A_1320 : vector<16xi32>) semaphore(%arg11 : memref<!tpu.dma_semaphore, #tpu.memory_space<semaphore_mem>>)
        %get3A_1325 = arith.constant 384 : index
        %get3A_1326 = tpu.vector_load %arg5[%get3A_1325] {strides = array<i32>} : memref<1024xi32, #tpu.memory_space<vmem>>, vector<16xi32>,
        %add3A_1327 = vector.broadcast %mul3A_1132 : i32 to vector<16xi32>
        %add3A_1328 = arith.addi %get3A_1326, %add3A_1327 : vector<16xi32>
        %dma_start3A_1329 = arith.constant 384 : i32
        %dma_start3A_1330 = tpu.memref_slice %arg7[%dma_start3A_1329] : memref<1024xf32, #tpu.memory_space<vmem>> -> memref<16xf32, #tpu.memory_space<vmem>>
        %dma_start3A_1331 = arith.constant 0 : i32
        %dma_start3A_1332 = tpu.memref_slice %arg2[%dma_start3A_1331] : memref<67108864xf32, #tpu.memory_space<hbm>> -> memref<67108864xf32, #tpu.memory_space<hbm>>
        tpu.enqueue_indirect_dma source(%dma_start3A_1332 : memref<67108864xf32, #tpu.memory_space<hbm>>) target(%dma_start3A_1330 : memref<16xf32, #tpu.memory_space<vmem>>) offsets(%add3A_1328 : vector<16xi32>) semaphore(%arg11 : memref<!tpu.dma_semaphore, #tpu.memory_space<semaphore_mem>>)
        %get3A_1333 = arith.constant 400 : index
        %get3A_1334 = tpu.vector_load %arg5[%get3A_1333] {strides = array<i32>} : memref<1024xi32, #tpu.memory_space<vmem>>, vector<16xi32>,
        %add3A_1335 = vector.broadcast %mul3A_1132 : i32 to vector<16xi32>
        %add3A_1336 = arith.addi %get3A_1334, %add3A_1335 : vector<16xi32>
        %dma_start3A_1337 = arith.constant 400 : i32
        %dma_start3A_1338 = tpu.memref_slice %arg7[%dma_start3A_1337] : memref<1024xf32, #tpu.memory_space<vmem>> -> memref<16xf32, #tpu.memory_space<vmem>>
        %dma_start3A_1339 = arith.constant 0 : i32
        %dma_start3A_1340 = tpu.memref_slice %arg2[%dma_start3A_1339] : memref<67108864xf32, #tpu.memory_space<hbm>> -> memref<67108864xf32, #tpu.memory_space<hbm>>
        tpu.enqueue_indirect_dma source(%dma_start3A_1340 : memref<67108864xf32, #tpu.memory_space<hbm>>) target(%dma_start3A_1338 : memref<16xf32, #tpu.memory_space<vmem>>) offsets(%add3A_1336 : vector<16xi32>) semaphore(%arg11 : memref<!tpu.dma_semaphore, #tpu.memory_space<semaphore_mem>>)
        %get3A_1341 = arith.constant 416 : index
        %get3A_1342 = tpu.vector_load %arg5[%get3A_1341] {strides = array<i32>} : memref<1024xi32, #tpu.memory_space<vmem>>, vector<16xi32>,
        %add3A_1343 = vector.broadcast %mul3A_1132 : i32 to vector<16xi32>
        %add3A_1344 = arith.addi %get3A_1342, %add3A_1343 : vector<16xi32>
        %dma_start3A_1345 = arith.constant 416 : i32
        %dma_start3A_1346 = tpu.memref_slice %arg7[%dma_start3A_1345] : memref<1024xf32, #tpu.memory_space<vmem>> -> memref<16xf32, #tpu.memory_space<vmem>>
        %dma_start3A_1347 = arith.constant 0 : i32
        %dma_start3A_1348 = tpu.memref_slice %arg2[%dma_start3A_1347] : memref<67108864xf32, #tpu.memory_space<hbm>> -> memref<67108864xf32, #tpu.memory_space<hbm>>
        tpu.enqueue_indirect_dma source(%dma_start3A_1348 : memref<67108864xf32, #tpu.memory_space<hbm>>) target(%dma_start3A_1346 : memref<16xf32, #tpu.memory_space<vmem>>) offsets(%add3A_1344 : vector<16xi32>) semaphore(%arg11 : memref<!tpu.dma_semaphore, #tpu.memory_space<semaphore_mem>>)
        %get3A_1349 = arith.constant 432 : index
        %get3A_1350 = tpu.vector_load %arg5[%get3A_1349] {strides = array<i32>} : memref<1024xi32, #tpu.memory_space<vmem>>, vector<16xi32>,
        %add3A_1351 = vector.broadcast %mul3A_1132 : i32 to vector<16xi32>
        %add3A_1352 = arith.addi %get3A_1350, %add3A_1351 : vector<16xi32>
        %dma_start3A_1353 = arith.constant 432 : i32
        %dma_start3A_1354 = tpu.memref_slice %arg7[%dma_start3A_1353] : memref<1024xf32, #tpu.memory_space<vmem>> -> memref<16xf32, #tpu.memory_space<vmem>>
        %dma_start3A_1355 = arith.constant 0 : i32
        %dma_start3A_1356 = tpu.memref_slice %arg2[%dma_start3A_1355] : memref<67108864xf32, #tpu.memory_space<hbm>> -> memref<67108864xf32, #tpu.memory_space<hbm>>
        tpu.enqueue_indirect_dma source(%dma_start3A_1356 : memref<67108864xf32, #tpu.memory_space<hbm>>) target(%dma_start3A_1354 : memref<16xf32, #tpu.memory_space<vmem>>) offsets(%add3A_1352 : vector<16xi32>) semaphore(%arg11 : memref<!tpu.dma_semaphore, #tpu.memory_space<semaphore_mem>>)
        %get3A_1357 = arith.constant 448 : index
        %get3A_1358 = tpu.vector_load %arg5[%get3A_1357] {strides = array<i32>} : memref<1024xi32, #tpu.memory_space<vmem>>, vector<16xi32>,
        %add3A_1359 = vector.broadcast %mul3A_1132 : i32 to vector<16xi32>
        %add3A_1360 = arith.addi %get3A_1358, %add3A_1359 : vector<16xi32>
        %dma_start3A_1361 = arith.constant 448 : i32
        %dma_start3A_1362 = tpu.memref_slice %arg7[%dma_start3A_1361] : memref<1024xf32, #tpu.memory_space<vmem>> -> memref<16xf32, #tpu.memory_space<vmem>>
        %dma_start3A_1363 = arith.constant 0 : i32
        %dma_start3A_1364 = tpu.memref_slice %arg2[%dma_start3A_1363] : memref<67108864xf32, #tpu.memory_space<hbm>> -> memref<67108864xf32, #tpu.memory_space<hbm>>
        tpu.enqueue_indirect_dma source(%dma_start3A_1364 : memref<67108864xf32, #tpu.memory_space<hbm>>) target(%dma_start3A_1362 : memref<16xf32, #tpu.memory_space<vmem>>) offsets(%add3A_1360 : vector<16xi32>) semaphore(%arg11 : memref<!tpu.dma_semaphore, #tpu.memory_space<semaphore_mem>>)
        %get3A_1365 = arith.constant 464 : index
        %get3A_1366 = tpu.vector_load %arg5[%get3A_1365] {strides = array<i32>} : memref<1024xi32, #tpu.memory_space<vmem>>, vector<16xi32>,
        %add3A_1367 = vector.broadcast %mul3A_1132 : i32 to vector<16xi32>
        %add3A_1368 = arith.addi %get3A_1366, %add3A_1367 : vector<16xi32>
        %dma_start3A_1369 = arith.constant 464 : i32
        %dma_start3A_1370 = tpu.memref_slice %arg7[%dma_start3A_1369] : memref<1024xf32, #tpu.memory_space<vmem>> -> memref<16xf32, #tpu.memory_space<vmem>>
        %dma_start3A_1371 = arith.constant 0 : i32
        %dma_start3A_1372 = tpu.memref_slice %arg2[%dma_start3A_1371] : memref<67108864xf32, #tpu.memory_space<hbm>> -> memref<67108864xf32, #tpu.memory_space<hbm>>
        tpu.enqueue_indirect_dma source(%dma_start3A_1372 : memref<67108864xf32, #tpu.memory_space<hbm>>) target(%dma_start3A_1370 : memref<16xf32, #tpu.memory_space<vmem>>) offsets(%add3A_1368 : vector<16xi32>) semaphore(%arg11 : memref<!tpu.dma_semaphore, #tpu.memory_space<semaphore_mem>>)
        %get3A_1373 = arith.constant 480 : index
        %get3A_1374 = tpu.vector_load %arg5[%get3A_1373] {strides = array<i32>} : memref<1024xi32, #tpu.memory_space<vmem>>, vector<16xi32>,
        %add3A_1375 = vector.broadcast %mul3A_1132 : i32 to vector<16xi32>
        %add3A_1376 = arith.addi %get3A_1374, %add3A_1375 : vector<16xi32>
        %dma_start3A_1377 = arith.constant 480 : i32
        %dma_start3A_1378 = tpu.memref_slice %arg7[%dma_start3A_1377] : memref<1024xf32, #tpu.memory_space<vmem>> -> memref<16xf32, #tpu.memory_space<vmem>>
        %dma_start3A_1379 = arith.constant 0 : i32
        %dma_start3A_1380 = tpu.memref_slice %arg2[%dma_start3A_1379] : memref<67108864xf32, #tpu.memory_space<hbm>> -> memref<67108864xf32, #tpu.memory_space<hbm>>
        tpu.enqueue_indirect_dma source(%dma_start3A_1380 : memref<67108864xf32, #tpu.memory_space<hbm>>) target(%dma_start3A_1378 : memref<16xf32, #tpu.memory_space<vmem>>) offsets(%add3A_1376 : vector<16xi32>) semaphore(%arg11 : memref<!tpu.dma_semaphore, #tpu.memory_space<semaphore_mem>>)
        %get3A_1381 = arith.constant 496 : index
        %get3A_1382 = tpu.vector_load %arg5[%get3A_1381] {strides = array<i32>} : memref<1024xi32, #tpu.memory_space<vmem>>, vector<16xi32>,
        %add3A_1383 = vector.broadcast %mul3A_1132 : i32 to vector<16xi32>
        %add3A_1384 = arith.addi %get3A_1382, %add3A_1383 : vector<16xi32>
        %dma_start3A_1385 = arith.constant 496 : i32
        %dma_start3A_1386 = tpu.memref_slice %arg7[%dma_start3A_1385] : memref<1024xf32, #tpu.memory_space<vmem>> -> memref<16xf32, #tpu.memory_space<vmem>>
        %dma_start3A_1387 = arith.constant 0 : i32
        %dma_start3A_1388 = tpu.memref_slice %arg2[%dma_start3A_1387] : memref<67108864xf32, #tpu.memory_space<hbm>> -> memref<67108864xf32, #tpu.memory_space<hbm>>
        tpu.enqueue_indirect_dma source(%dma_start3A_1388 : memref<67108864xf32, #tpu.memory_space<hbm>>) target(%dma_start3A_1386 : memref<16xf32, #tpu.memory_space<vmem>>) offsets(%add3A_1384 : vector<16xi32>) semaphore(%arg11 : memref<!tpu.dma_semaphore, #tpu.memory_space<semaphore_mem>>)
        %get3A_1389 = arith.constant 512 : index
        %get3A_1390 = tpu.vector_load %arg5[%get3A_1389] {strides = array<i32>} : memref<1024xi32, #tpu.memory_space<vmem>>, vector<16xi32>,
        %add3A_1391 = vector.broadcast %mul3A_1132 : i32 to vector<16xi32>
        %add3A_1392 = arith.addi %get3A_1390, %add3A_1391 : vector<16xi32>
        %dma_start3A_1393 = arith.constant 512 : i32
        %dma_start3A_1394 = tpu.memref_slice %arg7[%dma_start3A_1393] : memref<1024xf32, #tpu.memory_space<vmem>> -> memref<16xf32, #tpu.memory_space<vmem>>
        %dma_start3A_1395 = arith.constant 0 : i32
        %dma_start3A_1396 = tpu.memref_slice %arg2[%dma_start3A_1395] : memref<67108864xf32, #tpu.memory_space<hbm>> -> memref<67108864xf32, #tpu.memory_space<hbm>>
        tpu.enqueue_indirect_dma source(%dma_start3A_1396 : memref<67108864xf32, #tpu.memory_space<hbm>>) target(%dma_start3A_1394 : memref<16xf32, #tpu.memory_space<vmem>>) offsets(%add3A_1392 : vector<16xi32>) semaphore(%arg11 : memref<!tpu.dma_semaphore, #tpu.memory_space<semaphore_mem>>)
        %get3A_1397 = arith.constant 528 : index
        %get3A_1398 = tpu.vector_load %arg5[%get3A_1397] {strides = array<i32>} : memref<1024xi32, #tpu.memory_space<vmem>>, vector<16xi32>,
        %add3A_1399 = vector.broadcast %mul3A_1132 : i32 to vector<16xi32>
        %add3A_1400 = arith.addi %get3A_1398, %add3A_1399 : vector<16xi32>
        %dma_start3A_1401 = arith.constant 528 : i32
        %dma_start3A_1402 = tpu.memref_slice %arg7[%dma_start3A_1401] : memref<1024xf32, #tpu.memory_space<vmem>> -> memref<16xf32, #tpu.memory_space<vmem>>
        %dma_start3A_1403 = arith.constant 0 : i32
        %dma_start3A_1404 = tpu.memref_slice %arg2[%dma_start3A_1403] : memref<67108864xf32, #tpu.memory_space<hbm>> -> memref<67108864xf32, #tpu.memory_space<hbm>>
        tpu.enqueue_indirect_dma source(%dma_start3A_1404 : memref<67108864xf32, #tpu.memory_space<hbm>>) target(%dma_start3A_1402 : memref<16xf32, #tpu.memory_space<vmem>>) offsets(%add3A_1400 : vector<16xi32>) semaphore(%arg11 : memref<!tpu.dma_semaphore, #tpu.memory_space<semaphore_mem>>)
        %get3A_1405 = arith.constant 544 : index
        %get3A_1406 = tpu.vector_load %arg5[%get3A_1405] {strides = array<i32>} : memref<1024xi32, #tpu.memory_space<vmem>>, vector<16xi32>,
        %add3A_1407 = vector.broadcast %mul3A_1132 : i32 to vector<16xi32>
        %add3A_1408 = arith.addi %get3A_1406, %add3A_1407 : vector<16xi32>
        %dma_start3A_1409 = arith.constant 544 : i32
        %dma_start3A_1410 = tpu.memref_slice %arg7[%dma_start3A_1409] : memref<1024xf32, #tpu.memory_space<vmem>> -> memref<16xf32, #tpu.memory_space<vmem>>
        %dma_start3A_1411 = arith.constant 0 : i32
        %dma_start3A_1412 = tpu.memref_slice %arg2[%dma_start3A_1411] : memref<67108864xf32, #tpu.memory_space<hbm>> -> memref<67108864xf32, #tpu.memory_space<hbm>>
        tpu.enqueue_indirect_dma source(%dma_start3A_1412 : memref<67108864xf32, #tpu.memory_space<hbm>>) target(%dma_start3A_1410 : memref<16xf32, #tpu.memory_space<vmem>>) offsets(%add3A_1408 : vector<16xi32>) semaphore(%arg11 : memref<!tpu.dma_semaphore, #tpu.memory_space<semaphore_mem>>)
        %get3A_1413 = arith.constant 560 : index
        %get3A_1414 = tpu.vector_load %arg5[%get3A_1413] {strides = array<i32>} : memref<1024xi32, #tpu.memory_space<vmem>>, vector<16xi32>,
        %add3A_1415 = vector.broadcast %mul3A_1132 : i32 to vector<16xi32>
        %add3A_1416 = arith.addi %get3A_1414, %add3A_1415 : vector<16xi32>
        %dma_start3A_1417 = arith.constant 560 : i32
        %dma_start3A_1418 = tpu.memref_slice %arg7[%dma_start3A_1417] : memref<1024xf32, #tpu.memory_space<vmem>> -> memref<16xf32, #tpu.memory_space<vmem>>
        %dma_start3A_1419 = arith.constant 0 : i32
        %dma_start3A_1420 = tpu.memref_slice %arg2[%dma_start3A_1419] : memref<67108864xf32, #tpu.memory_space<hbm>> -> memref<67108864xf32, #tpu.memory_space<hbm>>
        tpu.enqueue_indirect_dma source(%dma_start3A_1420 : memref<67108864xf32, #tpu.memory_space<hbm>>) target(%dma_start3A_1418 : memref<16xf32, #tpu.memory_space<vmem>>) offsets(%add3A_1416 : vector<16xi32>) semaphore(%arg11 : memref<!tpu.dma_semaphore, #tpu.memory_space<semaphore_mem>>)
        %get3A_1421 = arith.constant 576 : index
        %get3A_1422 = tpu.vector_load %arg5[%get3A_1421] {strides = array<i32>} : memref<1024xi32, #tpu.memory_space<vmem>>, vector<16xi32>,
        %add3A_1423 = vector.broadcast %mul3A_1132 : i32 to vector<16xi32>
        %add3A_1424 = arith.addi %get3A_1422, %add3A_1423 : vector<16xi32>
        %dma_start3A_1425 = arith.constant 576 : i32
        %dma_start3A_1426 = tpu.memref_slice %arg7[%dma_start3A_1425] : memref<1024xf32, #tpu.memory_space<vmem>> -> memref<16xf32, #tpu.memory_space<vmem>>
        %dma_start3A_1427 = arith.constant 0 : i32
        %dma_start3A_1428 = tpu.memref_slice %arg2[%dma_start3A_1427] : memref<67108864xf32, #tpu.memory_space<hbm>> -> memref<67108864xf32, #tpu.memory_space<hbm>>
        tpu.enqueue_indirect_dma source(%dma_start3A_1428 : memref<67108864xf32, #tpu.memory_space<hbm>>) target(%dma_start3A_1426 : memref<16xf32, #tpu.memory_space<vmem>>) offsets(%add3A_1424 : vector<16xi32>) semaphore(%arg11 : memref<!tpu.dma_semaphore, #tpu.memory_space<semaphore_mem>>)
        %get3A_1429 = arith.constant 592 : index
        %get3A_1430 = tpu.vector_load %arg5[%get3A_1429] {strides = array<i32>} : memref<1024xi32, #tpu.memory_space<vmem>>, vector<16xi32>,
        %add3A_1431 = vector.broadcast %mul3A_1132 : i32 to vector<16xi32>
        %add3A_1432 = arith.addi %get3A_1430, %add3A_1431 : vector<16xi32>
        %dma_start3A_1433 = arith.constant 592 : i32
        %dma_start3A_1434 = tpu.memref_slice %arg7[%dma_start3A_1433] : memref<1024xf32, #tpu.memory_space<vmem>> -> memref<16xf32, #tpu.memory_space<vmem>>
        %dma_start3A_1435 = arith.constant 0 : i32
        %dma_start3A_1436 = tpu.memref_slice %arg2[%dma_start3A_1435] : memref<67108864xf32, #tpu.memory_space<hbm>> -> memref<67108864xf32, #tpu.memory_space<hbm>>
        tpu.enqueue_indirect_dma source(%dma_start3A_1436 : memref<67108864xf32, #tpu.memory_space<hbm>>) target(%dma_start3A_1434 : memref<16xf32, #tpu.memory_space<vmem>>) offsets(%add3A_1432 : vector<16xi32>) semaphore(%arg11 : memref<!tpu.dma_semaphore, #tpu.memory_space<semaphore_mem>>)
        %get3A_1437 = arith.constant 608 : index
        %get3A_1438 = tpu.vector_load %arg5[%get3A_1437] {strides = array<i32>} : memref<1024xi32, #tpu.memory_space<vmem>>, vector<16xi32>,
        %add3A_1439 = vector.broadcast %mul3A_1132 : i32 to vector<16xi32>
        %add3A_1440 = arith.addi %get3A_1438, %add3A_1439 : vector<16xi32>
        %dma_start3A_1441 = arith.constant 608 : i32
        %dma_start3A_1442 = tpu.memref_slice %arg7[%dma_start3A_1441] : memref<1024xf32, #tpu.memory_space<vmem>> -> memref<16xf32, #tpu.memory_space<vmem>>
        %dma_start3A_1443 = arith.constant 0 : i32
        %dma_start3A_1444 = tpu.memref_slice %arg2[%dma_start3A_1443] : memref<67108864xf32, #tpu.memory_space<hbm>> -> memref<67108864xf32, #tpu.memory_space<hbm>>
        tpu.enqueue_indirect_dma source(%dma_start3A_1444 : memref<67108864xf32, #tpu.memory_space<hbm>>) target(%dma_start3A_1442 : memref<16xf32, #tpu.memory_space<vmem>>) offsets(%add3A_1440 : vector<16xi32>) semaphore(%arg11 : memref<!tpu.dma_semaphore, #tpu.memory_space<semaphore_mem>>)
        %get3A_1445 = arith.constant 624 : index
        %get3A_1446 = tpu.vector_load %arg5[%get3A_1445] {strides = array<i32>} : memref<1024xi32, #tpu.memory_space<vmem>>, vector<16xi32>,
        %add3A_1447 = vector.broadcast %mul3A_1132 : i32 to vector<16xi32>
        %add3A_1448 = arith.addi %get3A_1446, %add3A_1447 : vector<16xi32>
        %dma_start3A_1449 = arith.constant 624 : i32
        %dma_start3A_1450 = tpu.memref_slice %arg7[%dma_start3A_1449] : memref<1024xf32, #tpu.memory_space<vmem>> -> memref<16xf32, #tpu.memory_space<vmem>>
        %dma_start3A_1451 = arith.constant 0 : i32
        %dma_start3A_1452 = tpu.memref_slice %arg2[%dma_start3A_1451] : memref<67108864xf32, #tpu.memory_space<hbm>> -> memref<67108864xf32, #tpu.memory_space<hbm>>
        tpu.enqueue_indirect_dma source(%dma_start3A_1452 : memref<67108864xf32, #tpu.memory_space<hbm>>) target(%dma_start3A_1450 : memref<16xf32, #tpu.memory_space<vmem>>) offsets(%add3A_1448 : vector<16xi32>) semaphore(%arg11 : memref<!tpu.dma_semaphore, #tpu.memory_space<semaphore_mem>>)
        %get3A_1453 = arith.constant 640 : index
        %get3A_1454 = tpu.vector_load %arg5[%get3A_1453] {strides = array<i32>} : memref<1024xi32, #tpu.memory_space<vmem>>, vector<16xi32>,
        %add3A_1455 = vector.broadcast %mul3A_1132 : i32 to vector<16xi32>
        %add3A_1456 = arith.addi %get3A_1454, %add3A_1455 : vector<16xi32>
        %dma_start3A_1457 = arith.constant 640 : i32
        %dma_start3A_1458 = tpu.memref_slice %arg7[%dma_start3A_1457] : memref<1024xf32, #tpu.memory_space<vmem>> -> memref<16xf32, #tpu.memory_space<vmem>>
        %dma_start3A_1459 = arith.constant 0 : i32
        %dma_start3A_1460 = tpu.memref_slice %arg2[%dma_start3A_1459] : memref<67108864xf32, #tpu.memory_space<hbm>> -> memref<67108864xf32, #tpu.memory_space<hbm>>
        tpu.enqueue_indirect_dma source(%dma_start3A_1460 : memref<67108864xf32, #tpu.memory_space<hbm>>) target(%dma_start3A_1458 : memref<16xf32, #tpu.memory_space<vmem>>) offsets(%add3A_1456 : vector<16xi32>) semaphore(%arg11 : memref<!tpu.dma_semaphore, #tpu.memory_space<semaphore_mem>>)
        %get3A_1461 = arith.constant 656 : index
        %get3A_1462 = tpu.vector_load %arg5[%get3A_1461] {strides = array<i32>} : memref<1024xi32, #tpu.memory_space<vmem>>, vector<16xi32>,
        %add3A_1463 = vector.broadcast %mul3A_1132 : i32 to vector<16xi32>
        %add3A_1464 = arith.addi %get3A_1462, %add3A_1463 : vector<16xi32>
        %dma_start3A_1465 = arith.constant 656 : i32
        %dma_start3A_1466 = tpu.memref_slice %arg7[%dma_start3A_1465] : memref<1024xf32, #tpu.memory_space<vmem>> -> memref<16xf32, #tpu.memory_space<vmem>>
        %dma_start3A_1467 = arith.constant 0 : i32
        %dma_start3A_1468 = tpu.memref_slice %arg2[%dma_start3A_1467] : memref<67108864xf32, #tpu.memory_space<hbm>> -> memref<67108864xf32, #tpu.memory_space<hbm>>
        tpu.enqueue_indirect_dma source(%dma_start3A_1468 : memref<67108864xf32, #tpu.memory_space<hbm>>) target(%dma_start3A_1466 : memref<16xf32, #tpu.memory_space<vmem>>) offsets(%add3A_1464 : vector<16xi32>) semaphore(%arg11 : memref<!tpu.dma_semaphore, #tpu.memory_space<semaphore_mem>>)
        %get3A_1469 = arith.constant 672 : index
        %get3A_1470 = tpu.vector_load %arg5[%get3A_1469] {strides = array<i32>} : memref<1024xi32, #tpu.memory_space<vmem>>, vector<16xi32>,
        %add3A_1471 = vector.broadcast %mul3A_1132 : i32 to vector<16xi32>
        %add3A_1472 = arith.addi %get3A_1470, %add3A_1471 : vector<16xi32>
        %dma_start3A_1473 = arith.constant 672 : i32
        %dma_start3A_1474 = tpu.memref_slice %arg7[%dma_start3A_1473] : memref<1024xf32, #tpu.memory_space<vmem>> -> memref<16xf32, #tpu.memory_space<vmem>>
        %dma_start3A_1475 = arith.constant 0 : i32
        %dma_start3A_1476 = tpu.memref_slice %arg2[%dma_start3A_1475] : memref<67108864xf32, #tpu.memory_space<hbm>> -> memref<67108864xf32, #tpu.memory_space<hbm>>
        tpu.enqueue_indirect_dma source(%dma_start3A_1476 : memref<67108864xf32, #tpu.memory_space<hbm>>) target(%dma_start3A_1474 : memref<16xf32, #tpu.memory_space<vmem>>) offsets(%add3A_1472 : vector<16xi32>) semaphore(%arg11 : memref<!tpu.dma_semaphore, #tpu.memory_space<semaphore_mem>>)
        %get3A_1477 = arith.constant 688 : index
        %get3A_1478 = tpu.vector_load %arg5[%get3A_1477] {strides = array<i32>} : memref<1024xi32, #tpu.memory_space<vmem>>, vector<16xi32>,
        %add3A_1479 = vector.broadcast %mul3A_1132 : i32 to vector<16xi32>
        %add3A_1480 = arith.addi %get3A_1478, %add3A_1479 : vector<16xi32>
        %dma_start3A_1481 = arith.constant 688 : i32
        %dma_start3A_1482 = tpu.memref_slice %arg7[%dma_start3A_1481] : memref<1024xf32, #tpu.memory_space<vmem>> -> memref<16xf32, #tpu.memory_space<vmem>>
        %dma_start3A_1483 = arith.constant 0 : i32
        %dma_start3A_1484 = tpu.memref_slice %arg2[%dma_start3A_1483] : memref<67108864xf32, #tpu.memory_space<hbm>> -> memref<67108864xf32, #tpu.memory_space<hbm>>
        tpu.enqueue_indirect_dma source(%dma_start3A_1484 : memref<67108864xf32, #tpu.memory_space<hbm>>) target(%dma_start3A_1482 : memref<16xf32, #tpu.memory_space<vmem>>) offsets(%add3A_1480 : vector<16xi32>) semaphore(%arg11 : memref<!tpu.dma_semaphore, #tpu.memory_space<semaphore_mem>>)
        %get3A_1485 = arith.constant 704 : index
        %get3A_1486 = tpu.vector_load %arg5[%get3A_1485] {strides = array<i32>} : memref<1024xi32, #tpu.memory_space<vmem>>, vector<16xi32>,
        %add3A_1487 = vector.broadcast %mul3A_1132 : i32 to vector<16xi32>
        %add3A_1488 = arith.addi %get3A_1486, %add3A_1487 : vector<16xi32>
        %dma_start3A_1489 = arith.constant 704 : i32
        %dma_start3A_1490 = tpu.memref_slice %arg7[%dma_start3A_1489] : memref<1024xf32, #tpu.memory_space<vmem>> -> memref<16xf32, #tpu.memory_space<vmem>>
        %dma_start3A_1491 = arith.constant 0 : i32
        %dma_start3A_1492 = tpu.memref_slice %arg2[%dma_start3A_1491] : memref<67108864xf32, #tpu.memory_space<hbm>> -> memref<67108864xf32, #tpu.memory_space<hbm>>
        tpu.enqueue_indirect_dma source(%dma_start3A_1492 : memref<67108864xf32, #tpu.memory_space<hbm>>) target(%dma_start3A_1490 : memref<16xf32, #tpu.memory_space<vmem>>) offsets(%add3A_1488 : vector<16xi32>) semaphore(%arg11 : memref<!tpu.dma_semaphore, #tpu.memory_space<semaphore_mem>>)
        %get3A_1493 = arith.constant 720 : index
        %get3A_1494 = tpu.vector_load %arg5[%get3A_1493] {strides = array<i32>} : memref<1024xi32, #tpu.memory_space<vmem>>, vector<16xi32>,
        %add3A_1495 = vector.broadcast %mul3A_1132 : i32 to vector<16xi32>
        %add3A_1496 = arith.addi %get3A_1494, %add3A_1495 : vector<16xi32>
        %dma_start3A_1497 = arith.constant 720 : i32
        %dma_start3A_1498 = tpu.memref_slice %arg7[%dma_start3A_1497] : memref<1024xf32, #tpu.memory_space<vmem>> -> memref<16xf32, #tpu.memory_space<vmem>>
        %dma_start3A_1499 = arith.constant 0 : i32
        %dma_start3A_1500 = tpu.memref_slice %arg2[%dma_start3A_1499] : memref<67108864xf32, #tpu.memory_space<hbm>> -> memref<67108864xf32, #tpu.memory_space<hbm>>
        tpu.enqueue_indirect_dma source(%dma_start3A_1500 : memref<67108864xf32, #tpu.memory_space<hbm>>) target(%dma_start3A_1498 : memref<16xf32, #tpu.memory_space<vmem>>) offsets(%add3A_1496 : vector<16xi32>) semaphore(%arg11 : memref<!tpu.dma_semaphore, #tpu.memory_space<semaphore_mem>>)
        %get3A_1501 = arith.constant 736 : index
        %get3A_1502 = tpu.vector_load %arg5[%get3A_1501] {strides = array<i32>} : memref<1024xi32, #tpu.memory_space<vmem>>, vector<16xi32>,
        %add3A_1503 = vector.broadcast %mul3A_1132 : i32 to vector<16xi32>
        %add3A_1504 = arith.addi %get3A_1502, %add3A_1503 : vector<16xi32>
        %dma_start3A_1505 = arith.constant 736 : i32
        %dma_start3A_1506 = tpu.memref_slice %arg7[%dma_start3A_1505] : memref<1024xf32, #tpu.memory_space<vmem>> -> memref<16xf32, #tpu.memory_space<vmem>>
        %dma_start3A_1507 = arith.constant 0 : i32
        %dma_start3A_1508 = tpu.memref_slice %arg2[%dma_start3A_1507] : memref<67108864xf32, #tpu.memory_space<hbm>> -> memref<67108864xf32, #tpu.memory_space<hbm>>
        tpu.enqueue_indirect_dma source(%dma_start3A_1508 : memref<67108864xf32, #tpu.memory_space<hbm>>) target(%dma_start3A_1506 : memref<16xf32, #tpu.memory_space<vmem>>) offsets(%add3A_1504 : vector<16xi32>) semaphore(%arg11 : memref<!tpu.dma_semaphore, #tpu.memory_space<semaphore_mem>>)
        %get3A_1509 = arith.constant 752 : index
        %get3A_1510 = tpu.vector_load %arg5[%get3A_1509] {strides = array<i32>} : memref<1024xi32, #tpu.memory_space<vmem>>, vector<16xi32>,
        %add3A_1511 = vector.broadcast %mul3A_1132 : i32 to vector<16xi32>
        %add3A_1512 = arith.addi %get3A_1510, %add3A_1511 : vector<16xi32>
        %dma_start3A_1513 = arith.constant 752 : i32
        %dma_start3A_1514 = tpu.memref_slice %arg7[%dma_start3A_1513] : memref<1024xf32, #tpu.memory_space<vmem>> -> memref<16xf32, #tpu.memory_space<vmem>>
        %dma_start3A_1515 = arith.constant 0 : i32
        %dma_start3A_1516 = tpu.memref_slice %arg2[%dma_start3A_1515] : memref<67108864xf32, #tpu.memory_space<hbm>> -> memref<67108864xf32, #tpu.memory_space<hbm>>
        tpu.enqueue_indirect_dma source(%dma_start3A_1516 : memref<67108864xf32, #tpu.memory_space<hbm>>) target(%dma_start3A_1514 : memref<16xf32, #tpu.memory_space<vmem>>) offsets(%add3A_1512 : vector<16xi32>) semaphore(%arg11 : memref<!tpu.dma_semaphore, #tpu.memory_space<semaphore_mem>>)
        %get3A_1517 = arith.constant 768 : index
        %get3A_1518 = tpu.vector_load %arg5[%get3A_1517] {strides = array<i32>} : memref<1024xi32, #tpu.memory_space<vmem>>, vector<16xi32>,
        %add3A_1519 = vector.broadcast %mul3A_1132 : i32 to vector<16xi32>
        %add3A_1520 = arith.addi %get3A_1518, %add3A_1519 : vector<16xi32>
        %dma_start3A_1521 = arith.constant 768 : i32
        %dma_start3A_1522 = tpu.memref_slice %arg7[%dma_start3A_1521] : memref<1024xf32, #tpu.memory_space<vmem>> -> memref<16xf32, #tpu.memory_space<vmem>>
        %dma_start3A_1523 = arith.constant 0 : i32
        %dma_start3A_1524 = tpu.memref_slice %arg2[%dma_start3A_1523] : memref<67108864xf32, #tpu.memory_space<hbm>> -> memref<67108864xf32, #tpu.memory_space<hbm>>
        tpu.enqueue_indirect_dma source(%dma_start3A_1524 : memref<67108864xf32, #tpu.memory_space<hbm>>) target(%dma_start3A_1522 : memref<16xf32, #tpu.memory_space<vmem>>) offsets(%add3A_1520 : vector<16xi32>) semaphore(%arg11 : memref<!tpu.dma_semaphore, #tpu.memory_space<semaphore_mem>>)
        %get3A_1525 = arith.constant 784 : index
        %get3A_1526 = tpu.vector_load %arg5[%get3A_1525] {strides = array<i32>} : memref<1024xi32, #tpu.memory_space<vmem>>, vector<16xi32>,
        %add3A_1527 = vector.broadcast %mul3A_1132 : i32 to vector<16xi32>
        %add3A_1528 = arith.addi %get3A_1526, %add3A_1527 : vector<16xi32>
        %dma_start3A_1529 = arith.constant 784 : i32
        %dma_start3A_1530 = tpu.memref_slice %arg7[%dma_start3A_1529] : memref<1024xf32, #tpu.memory_space<vmem>> -> memref<16xf32, #tpu.memory_space<vmem>>
        %dma_start3A_1531 = arith.constant 0 : i32
        %dma_start3A_1532 = tpu.memref_slice %arg2[%dma_start3A_1531] : memref<67108864xf32, #tpu.memory_space<hbm>> -> memref<67108864xf32, #tpu.memory_space<hbm>>
        tpu.enqueue_indirect_dma source(%dma_start3A_1532 : memref<67108864xf32, #tpu.memory_space<hbm>>) target(%dma_start3A_1530 : memref<16xf32, #tpu.memory_space<vmem>>) offsets(%add3A_1528 : vector<16xi32>) semaphore(%arg11 : memref<!tpu.dma_semaphore, #tpu.memory_space<semaphore_mem>>)
        %get3A_1533 = arith.constant 800 : index
        %get3A_1534 = tpu.vector_load %arg5[%get3A_1533] {strides = array<i32>} : memref<1024xi32, #tpu.memory_space<vmem>>, vector<16xi32>,
        %add3A_1535 = vector.broadcast %mul3A_1132 : i32 to vector<16xi32>
        %add3A_1536 = arith.addi %get3A_1534, %add3A_1535 : vector<16xi32>
        %dma_start3A_1537 = arith.constant 800 : i32
        %dma_start3A_1538 = tpu.memref_slice %arg7[%dma_start3A_1537] : memref<1024xf32, #tpu.memory_space<vmem>> -> memref<16xf32, #tpu.memory_space<vmem>>
        %dma_start3A_1539 = arith.constant 0 : i32
        %dma_start3A_1540 = tpu.memref_slice %arg2[%dma_start3A_1539] : memref<67108864xf32, #tpu.memory_space<hbm>> -> memref<67108864xf32, #tpu.memory_space<hbm>>
        tpu.enqueue_indirect_dma source(%dma_start3A_1540 : memref<67108864xf32, #tpu.memory_space<hbm>>) target(%dma_start3A_1538 : memref<16xf32, #tpu.memory_space<vmem>>) offsets(%add3A_1536 : vector<16xi32>) semaphore(%arg11 : memref<!tpu.dma_semaphore, #tpu.memory_space<semaphore_mem>>)
        %get3A_1541 = arith.constant 816 : index
        %get3A_1542 = tpu.vector_load %arg5[%get3A_1541] {strides = array<i32>} : memref<1024xi32, #tpu.memory_space<vmem>>, vector<16xi32>,
        %add3A_1543 = vector.broadcast %mul3A_1132 : i32 to vector<16xi32>
        %add3A_1544 = arith.addi %get3A_1542, %add3A_1543 : vector<16xi32>
        %dma_start3A_1545 = arith.constant 816 : i32
        %dma_start3A_1546 = tpu.memref_slice %arg7[%dma_start3A_1545] : memref<1024xf32, #tpu.memory_space<vmem>> -> memref<16xf32, #tpu.memory_space<vmem>>
        %dma_start3A_1547 = arith.constant 0 : i32
        %dma_start3A_1548 = tpu.memref_slice %arg2[%dma_start3A_1547] : memref<67108864xf32, #tpu.memory_space<hbm>> -> memref<67108864xf32, #tpu.memory_space<hbm>>
        tpu.enqueue_indirect_dma source(%dma_start3A_1548 : memref<67108864xf32, #tpu.memory_space<hbm>>) target(%dma_start3A_1546 : memref<16xf32, #tpu.memory_space<vmem>>) offsets(%add3A_1544 : vector<16xi32>) semaphore(%arg11 : memref<!tpu.dma_semaphore, #tpu.memory_space<semaphore_mem>>)
        %get3A_1549 = arith.constant 832 : index
        %get3A_1550 = tpu.vector_load %arg5[%get3A_1549] {strides = array<i32>} : memref<1024xi32, #tpu.memory_space<vmem>>, vector<16xi32>,
        %add3A_1551 = vector.broadcast %mul3A_1132 : i32 to vector<16xi32>
        %add3A_1552 = arith.addi %get3A_1550, %add3A_1551 : vector<16xi32>
        %dma_start3A_1553 = arith.constant 832 : i32
        %dma_start3A_1554 = tpu.memref_slice %arg7[%dma_start3A_1553] : memref<1024xf32, #tpu.memory_space<vmem>> -> memref<16xf32, #tpu.memory_space<vmem>>
        %dma_start3A_1555 = arith.constant 0 : i32
        %dma_start3A_1556 = tpu.memref_slice %arg2[%dma_start3A_1555] : memref<67108864xf32, #tpu.memory_space<hbm>> -> memref<67108864xf32, #tpu.memory_space<hbm>>
        tpu.enqueue_indirect_dma source(%dma_start3A_1556 : memref<67108864xf32, #tpu.memory_space<hbm>>) target(%dma_start3A_1554 : memref<16xf32, #tpu.memory_space<vmem>>) offsets(%add3A_1552 : vector<16xi32>) semaphore(%arg11 : memref<!tpu.dma_semaphore, #tpu.memory_space<semaphore_mem>>)
        %get3A_1557 = arith.constant 848 : index
        %get3A_1558 = tpu.vector_load %arg5[%get3A_1557] {strides = array<i32>} : memref<1024xi32, #tpu.memory_space<vmem>>, vector<16xi32>,
        %add3A_1559 = vector.broadcast %mul3A_1132 : i32 to vector<16xi32>
        %add3A_1560 = arith.addi %get3A_1558, %add3A_1559 : vector<16xi32>
        %dma_start3A_1561 = arith.constant 848 : i32
        %dma_start3A_1562 = tpu.memref_slice %arg7[%dma_start3A_1561] : memref<1024xf32, #tpu.memory_space<vmem>> -> memref<16xf32, #tpu.memory_space<vmem>>
        %dma_start3A_1563 = arith.constant 0 : i32
        %dma_start3A_1564 = tpu.memref_slice %arg2[%dma_start3A_1563] : memref<67108864xf32, #tpu.memory_space<hbm>> -> memref<67108864xf32, #tpu.memory_space<hbm>>
        tpu.enqueue_indirect_dma source(%dma_start3A_1564 : memref<67108864xf32, #tpu.memory_space<hbm>>) target(%dma_start3A_1562 : memref<16xf32, #tpu.memory_space<vmem>>) offsets(%add3A_1560 : vector<16xi32>) semaphore(%arg11 : memref<!tpu.dma_semaphore, #tpu.memory_space<semaphore_mem>>)
        %get3A_1565 = arith.constant 864 : index
        %get3A_1566 = tpu.vector_load %arg5[%get3A_1565] {strides = array<i32>} : memref<1024xi32, #tpu.memory_space<vmem>>, vector<16xi32>,
        %add3A_1567 = vector.broadcast %mul3A_1132 : i32 to vector<16xi32>
        %add3A_1568 = arith.addi %get3A_1566, %add3A_1567 : vector<16xi32>
        %dma_start3A_1569 = arith.constant 864 : i32
        %dma_start3A_1570 = tpu.memref_slice %arg7[%dma_start3A_1569] : memref<1024xf32, #tpu.memory_space<vmem>> -> memref<16xf32, #tpu.memory_space<vmem>>
        %dma_start3A_1571 = arith.constant 0 : i32
        %dma_start3A_1572 = tpu.memref_slice %arg2[%dma_start3A_1571] : memref<67108864xf32, #tpu.memory_space<hbm>> -> memref<67108864xf32, #tpu.memory_space<hbm>>
        tpu.enqueue_indirect_dma source(%dma_start3A_1572 : memref<67108864xf32, #tpu.memory_space<hbm>>) target(%dma_start3A_1570 : memref<16xf32, #tpu.memory_space<vmem>>) offsets(%add3A_1568 : vector<16xi32>) semaphore(%arg11 : memref<!tpu.dma_semaphore, #tpu.memory_space<semaphore_mem>>)
        %get3A_1573 = arith.constant 880 : index
        %get3A_1574 = tpu.vector_load %arg5[%get3A_1573] {strides = array<i32>} : memref<1024xi32, #tpu.memory_space<vmem>>, vector<16xi32>,
        %add3A_1575 = vector.broadcast %mul3A_1132 : i32 to vector<16xi32>
        %add3A_1576 = arith.addi %get3A_1574, %add3A_1575 : vector<16xi32>
        %dma_start3A_1577 = arith.constant 880 : i32
        %dma_start3A_1578 = tpu.memref_slice %arg7[%dma_start3A_1577] : memref<1024xf32, #tpu.memory_space<vmem>> -> memref<16xf32, #tpu.memory_space<vmem>>
        %dma_start3A_1579 = arith.constant 0 : i32
        %dma_start3A_1580 = tpu.memref_slice %arg2[%dma_start3A_1579] : memref<67108864xf32, #tpu.memory_space<hbm>> -> memref<67108864xf32, #tpu.memory_space<hbm>>
        tpu.enqueue_indirect_dma source(%dma_start3A_1580 : memref<67108864xf32, #tpu.memory_space<hbm>>) target(%dma_start3A_1578 : memref<16xf32, #tpu.memory_space<vmem>>) offsets(%add3A_1576 : vector<16xi32>) semaphore(%arg11 : memref<!tpu.dma_semaphore, #tpu.memory_space<semaphore_mem>>)
        %get3A_1581 = arith.constant 896 : index
        %get3A_1582 = tpu.vector_load %arg5[%get3A_1581] {strides = array<i32>} : memref<1024xi32, #tpu.memory_space<vmem>>, vector<16xi32>,
        %add3A_1583 = vector.broadcast %mul3A_1132 : i32 to vector<16xi32>
        %add3A_1584 = arith.addi %get3A_1582, %add3A_1583 : vector<16xi32>
        %dma_start3A_1585 = arith.constant 896 : i32
        %dma_start3A_1586 = tpu.memref_slice %arg7[%dma_start3A_1585] : memref<1024xf32, #tpu.memory_space<vmem>> -> memref<16xf32, #tpu.memory_space<vmem>>
        %dma_start3A_1587 = arith.constant 0 : i32
        %dma_start3A_1588 = tpu.memref_slice %arg2[%dma_start3A_1587] : memref<67108864xf32, #tpu.memory_space<hbm>> -> memref<67108864xf32, #tpu.memory_space<hbm>>
        tpu.enqueue_indirect_dma source(%dma_start3A_1588 : memref<67108864xf32, #tpu.memory_space<hbm>>) target(%dma_start3A_1586 : memref<16xf32, #tpu.memory_space<vmem>>) offsets(%add3A_1584 : vector<16xi32>) semaphore(%arg11 : memref<!tpu.dma_semaphore, #tpu.memory_space<semaphore_mem>>)
        %get3A_1589 = arith.constant 912 : index
        %get3A_1590 = tpu.vector_load %arg5[%get3A_1589] {strides = array<i32>} : memref<1024xi32, #tpu.memory_space<vmem>>, vector<16xi32>,
        %add3A_1591 = vector.broadcast %mul3A_1132 : i32 to vector<16xi32>
        %add3A_1592 = arith.addi %get3A_1590, %add3A_1591 : vector<16xi32>
        %dma_start3A_1593 = arith.constant 912 : i32
        %dma_start3A_1594 = tpu.memref_slice %arg7[%dma_start3A_1593] : memref<1024xf32, #tpu.memory_space<vmem>> -> memref<16xf32, #tpu.memory_space<vmem>>
        %dma_start3A_1595 = arith.constant 0 : i32
        %dma_start3A_1596 = tpu.memref_slice %arg2[%dma_start3A_1595] : memref<67108864xf32, #tpu.memory_space<hbm>> -> memref<67108864xf32, #tpu.memory_space<hbm>>
        tpu.enqueue_indirect_dma source(%dma_start3A_1596 : memref<67108864xf32, #tpu.memory_space<hbm>>) target(%dma_start3A_1594 : memref<16xf32, #tpu.memory_space<vmem>>) offsets(%add3A_1592 : vector<16xi32>) semaphore(%arg11 : memref<!tpu.dma_semaphore, #tpu.memory_space<semaphore_mem>>)
        %get3A_1597 = arith.constant 928 : index
        %get3A_1598 = tpu.vector_load %arg5[%get3A_1597] {strides = array<i32>} : memref<1024xi32, #tpu.memory_space<vmem>>, vector<16xi32>,
        %add3A_1599 = vector.broadcast %mul3A_1132 : i32 to vector<16xi32>
        %add3A_1600 = arith.addi %get3A_1598, %add3A_1599 : vector<16xi32>
        %dma_start3A_1601 = arith.constant 928 : i32
        %dma_start3A_1602 = tpu.memref_slice %arg7[%dma_start3A_1601] : memref<1024xf32, #tpu.memory_space<vmem>> -> memref<16xf32, #tpu.memory_space<vmem>>
        %dma_start3A_1603 = arith.constant 0 : i32
        %dma_start3A_1604 = tpu.memref_slice %arg2[%dma_start3A_1603] : memref<67108864xf32, #tpu.memory_space<hbm>> -> memref<67108864xf32, #tpu.memory_space<hbm>>
        tpu.enqueue_indirect_dma source(%dma_start3A_1604 : memref<67108864xf32, #tpu.memory_space<hbm>>) target(%dma_start3A_1602 : memref<16xf32, #tpu.memory_space<vmem>>) offsets(%add3A_1600 : vector<16xi32>) semaphore(%arg11 : memref<!tpu.dma_semaphore, #tpu.memory_space<semaphore_mem>>)
        %get3A_1605 = arith.constant 944 : index
        %get3A_1606 = tpu.vector_load %arg5[%get3A_1605] {strides = array<i32>} : memref<1024xi32, #tpu.memory_space<vmem>>, vector<16xi32>,
        %add3A_1607 = vector.broadcast %mul3A_1132 : i32 to vector<16xi32>
        %add3A_1608 = arith.addi %get3A_1606, %add3A_1607 : vector<16xi32>
        %dma_start3A_1609 = arith.constant 944 : i32
        %dma_start3A_1610 = tpu.memref_slice %arg7[%dma_start3A_1609] : memref<1024xf32, #tpu.memory_space<vmem>> -> memref<16xf32, #tpu.memory_space<vmem>>
        %dma_start3A_1611 = arith.constant 0 : i32
        %dma_start3A_1612 = tpu.memref_slice %arg2[%dma_start3A_1611] : memref<67108864xf32, #tpu.memory_space<hbm>> -> memref<67108864xf32, #tpu.memory_space<hbm>>
        tpu.enqueue_indirect_dma source(%dma_start3A_1612 : memref<67108864xf32, #tpu.memory_space<hbm>>) target(%dma_start3A_1610 : memref<16xf32, #tpu.memory_space<vmem>>) offsets(%add3A_1608 : vector<16xi32>) semaphore(%arg11 : memref<!tpu.dma_semaphore, #tpu.memory_space<semaphore_mem>>)
        %get3A_1613 = arith.constant 960 : index
        %get3A_1614 = tpu.vector_load %arg5[%get3A_1613] {strides = array<i32>} : memref<1024xi32, #tpu.memory_space<vmem>>, vector<16xi32>,
        %add3A_1615 = vector.broadcast %mul3A_1132 : i32 to vector<16xi32>
        %add3A_1616 = arith.addi %get3A_1614, %add3A_1615 : vector<16xi32>
        %dma_start3A_1617 = arith.constant 960 : i32
        %dma_start3A_1618 = tpu.memref_slice %arg7[%dma_start3A_1617] : memref<1024xf32, #tpu.memory_space<vmem>> -> memref<16xf32, #tpu.memory_space<vmem>>
        %dma_start3A_1619 = arith.constant 0 : i32
        %dma_start3A_1620 = tpu.memref_slice %arg2[%dma_start3A_1619] : memref<67108864xf32, #tpu.memory_space<hbm>> -> memref<67108864xf32, #tpu.memory_space<hbm>>
        tpu.enqueue_indirect_dma source(%dma_start3A_1620 : memref<67108864xf32, #tpu.memory_space<hbm>>) target(%dma_start3A_1618 : memref<16xf32, #tpu.memory_space<vmem>>) offsets(%add3A_1616 : vector<16xi32>) semaphore(%arg11 : memref<!tpu.dma_semaphore, #tpu.memory_space<semaphore_mem>>)
        %get3A_1621 = arith.constant 976 : index
        %get3A_1622 = tpu.vector_load %arg5[%get3A_1621] {strides = array<i32>} : memref<1024xi32, #tpu.memory_space<vmem>>, vector<16xi32>,
        %add3A_1623 = vector.broadcast %mul3A_1132 : i32 to vector<16xi32>
        %add3A_1624 = arith.addi %get3A_1622, %add3A_1623 : vector<16xi32>
        %dma_start3A_1625 = arith.constant 976 : i32
        %dma_start3A_1626 = tpu.memref_slice %arg7[%dma_start3A_1625] : memref<1024xf32, #tpu.memory_space<vmem>> -> memref<16xf32, #tpu.memory_space<vmem>>
        %dma_start3A_1627 = arith.constant 0 : i32
        %dma_start3A_1628 = tpu.memref_slice %arg2[%dma_start3A_1627] : memref<67108864xf32, #tpu.memory_space<hbm>> -> memref<67108864xf32, #tpu.memory_space<hbm>>
        tpu.enqueue_indirect_dma source(%dma_start3A_1628 : memref<67108864xf32, #tpu.memory_space<hbm>>) target(%dma_start3A_1626 : memref<16xf32, #tpu.memory_space<vmem>>) offsets(%add3A_1624 : vector<16xi32>) semaphore(%arg11 : memref<!tpu.dma_semaphore, #tpu.memory_space<semaphore_mem>>)
        %get3A_1629 = arith.constant 992 : index
        %get3A_1630 = tpu.vector_load %arg5[%get3A_1629] {strides = array<i32>} : memref<1024xi32, #tpu.memory_space<vmem>>, vector<16xi32>,
        %add3A_1631 = vector.broadcast %mul3A_1132 : i32 to vector<16xi32>
        %add3A_1632 = arith.addi %get3A_1630, %add3A_1631 : vector<16xi32>
        %dma_start3A_1633 = arith.constant 992 : i32
        %dma_start3A_1634 = tpu.memref_slice %arg7[%dma_start3A_1633] : memref<1024xf32, #tpu.memory_space<vmem>> -> memref<16xf32, #tpu.memory_space<vmem>>
        %dma_start3A_1635 = arith.constant 0 : i32
        %dma_start3A_1636 = tpu.memref_slice %arg2[%dma_start3A_1635] : memref<67108864xf32, #tpu.memory_space<hbm>> -> memref<67108864xf32, #tpu.memory_space<hbm>>
        tpu.enqueue_indirect_dma source(%dma_start3A_1636 : memref<67108864xf32, #tpu.memory_space<hbm>>) target(%dma_start3A_1634 : memref<16xf32, #tpu.memory_space<vmem>>) offsets(%add3A_1632 : vector<16xi32>) semaphore(%arg11 : memref<!tpu.dma_semaphore, #tpu.memory_space<semaphore_mem>>)
        %get3A_1637 = arith.constant 1008 : index
        %get3A_1638 = tpu.vector_load %arg5[%get3A_1637] {strides = array<i32>} : memref<1024xi32, #tpu.memory_space<vmem>>, vector<16xi32>,
        %add3A_1639 = vector.broadcast %mul3A_1132 : i32 to vector<16xi32>
        %add3A_1640 = arith.addi %get3A_1638, %add3A_1639 : vector<16xi32>
        %dma_start3A_1641 = arith.constant 1008 : i32
        %dma_start3A_1642 = tpu.memref_slice %arg7[%dma_start3A_1641] : memref<1024xf32, #tpu.memory_space<vmem>> -> memref<16xf32, #tpu.memory_space<vmem>>
        %dma_start3A_1643 = arith.constant 0 : i32
        %dma_start3A_1644 = tpu.memref_slice %arg2[%dma_start3A_1643] : memref<67108864xf32, #tpu.memory_space<hbm>> -> memref<67108864xf32, #tpu.memory_space<hbm>>
        tpu.enqueue_indirect_dma source(%dma_start3A_1644 : memref<67108864xf32, #tpu.memory_space<hbm>>) target(%dma_start3A_1642 : memref<16xf32, #tpu.memory_space<vmem>>) offsets(%add3A_1640 : vector<16xi32>) semaphore(%arg11 : memref<!tpu.dma_semaphore, #tpu.memory_space<semaphore_mem>>)
        %add3A_1645 = arith.constant 3 : i32
        %add3A_1646 = arith.addi %add3A_556, %add3A_1645 : i32
        %dma_start3A_1647 = arith.constant 0 : i32
        %dma_start3A_1648 = tpu.memref_slice %arg3[%add3A_1646, %dma_start3A_1647] : memref<2048x1024xi32, #tpu.memory_space<hbm>> -> memref<1x1024xi32, #tpu.memory_space<hbm>>
        %dma_start3A_1649 = tpu.memref_squeeze %dma_start3A_1648 : memref<1x1024xi32, #tpu.memory_space<hbm>> -> memref<1024xi32, #tpu.memory_space<hbm>>
        %dma_start3A_1650 = arith.constant 0 : i32
        %dma_start3A_1651 = tpu.memref_slice %arg3[%add3A_1646, %dma_start3A_1650] : memref<2048x1024xi32, #tpu.memory_space<hbm>> -> memref<1x1024xi32, #tpu.memory_space<hbm>>
        %dma_start3A_1652 = tpu.memref_squeeze %dma_start3A_1651 : memref<1x1024xi32, #tpu.memory_space<hbm>> -> memref<1024xi32, #tpu.memory_space<hbm>>
        tpu.enqueue_dma source(%dma_start3A_1652 : memref<1024xi32, #tpu.memory_space<hbm>>) target(%arg6 : memref<1024xi32, #tpu.memory_space<vmem>>) target_semaphore(%arg10 : memref<!tpu.dma_semaphore, #tpu.memory_space<semaphore_mem>>)
      } else {
      }
      %dma_wait3A_1102 = arith.constant 0 : i32
      %dma_wait3A_1103 = tpu.memref_slice %arg2[%dma_wait3A_1102] : memref<67108864xf32, #tpu.memory_space<hbm>> -> memref<1024xf32, #tpu.memory_space<hbm>>
      %dma_wait3A_1104 = arith.constant 0 : i32
      %dma_wait3A_1105 = tpu.memref_slice %arg2[%dma_wait3A_1104] : memref<67108864xf32, #tpu.memory_space<hbm>> -> memref<1024xf32, #tpu.memory_space<hbm>>
      tpu.wait_dma2 semaphore(%arg12 : memref<!tpu.dma_semaphore, #tpu.memory_space<semaphore_mem>>) src(%dma_wait3A_1105 : memref<1024xf32, #tpu.memory_space<hbm>>) dst(%arg8 : memref<1024xf32, #tpu.memory_space<vmem>>)
      %add3A_1106 = arith.constant 1 : i32
      %add3A_1107 = arith.addi %add3A_556, %add3A_1106 : i32
      %dma_start3A_1108 = arith.constant 0 : i32
      %dma_start3A_1109 = tpu.memref_slice %arg4[%add3A_1107, %dma_start3A_1108] : memref<2048x1024xf32, #tpu.memory_space<hbm>> -> memref<1x1024xf32, #tpu.memory_space<hbm>>
      %dma_start3A_1110 = tpu.memref_squeeze %dma_start3A_1109 : memref<1x1024xf32, #tpu.memory_space<hbm>> -> memref<1024xf32, #tpu.memory_space<hbm>>
      %dma_start3A_1111 = arith.constant 0 : i32
      %dma_start3A_1112 = tpu.memref_slice %arg4[%add3A_1107, %dma_start3A_1111] : memref<2048x1024xf32, #tpu.memory_space<hbm>> -> memref<1x1024xf32, #tpu.memory_space<hbm>>
      %dma_start3A_1113 = tpu.memref_squeeze %dma_start3A_1112 : memref<1x1024xf32, #tpu.memory_space<hbm>> -> memref<1024xf32, #tpu.memory_space<hbm>>
      tpu.enqueue_dma source(%arg8 : memref<1024xf32, #tpu.memory_space<vmem>>) target(%dma_start3A_1113 : memref<1024xf32, #tpu.memory_space<hbm>>) target_semaphore(%arg14 : memref<!tpu.dma_semaphore, #tpu.memory_space<semaphore_mem>>)
      %scan3A_1114 = arith.constant 0 : i32
      scf.yield %scan3A_1114 : i32
    }
    %scan3A_539 = arith.constant 32 : i32
    %dma_wait3A_540 = arith.constant 0 : i32
    %dma_wait3A_541 = tpu.memref_slice %arg4[%mul3A_2, %dma_wait3A_540] : memref<2048x1024xf32, #tpu.memory_space<hbm>> -> memref<1x1024xf32, #tpu.memory_space<hbm>>
    %dma_wait3A_542 = tpu.memref_squeeze %dma_wait3A_541 : memref<1x1024xf32, #tpu.memory_space<hbm>> -> memref<1024xf32, #tpu.memory_space<hbm>>
    %dma_wait3A_543 = arith.constant 0 : i32
    %dma_wait3A_544 = tpu.memref_slice %arg4[%mul3A_2, %dma_wait3A_543] : memref<2048x1024xf32, #tpu.memory_space<hbm>> -> memref<1x1024xf32, #tpu.memory_space<hbm>>
    %dma_wait3A_545 = tpu.memref_squeeze %dma_wait3A_544 : memref<1x1024xf32, #tpu.memory_space<hbm>> -> memref<1024xf32, #tpu.memory_space<hbm>>
    tpu.wait_dma2 semaphore(%arg13 : memref<!tpu.dma_semaphore, #tpu.memory_space<semaphore_mem>>) src(%arg7 : memref<1024xf32, #tpu.memory_space<vmem>>) dst(%dma_wait3A_545 : memref<1024xf32, #tpu.memory_space<hbm>>)
    %dma_wait3A_546 = arith.constant 0 : i32
    %dma_wait3A_547 = tpu.memref_slice %arg4[%mul3A_2, %dma_wait3A_546] : memref<2048x1024xf32, #tpu.memory_space<hbm>> -> memref<1x1024xf32, #tpu.memory_space<hbm>>
    %dma_wait3A_548 = tpu.memref_squeeze %dma_wait3A_547 : memref<1x1024xf32, #tpu.memory_space<hbm>> -> memref<1024xf32, #tpu.memory_space<hbm>>
    %dma_wait3A_549 = arith.constant 0 : i32
    %dma_wait3A_550 = tpu.memref_slice %arg4[%mul3A_2, %dma_wait3A_549] : memref<2048x1024xf32, #tpu.memory_space<hbm>> -> memref<1x1024xf32, #tpu.memory_space<hbm>>
    %dma_wait3A_551 = tpu.memref_squeeze %dma_wait3A_550 : memref<1x1024xf32, #tpu.memory_space<hbm>> -> memref<1024xf32, #tpu.memory_space<hbm>>
    tpu.wait_dma2 semaphore(%arg14 : memref<!tpu.dma_semaphore, #tpu.memory_space<semaphore_mem>>) src(%arg8 : memref<1024xf32, #tpu.memory_space<vmem>>) dst(%dma_wait3A_551 : memref<1024xf32, #tpu.memory_space<hbm>>)
    return
  }
}

</mosaic_0001>

<sc_bundles>
// kernel: kernel.3.cloned.1.call-start
scs
__scs_entry_jumppad:
0x0: {  	(pc) =	sbr.rel $0x88, $3  }
0x1: {  	(tag) =	ssettag $0x0;
	lr =	simm.s32 $0x1  }
0x2: {  	[smem:$0x3F9F] =	sst lr;
	_ =	strace $0xD0000000  }
0x3: {  	_ = 	snop  }
0x4: {  	_ = 	snop  }
0x5: {  	_ = 	snop  }
0x6: {  	_ = 	snop  }
0x7: {  	_ = 	snop  }
__scs_overlays_trampoline_lowered:
0x8: {  	[smem:$0x3FAE] =	sst s0  }
0x9: {  	[smem:$0x3FAF] =	sst s1  }
0xa: {  	[smem:$0x3FB0] =	sst s2  }
0xb: {  	[smem:$0x3FB1] =	sst s3  }
0xc: {  	[smem:$0x3FB2] =	sst s4  }
0xd: {  	[smem:$0x3FB3] =	sst s5  }
0xe: {  	[smem:$0x3FB4] =	sst s6  }
0xf: {  	[smem:$0x3FB5] =	sst s7  }
0x10: {  	[smem:$0x3FB6] =	sst s8  }
0x11: {  	[smem:$0x3FB7] =	sst s9;
	s0 =	simm.s32 @!p0 $0x0  }
0x12: {  	s1 =	sld [smem:$0x3F9D];
	s0 =	simm.s32 @p0 $0x1  }
0x13: {  	[smem:$0x3FB8] =	sst s0;
	s0 =	simm.s32 @!p1 $0x0  }
0x14: {  	s2 =	sld [smem:$0x3F9C];
	s0 =	simm.s32 @p1 $0x1  }
0x15: {  	[smem:$0x3FB9] =	sst s0;
	s0 =	simm.s32 @!p2 $0x0  }
0x16: {  	s3 =	sld [smem:$0x3FDB];
	s0 =	simm.s32 @p2 $0x1  }
0x17: {  	s4 =	simm.s32 $0x1BF5;
	[smem:$0x3FBB] =	sst s0  }
0x18: {  	s0 =	sld [smem:$0x3F9E];
	_ =	swait.ge [sflag:s4], $0x0  }
0x19: {  	s7 =	sld [smem:$0x3F9F]  }
0x1a: {  	s8 =	sadd.s32 $0xFFFFE003, lr  }
0x1b: {  	s9 =	sadd.s32 $0xFFFFFEF7, lr;
	s5 =	simm.s32 $0xFFFFFFFF;
	p2 =	slt.u32 s8, $0xFFFFF086  }
0x1c: {  	p1 =	slt.u32 s9, $0xF7A;
	s5 =	simm.s32 @!p2 $0x0  }
0x1d: {  	s5 =	simm.s32 @p1 $0x1;
	p0 =	seq.s32 s7, s2  }
0x1e: {  	s7 =	smul.u32 @!p0 $0xF7A, s2;
	p2 =	seq.s32 @!p0 s5, $0x0  }
0x1f: {  	s9 =	smul.u32 $0xF7A, s1;
	s8 =	simm.s32 @!p0 $0x1BF5;
	p2 =	por !p2, p0  }
0x20: {  	[sflag:s8] =	ssyncset.s32 @!p0 $0xFFFFF086;
	s6 =	sadd.s32 @!p0 s3, s7;
	s7 =	simm.s32 @!p0 $0x108  }
0x21: {  	s3 =	sadd.s32 s3, s9;
	s6 =	sadd.s32 @!p0 $0x88, s6;
	s7 =	simm.s32 @p2 $0x1082  }
0x22: {  	[simem:s7], [sflag:s8] =	dma.local @!p0 [hbm:s6], $0xF7A  }
0x23: {  	s9 =	sor.u32 $0xD0000000, s2;
	s6 =	simm.s32 $0x108;
	_ =	swait.ge @!p0 [sflag:s8], $0x0  }
0x24: {  	s3 =	sadd.s32 $0x88, s3;
	s6 =	simm.s32 @!p1 $0x1082;
	[sflag:s4] =	ssyncset.s32 $0xFFFFF086  }
0x25: {  	[simem:s6], [sflag:s4] =	dma.local [hbm:s3], $0xF7A  }
0x26: {  	[smem:$0x3F9F] =	sst s1;
	(tag) =	ssettag s2;
	_ =	strace s9  }
0x27: {  	s1 =	sld [smem:$0x3FAF]  }
0x28: {  	s2 =	sld [smem:$0x3FB0]  }
0x29: {  	s4 =	sld [smem:$0x3FB2]  }
0x2a: {  	p0 =	seq.s32 s5, $0x0;
	s5 =	sld [smem:$0x3FB3]  }
0x2b: {  	s6 =	sld [smem:$0x3FB4]  }
0x2c: {  	s7 =	sld [smem:$0x3FB5]  }
0x2d: {  	s3 =	simm.s32 $0x108;
	s8 =	sld [smem:$0x3FB6]  }
0x2e: {  	s3 =	simm.s32 @!p0 $0x1082;
	s9 =	sld [smem:$0x3FB7]  }
0x2f: {  	lr =	sadd.s32 s0, s3;
	s0 =	sld [smem:$0x3FAE]  }
0x30: {  	s3 =	sld [smem:$0x3FB1]  }
0x31: {  	[smem:$0x3FBA] =	sst s10  }
0x32: {  	s10 =	sld [smem:$0x3FB8];
	_ =	sdelay $0x3  }
0x33: {  	p0 =	seq.s32 s10, $0x1;
	s10 =	sld [smem:$0x3FBA];
	_ =	sdelay $0x3  }
0x34: {  	[smem:$0x3FBA] =	sst s10  }
0x35: {  	s10 =	sld [smem:$0x3FB9];
	_ =	sdelay $0x3  }
0x36: {  	p1 =	seq.s32 s10, $0x1;
	s10 =	sld [smem:$0x3FBA];
	_ =	sdelay $0x3  }
0x37: {  	[smem:$0x3FBA] =	sst s10  }
0x38: {  	s10 =	sld [smem:$0x3FBB]  }
0x39: {  	_ = 	snop;
	(pc) =	sbr.ind lr, $3  }
0x3a: {  	_ = 	snop  }
0x3b: {  	_ = 	snop  }
0x3c: {  	p2 =	seq.s32 s10, $0x1;
	s10 =	sld [smem:$0x3FBA]  }
0x3d: {  	_ =	shalt  }
0x3e: {  	_ =	shalt  }
0x3f: {  	_ =	shalt  }
0x40: {  	_ =	shalt  }
0x41: {  	_ =	shalt  }
0x42: {  	_ =	shalt  }
0x43: {  	_ =	shalt  }
0x44: {  	_ =	shalt  }
0x45: {  	_ =	shalt  }
0x46: {  	_ =	shalt  }
0x47: {  	_ =	shalt  }
0x48: {  	_ =	shalt  }
0x49: {  	_ =	shalt  }
0x4a: {  	_ =	shalt  }
0x4b: {  	_ =	shalt  }
0x4c: {  	_ =	shalt  }
0x4d: {  	_ =	shalt  }
0x4e: {  	_ =	shalt  }
0x4f: {  	_ =	shalt  }
0x50: {  	_ =	shalt  }
0x51: {  	_ =	shalt  }
0x52: {  	_ =	shalt  }
0x53: {  	_ =	shalt  }
0x54: {  	_ =	shalt  }
0x55: {  	_ =	shalt  }
0x56: {  	_ =	shalt  }
0x57: {  	_ =	shalt  }
0x58: {  	_ =	shalt  }
0x59: {  	_ =	shalt  }
0x5a: {  	_ =	shalt  }
0x5b: {  	_ =	shalt  }
0x5c: {  	_ =	shalt  }
0x5d: {  	_ =	shalt  }
0x5e: {  	_ =	shalt  }
0x5f: {  	_ =	shalt  }
0x60: {  	_ =	shalt  }
0x61: {  	_ =	shalt  }
0x62: {  	_ =	shalt  }
0x63: {  	_ =	shalt  }
0x64: {  	_ =	shalt  }
0x65: {  	_ =	shalt  }
0x66: {  	_ =	shalt  }
0x67: {  	_ =	shalt  }
0x68: {  	_ =	shalt  }
0x69: {  	_ =	shalt  }
0x6a: {  	_ =	shalt  }
0x6b: {  	_ =	shalt  }
0x6c: {  	_ =	shalt  }
0x6d: {  	_ =	shalt  }
0x6e: {  	_ =	shalt  }
0x6f: {  	_ =	shalt  }
0x70: {  	_ =	shalt  }
0x71: {  	_ =	shalt  }
0x72: {  	_ =	shalt  }
0x73: {  	_ =	shalt  }
0x74: {  	_ =	shalt  }
0x75: {  	_ =	shalt  }
0x76: {  	_ =	shalt  }
0x77: {  	_ =	shalt  }
0x78: {  	_ =	shalt  }
0x79: {  	_ =	shalt  }
0x7a: {  	_ =	shalt  }
0x7b: {  	_ =	shalt  }
0x7c: {  	_ =	shalt  }
0x7d: {  	_ =	shalt  }
0x7e: {  	_ =	shalt  }
0x7f: {  	_ =	shalt  }
0x80: {  	_ =	shalt  }
0x81: {  	_ =	shalt  }
0x82: {  	_ =	shalt  }
0x83: {  	_ =	shalt  }
0x84: {  	_ =	shalt  }
0x85: {  	_ =	shalt  }
0x86: {  	_ =	shalt  }
0x87: {  	_ =	shalt  }
.Lfunc_end0:
.L_simem_size_0:
called_computation.1_lowered:
.L_overlay_start_0:
0x88: {  	s2 =	sld [smem:$0x3FD9]  }
0x89: {  	s3 =	sld [smem:$0x3FFE];
	_ =	sdelay $0x1  }
0x8a: {  	s1 =	srdreg.scid  }
0x8b: {  	s0 =	sand.u32 $0x1, s1  }
0x8c: {  	s17 =	sshll.u32 s0, $0xA;
	s2 =	sadd.s32 s3, s2  }
0x8d: {  	s2 =	sadd.s32 s2, s17  }
0x8e: {  	[smem:$0x3FC6] =	sst s2  }
0x8f: {  	_ = 	snop  }
0x90: {  	s2 =	sld [smem:$0x3FC8]  }
0x91: {  	s18 =	sld [smem:$0x3FD0];
	(tm) =	ssettm $0x1  }
0x92: {  	s4 =	sld [smem:$0x3FFB];
	_ =	sdelay $0x3  }
0x93: {  	_ =	strace s4  }
0x94: {  	s4 =	sld [smem:$0x3FFC];
	_ =	sdelay $0x3  }
0x95: {  	_ =	strace s4  }
0x96: {  	s4 =	sld [smem:$0x3FFD];
	_ =	sdelay $0x3  }
0x97: {  	_ =	strace s4  }
0x98: {  	_ =	strace $0x8FFFFFFF  }
0x99: {  	s19 =	sld [smem:$0x3FDB];
	_ =	sdelay $0x1  }
0x9a: {  	s5 =	simm.s32 $_scs_section_size  }
0x9b: {  	s6 =	simm.s32 $_size__tile_overlayer_lowered;
	s7 =	simm.s32 $_tile_overlayer_lowered  }
0x9c: {  	s22 =	simm.s32 $0x1BFF;
	s21 =	sshll.u32 s7, $0x1;
	s4 =	sadd.s32 s5, s19  }
0x9d: {  	s8 =	simm.s32 $0x0;
	s20 =	sshll.u32 s6, $0x1;
	s6 =	sadd.s32 s21, s4  }
0x9e: {  	[timem:s8], [sflag:s22] =	dma.local [hbm:s6], s20  }
0x9f: {  	_ =	swait.ge [sflag:s22], s20  }
0xa0: {  	s5 =	ssub.s32 $0x0, s20;
	[sflag:s22] =	ssyncset.done $0x0  }
0xa1: {  	[sflag:s22] =	ssyncadd.s32 s5;
	_ =	sdelay $0x1  }
0xa2: {  	s23 =	simm.s32 $0x1B8B  }
0xa3: {  	_ =	swait.ge [sflag:s23], $0x1  }
0xa4: {  	[sflag:s23] =	ssyncset.done $0x0  }
0xa5: {  	s25 =	simm.s32 $0x1B8E;
	s24 =	sld [smem:$0x3FFE];
	[sflag:s23] =	ssyncadd.s32 $0xFFFFFFFF  }
0xa6: {  	s26 =	simm.s32 $execute0_lowered;
	[smem:$0x3FD2] =	sst s25  }
0xa7: {  	s6 =	sshll.u32 s26, $0x1;
	_ =	strace $0x80000049;
	[dreg:$0x1] =	wrdreg $0xFFFFFFFF  }
0xa8: {  	s28 =	simm.s32 $_size_execute0_lowered;
	s4 =	sadd.s32 s4, s6;
	[dreg:$0x0] =	wrdreg $0x0  }
0xa9: {  	s6 =	sshll.u32 s28, $0x1;
	[dreg:$0x2] =	wrdreg s4  }
0xaa: {  	[dreg:$0x3] =	wrdreg s6  }
0xab: {  	[dreg:$0x4] =	wrdreg $0xC0  }
0xac: {  	_ =	task [dreg:s8], $0x5FFFF  }
0xad: {  	[dreg:$0x1] =	wrdreg $0xFFFFFFFF  }
0xae: {  	[dreg:$0x0] =	wrdreg $0x60  }
0xaf: {  	[dreg:$0x2] =	wrdreg s24  }
0xb0: {  	[dreg:$0x3] =	wrdreg s2  }
0xb1: {  	[dreg:$0x4] =	wrdreg s18  }
0xb2: {  	[dreg:$0x5] =	wrdreg $0x9  }
0xb3: {  	_ =	task.clear_ibuf [dreg:s8], $0x6FFFF;
	_ =	strace $0x90000049  }
0xb4: {  	s29 =	simm.s32 $0x9;
	_ =	strace $0x8000004B  }
0xb5: {  	_ =	swait.ge [sflag:s29], $0x1  }
0xb6: {  	[sflag:s29] =	ssyncadd.s32 $0xFFFFFFFF  }
0xb7: {  	_ =	strace $0x9000004B  }
0xb8: {  	_ =	sfence  }
0xb9: {  	s30 =	sld [smem:$0x0];
	_ =	sdelay $0x2  }
0xba: {  	s31 =	sshll.u32 s1, $0xD;
	s1 =	sshrl.u32 s1, $0x2  }
0xbb: {  	s3 =	sand.u32 $0x4000, s31;
	s1 =	sadd.s32 s1, s30  }
0xbc: {  	s0 =	sor.u32 s3, s0;
	s1 =	sshll.u32 s1, $0x11  }
0xbd: {  	s0 =	sor.u32 s1, s0  }
0xbe: {  	s0 =	sadd.s32 $0x8F2B, s0  }
0xbf: {  	[sflag:s0] =	ssyncadd.remote.s32 $0x1  }
0xc0: {  	_ =	sfence.sel $0xFFFF  }
0xc1: {  	[dreg:$0x0] =	wrdreg $0xFFFFFFFF;
	(pc) =	sbr.abs _section_cstart, $3  }
0xc2: {  	[dreg:$0x1] =	wrdreg $0xFFFFFFFF  }
0xc3: {  	_ =	task.clear_ibuf [dreg:s8], $0x2FFFF;
	_ =	strace $0x9FFFFFFF  }
0xc4: {  	(tm) =	ssettm $0x7FFFFFFF  }
0xc5: {  	_ =	shalt  }
tec
execute0_lowered:
.L_overlay_start_1:
0x0: {  	(tag) =	ssettag $0x1  }
0x1: {  	s0 =	rddreg [dreg:$0x0]  }
0x2: {  	s2 =	rddreg [dreg:$0x1]  }
0x3: {  	s3 =	rddreg [dreg:$0x2]  }
0x4: {  	s1 =	srdreg.scid;
	s10 =	stileid.u32  }
0x5: {  	s4 =	simm.s32 $0x0;
	s12 =	simm.s32 $0x80;
	s13 =	simm.s32 $0x400  }
0x6: {  	s14 =	simm.s32 $0x1;
	s15 =	simm.s32 $0x800;
	s29 =	simm.s32 $0xF60  }
0x7: {  	s30 =	simm.s32 $0xF70;
	s31 =	simm.s32 $0xF80;
	s16 =	simm.s32 $0xFE0  }
0x8: {  	s17 =	simm.s32 $0xFF0;
	s18 =	simm.s32 $0x3;
	s1 =	sand.u32 $0x1, s1  }
0x9: {  	s5 =	sshll.u32 s10, $0x1;
	[smem:$0x7FF] =	sst s4;
	s22 =	sshll.u32 s10, $0x16  }
0xa: {  	s25 =	sshll.u32 s10, $0xE;
	s28 =	sshll.u32 s10, $0xB;
	s10 =	simm.s32 $0xC00  }
0xb: {  	s6 =	ssub.s32 $0x2, s1;
	s7 =	sor.u32 s1, s5;
	_ =	strace $0x8000004A  }
0xc: {  	s5 =	sadd.s32 $0x800, s0;
	s23 =	sshll.u32 s1, $0x15;
	s26 =	sshll.u32 s1, $0xD  }
0xd: {  	s1 =	sshll.u32 s1, $0xA;
	s8 =	sshrl.u32 s6, $0x1;
	s9 =	sshll.u32 s7, $0xD  }
0xe: {  	s20 =	sshll.u32 s7, $0x15;
	s24 =	sor.u32 s23, s22;
	s11 =	sor.u32 s1, s28  }
0xf: {  	s1 =	simm.s32 $0xFA0;
	s7 =	simm.s32 $0xFB0;
	s23 =	simm.s32 $0x0  }
0x10: {  	s19 =	ssub.s32 s6, s8;
	s21 =	sadd.s32 s2, s9;
	s9 =	simm.s32 $0x2  }
.Ltmp0:
0x11: {  	[dreg:$0x4] =	wrdreg s21;
	s6 =	sadd.s32 $0x10, s21;
	(pc) =	sbr.rel .LBB2_1-.Ltmp0, $4  }
0x12: {  	s8 =	simm.s32 $0xFC0;
	s0 =	smax.u32 s19, $0x1;
	[dreg:$0x5] =	wrdreg s6  }
0x13: {  	v0 =	vmov s20;
	s20 =	simm.s32 $0x5;
	[dreg:$0x6] =	wrdreg s0;
	s0 =	sor.u32 $0x10000, s24  }
0x14: {  	s19 =	simm.s32 $0x4;
	[dreg:$0x7] =	wrdreg s0;
	s0 =	sor.u32 s26, s25  }
0x15: {  	vm0 =	vmmov $0xffff;
	s6 =	simm.s32 $0xFD0;
	[dreg:$0x8] =	wrdreg s0;
	s0 =	simm.s32 $0xF90  }
.LBB2_5:
0x16: {  	_ =	swait.ge [sflag:s20], $0x400  }
0x17: {  	[sflag:s20] =	ssyncset.done $0x0  }
0x18: {  	s22 =	simm.s32 $0x6;
	[sflag:s20] =	ssyncadd.s32 $0xFFFFFC00  }
0x19: {  	_ =	swait.ge [sflag:s22], $0x400  }
0x1a: {  	s23 =	rddreg [dreg:$0x9]  }
0x1b: {  	s21 =	rddreg [dreg:$0x6];
	s23 =	sadd.s32 $0x1, s23  }
0x1c: {  	p0 =	sne.s32 s23, s21  }
.Ltmp1:
0x1d: {  	_ = 	snop;
	(pc) =	sbr.rel @!p0 .LBB2_6-.Ltmp1, $3  }
0x1e: {  	_ =	sdelay $0x1  }
0x1f: {  	[sflag:s22] =	ssyncset.done $0x0  }
0x20: {  	[sflag:s22] =	ssyncadd.s32 $0xFFFFFC00  }
.LBB2_1:
0x21: {  	[dreg:$0x9] =	wrdreg s23  }
0x22: {  	s21 =	rddreg [dreg:$0x4]  }
0x23: {  	[tilespmem:s4], [sflag:$0x1] =	stream.strided.gather [hbm4b:s21+s12], $0x400, s13, s12, $0x38;
	[tilespmem:$0x1000] =	vst v63  }
0x24: {  	_ =	swait.ge [sflag:s14], $0x400  }
0x25: {  	[sflag:s14] =	ssyncset.done $0x0  }
0x26: {  	s24 =	rddreg [dreg:$0x5];
	[sflag:s14] =	ssyncadd.s32 $0xFFFFFC00  }
0x27: {  	[tilespmem:s13], [sflag:$0x2] =	stream.strided.gather [hbm4b:s24+s12], $0x400, s13, s12, $0x38;
	[tilespmem:$0x1000] =	vst v63  }
0x28: {  	v1 =	vld [tilespmem:$0x0];
	_ =	sdelay $0x4  }
0x29: {  	v1 =	vadd.s32 v0, v1;
	_ =	sdelay $0x4  }
0x2a: {  	[tilespmem:s15], [sflag:$0x3] =	stream.indirect_vreg.gather [hbm4b:s5+s4], $0x1, v1, vm0, $0xb8;
	[tilespmem:$0x1000] =	vst v63  }
0x2b: {  	v1 =	vld [tilespmem:$0x10];
	_ =	sdelay $0x4  }
0x2c: {  	v1 =	vadd.s32 v0, v1;
	_ =	sdelay $0x3  }
0x2d: {  	s25 =	simm.s32 $0x810  }
0x2e: {  	[tilespmem:s25], [sflag:$0x3] =	stream.indirect_vreg.gather [hbm4b:s5+s4], $0x1, v1, vm0, $0xb8;
	[tilespmem:$0x1000] =	vst v63  }
0x2f: {  	v1 =	vld [tilespmem:$0x20];
	_ =	sdelay $0x4  }
0x30: {  	v1 =	vadd.s32 v0, v1;
	_ =	sdelay $0x3  }
0x31: {  	s26 =	simm.s32 $0x820  }
0x32: {  	[tilespmem:s26], [sflag:$0x3] =	stream.indirect_vreg.gather [hbm4b:s5+s4], $0x1, v1, vm0, $0xb8;
	[tilespmem:$0x1000] =	vst v63  }
0x33: {  	v1 =	vld [tilespmem:$0x30];
	_ =	sdelay $0x4  }
0x34: {  	v1 =	vadd.s32 v0, v1;
	_ =	sdelay $0x3  }
0x35: {  	s28 =	simm.s32 $0x830  }
0x36: {  	[tilespmem:s28], [sflag:$0x3] =	stream.indirect_vreg.gather [hbm4b:s5+s4], $0x1, v1, vm0, $0xb8;
	[tilespmem:$0x1000] =	vst v63  }
0x37: {  	v1 =	vld [tilespmem:$0x40];
	_ =	sdelay $0x4  }
0x38: {  	v1 =	vadd.s32 v0, v1;
	_ =	sdelay $0x3  }
0x39: {  	s22 =	simm.s32 $0x840  }
0x3a: {  	[tilespmem:s22], [sflag:$0x3] =	stream.indirect_vreg.gather [hbm4b:s5+s4], $0x1, v1, vm0, $0xb8;
	[tilespmem:$0x1000] =	vst v63  }
0x3b: {  	v1 =	vld [tilespmem:$0x50];
	_ =	sdelay $0x4  }
0x3c: {  	v1 =	vadd.s32 v0, v1;
	_ =	sdelay $0x3  }
0x3d: {  	s23 =	simm.s32 $0x850  }
0x3e: {  	[tilespmem:s23], [sflag:$0x3] =	stream.indirect_vreg.gather [hbm4b:s5+s4], $0x1, v1, vm0, $0xb8;
	[tilespmem:$0x1000] =	vst v63  }
0x3f: {  	v1 =	vld [tilespmem:$0x60];
	_ =	sdelay $0x4  }
0x40: {  	v1 =	vadd.s32 v0, v1;
	_ =	sdelay $0x3  }
0x41: {  	s24 =	simm.s32 $0x860  }
0x42: {  	[tilespmem:s24], [sflag:$0x3] =	stream.indirect_vreg.gather [hbm4b:s5+s4], $0x1, v1, vm0, $0xb8;
	[tilespmem:$0x1000] =	vst v63  }
0x43: {  	v1 =	vld [tilespmem:$0x70];
	_ =	sdelay $0x4  }
0x44: {  	v1 =	vadd.s32 v0, v1;
	_ =	sdelay $0x3  }
0x45: {  	s25 =	simm.s32 $0x870  }
0x46: {  	[tilespmem:s25], [sflag:$0x3] =	stream.indirect_vreg.gather [hbm4b:s5+s4], $0x1, v1, vm0, $0xb8;
	[tilespmem:$0x1000] =	vst v63  }
0x47: {  	v1 =	vld [tilespmem:$0x80];
	_ =	sdelay $0x4  }
0x48: {  	v1 =	vadd.s32 v0, v1;
	_ =	sdelay $0x3  }
0x49: {  	s26 =	simm.s32 $0x880  }
0x4a: {  	[tilespmem:s26], [sflag:$0x3] =	stream.indirect_vreg.gather [hbm4b:s5+s4], $0x1, v1, vm0, $0xb8;
	[tilespmem:$0x1000] =	vst v63  }
0x4b: {  	v1 =	vld [tilespmem:$0x90];
	_ =	sdelay $0x4  }
0x4c: {  	v1 =	vadd.s32 v0, v1;
	_ =	sdelay $0x3  }
0x4d: {  	s28 =	simm.s32 $0x890  }
0x4e: {  	[tilespmem:s28], [sflag:$0x3] =	stream.indirect_vreg.gather [hbm4b:s5+s4], $0x1, v1, vm0, $0xb8;
	[tilespmem:$0x1000] =	vst v63  }
0x4f: {  	v1 =	vld [tilespmem:$0xA0];
	_ =	sdelay $0x4  }
0x50: {  	v1 =	vadd.s32 v0, v1;
	_ =	sdelay $0x3  }
0x51: {  	s22 =	simm.s32 $0x8A0  }
0x52: {  	[tilespmem:s22], [sflag:$0x3] =	stream.indirect_vreg.gather [hbm4b:s5+s4], $0x1, v1, vm0, $0xb8;
	[tilespmem:$0x1000] =	vst v63  }
0x53: {  	v1 =	vld [tilespmem:$0xB0];
	_ =	sdelay $0x4  }
0x54: {  	v1 =	vadd.s32 v0, v1;
	_ =	sdelay $0x3  }
0x55: {  	s23 =	simm.s32 $0x8B0  }
0x56: {  	[tilespmem:s23], [sflag:$0x3] =	stream.indirect_vreg.gather [hbm4b:s5+s4], $0x1, v1, vm0, $0xb8;
	[tilespmem:$0x1000] =	vst v63  }
0x57: {  	v1 =	vld [tilespmem:$0xC0];
	_ =	sdelay $0x4  }
0x58: {  	v1 =	vadd.s32 v0, v1;
	_ =	sdelay $0x3  }
0x59: {  	s24 =	simm.s32 $0x8C0  }
0x5a: {  	[tilespmem:s24], [sflag:$0x3] =	stream.indirect_vreg.gather [hbm4b:s5+s4], $0x1, v1, vm0, $0xb8;
	[tilespmem:$0x1000] =	vst v63  }
0x5b: {  	v1 =	vld [tilespmem:$0xD0];
	_ =	sdelay $0x4  }
0x5c: {  	v1 =	vadd.s32 v0, v1;
	_ =	sdelay $0x3  }
0x5d: {  	s25 =	simm.s32 $0x8D0  }
0x5e: {  	[tilespmem:s25], [sflag:$0x3] =	stream.indirect_vreg.gather [hbm4b:s5+s4], $0x1, v1, vm0, $0xb8;
	[tilespmem:$0x1000] =	vst v63  }
0x5f: {  	v1 =	vld [tilespmem:$0xE0];
	_ =	sdelay $0x4  }
0x60: {  	v1 =	vadd.s32 v0, v1;
	_ =	sdelay $0x3  }
0x61: {  	s26 =	simm.s32 $0x8E0  }
0x62: {  	[tilespmem:s26], [sflag:$0x3] =	stream.indirect_vreg.gather [hbm4b:s5+s4], $0x1, v1, vm0, $0xb8;
	[tilespmem:$0x1000] =	vst v63  }
0x63: {  	v1 =	vld [tilespmem:$0xF0];
	_ =	sdelay $0x4  }
0x64: {  	v1 =	vadd.s32 v0, v1;
	_ =	sdelay $0x3  }
0x65: {  	s28 =	simm.s32 $0x8F0  }
0x66: {  	[tilespmem:s28], [sflag:$0x3] =	stream.indirect_vreg.gather [hbm4b:s5+s4], $0x1, v1, vm0, $0xb8;
	[tilespmem:$0x1000] =	vst v63  }
0x67: {  	v1 =	vld [tilespmem:$0x100];
	_ =	sdelay $0x4  }
0x68: {  	v1 =	vadd.s32 v0, v1;
	_ =	sdelay $0x3  }
0x69: {  	s22 =	simm.s32 $0x900  }
0x6a: {  	[tilespmem:s22], [sflag:$0x3] =	stream.indirect_vreg.gather [hbm4b:s5+s4], $0x1, v1, vm0, $0xb8;
	[tilespmem:$0x1000] =	vst v63  }
0x6b: {  	v1 =	vld [tilespmem:$0x110];
	_ =	sdelay $0x4  }
0x6c: {  	v1 =	vadd.s32 v0, v1;
	_ =	sdelay $0x3  }
0x6d: {  	s23 =	simm.s32 $0x910  }
0x6e: {  	[tilespmem:s23], [sflag:$0x3] =	stream.indirect_vreg.gather [hbm4b:s5+s4], $0x1, v1, vm0, $0xb8;
	[tilespmem:$0x1000] =	vst v63  }
0x6f: {  	v1 =	vld [tilespmem:$0x120];
	_ =	sdelay $0x4  }
0x70: {  	v1 =	vadd.s32 v0, v1;
	_ =	sdelay $0x3  }
0x71: {  	s24 =	simm.s32 $0x920  }
0x72: {  	[tilespmem:s24], [sflag:$0x3] =	stream.indirect_vreg.gather [hbm4b:s5+s4], $0x1, v1, vm0, $0xb8;
	[tilespmem:$0x1000] =	vst v63  }
0x73: {  	v1 =	vld [tilespmem:$0x130];
	_ =	sdelay $0x4  }
0x74: {  	v1 =	vadd.s32 v0, v1;
	_ =	sdelay $0x3  }
0x75: {  	s25 =	simm.s32 $0x930  }
0x76: {  	[tilespmem:s25], [sflag:$0x3] =	stream.indirect_vreg.gather [hbm4b:s5+s4], $0x1, v1, vm0, $0xb8;
	[tilespmem:$0x1000] =	vst v63  }
0x77: {  	v1 =	vld [tilespmem:$0x140];
	_ =	sdelay $0x4  }
0x78: {  	v1 =	vadd.s32 v0, v1;
	_ =	sdelay $0x3  }
0x79: {  	s26 =	simm.s32 $0x940  }
0x7a: {  	[tilespmem:s26], [sflag:$0x3] =	stream.indirect_vreg.gather [hbm4b:s5+s4], $0x1, v1, vm0, $0xb8;
	[tilespmem:$0x1000] =	vst v63  }
0x7b: {  	v1 =	vld [tilespmem:$0x150];
	_ =	sdelay $0x4  }
0x7c: {  	v1 =	vadd.s32 v0, v1;
	_ =	sdelay $0x3  }
0x7d: {  	s28 =	simm.s32 $0x950  }
0x7e: {  	[tilespmem:s28], [sflag:$0x3] =	stream.indirect_vreg.gather [hbm4b:s5+s4], $0x1, v1, vm0, $0xb8;
	[tilespmem:$0x1000] =	vst v63  }
0x7f: {  	v1 =	vld [tilespmem:$0x160];
	_ =	sdelay $0x4  }
0x80: {  	v1 =	vadd.s32 v0, v1;
	_ =	sdelay $0x3  }
0x81: {  	s22 =	simm.s32 $0x960  }
0x82: {  	[tilespmem:s22], [sflag:$0x3] =	stream.indirect_vreg.gather [hbm4b:s5+s4], $0x1, v1, vm0, $0xb8;
	[tilespmem:$0x1000] =	vst v63  }
0x83: {  	v1 =	vld [tilespmem:$0x170];
	_ =	sdelay $0x4  }
0x84: {  	v1 =	vadd.s32 v0, v1;
	_ =	sdelay $0x3  }
0x85: {  	s23 =	simm.s32 $0x970  }
0x86: {  	[tilespmem:s23], [sflag:$0x3] =	stream.indirect_vreg.gather [hbm4b:s5+s4], $0x1, v1, vm0, $0xb8;
	[tilespmem:$0x1000] =	vst v63  }
0x87: {  	v1 =	vld [tilespmem:$0x180];
	_ =	sdelay $0x4  }
0x88: {  	v1 =	vadd.s32 v0, v1;
	_ =	sdelay $0x3  }
0x89: {  	s24 =	simm.s32 $0x980  }
0x8a: {  	[tilespmem:s24], [sflag:$0x3] =	stream.indirect_vreg.gather [hbm4b:s5+s4], $0x1, v1, vm0, $0xb8;
	[tilespmem:$0x1000] =	vst v63  }
0x8b: {  	v1 =	vld [tilespmem:$0x190];
	_ =	sdelay $0x4  }
0x8c: {  	v1 =	vadd.s32 v0, v1;
	_ =	sdelay $0x3  }
0x8d: {  	s25 =	simm.s32 $0x990  }
0x8e: {  	[tilespmem:s25], [sflag:$0x3] =	stream.indirect_vreg.gather [hbm4b:s5+s4], $0x1, v1, vm0, $0xb8;
	[tilespmem:$0x1000] =	vst v63  }
0x8f: {  	v1 =	vld [tilespmem:$0x1A0];
	_ =	sdelay $0x4  }
0x90: {  	v1 =	vadd.s32 v0, v1;
	_ =	sdelay $0x3  }
0x91: {  	s26 =	simm.s32 $0x9A0  }
0x92: {  	[tilespmem:s26], [sflag:$0x3] =	stream.indirect_vreg.gather [hbm4b:s5+s4], $0x1, v1, vm0, $0xb8;
	[tilespmem:$0x1000] =	vst v63  }
0x93: {  	v1 =	vld [tilespmem:$0x1B0];
	_ =	sdelay $0x4  }
0x94: {  	v1 =	vadd.s32 v0, v1;
	_ =	sdelay $0x3  }
0x95: {  	s28 =	simm.s32 $0x9B0  }
0x96: {  	[tilespmem:s28], [sflag:$0x3] =	stream.indirect_vreg.gather [hbm4b:s5+s4], $0x1, v1, vm0, $0xb8;
	[tilespmem:$0x1000] =	vst v63  }
0x97: {  	v1 =	vld [tilespmem:$0x1C0];
	_ =	sdelay $0x4  }
0x98: {  	v1 =	vadd.s32 v0, v1;
	_ =	sdelay $0x3  }
0x99: {  	s22 =	simm.s32 $0x9C0  }
0x9a: {  	[tilespmem:s22], [sflag:$0x3] =	stream.indirect_vreg.gather [hbm4b:s5+s4], $0x1, v1, vm0, $0xb8;
	[tilespmem:$0x1000] =	vst v63  }
0x9b: {  	v1 =	vld [tilespmem:$0x1D0];
	_ =	sdelay $0x4  }
0x9c: {  	v1 =	vadd.s32 v0, v1;
	_ =	sdelay $0x3  }
0x9d: {  	s23 =	simm.s32 $0x9D0  }
0x9e: {  	[tilespmem:s23], [sflag:$0x3] =	stream.indirect_vreg.gather [hbm4b:s5+s4], $0x1, v1, vm0, $0xb8;
	[tilespmem:$0x1000] =	vst v63  }
0x9f: {  	v1 =	vld [tilespmem:$0x1E0];
	_ =	sdelay $0x4  }
0xa0: {  	v1 =	vadd.s32 v0, v1;
	_ =	sdelay $0x3  }
0xa1: {  	s24 =	simm.s32 $0x9E0  }
0xa2: {  	[tilespmem:s24], [sflag:$0x3] =	stream.indirect_vreg.gather [hbm4b:s5+s4], $0x1, v1, vm0, $0xb8;
	[tilespmem:$0x1000] =	vst v63  }
0xa3: {  	v1 =	vld [tilespmem:$0x1F0];
	_ =	sdelay $0x4  }
0xa4: {  	v1 =	vadd.s32 v0, v1;
	_ =	sdelay $0x3  }
0xa5: {  	s25 =	simm.s32 $0x9F0  }
0xa6: {  	[tilespmem:s25], [sflag:$0x3] =	stream.indirect_vreg.gather [hbm4b:s5+s4], $0x1, v1, vm0, $0xb8;
	[tilespmem:$0x1000] =	vst v63  }
0xa7: {  	v1 =	vld [tilespmem:$0x200];
	_ =	sdelay $0x4  }
0xa8: {  	v1 =	vadd.s32 v0, v1;
	_ =	sdelay $0x3  }
0xa9: {  	s26 =	simm.s32 $0xA00  }
0xaa: {  	[tilespmem:s26], [sflag:$0x3] =	stream.indirect_vreg.gather [hbm4b:s5+s4], $0x1, v1, vm0, $0xb8;
	[tilespmem:$0x1000] =	vst v63  }
0xab: {  	v1 =	vld [tilespmem:$0x210];
	_ =	sdelay $0x4  }
0xac: {  	v1 =	vadd.s32 v0, v1;
	_ =	sdelay $0x3  }
0xad: {  	s28 =	simm.s32 $0xA10  }
0xae: {  	[tilespmem:s28], [sflag:$0x3] =	stream.indirect_vreg.gather [hbm4b:s5+s4], $0x1, v1, vm0, $0xb8;
	[tilespmem:$0x1000] =	vst v63  }
0xaf: {  	v1 =	vld [tilespmem:$0x220];
	_ =	sdelay $0x4  }
0xb0: {  	v1 =	vadd.s32 v0, v1;
	_ =	sdelay $0x3  }
0xb1: {  	s22 =	simm.s32 $0xA20  }
0xb2: {  	[tilespmem:s22], [sflag:$0x3] =	stream.indirect_vreg.gather [hbm4b:s5+s4], $0x1, v1, vm0, $0xb8;
	[tilespmem:$0x1000] =	vst v63  }
0xb3: {  	v1 =	vld [tilespmem:$0x230];
	_ =	sdelay $0x4  }
0xb4: {  	v1 =	vadd.s32 v0, v1;
	_ =	sdelay $0x3  }
0xb5: {  	s23 =	simm.s32 $0xA30  }
0xb6: {  	[tilespmem:s23], [sflag:$0x3] =	stream.indirect_vreg.gather [hbm4b:s5+s4], $0x1, v1, vm0, $0xb8;
	[tilespmem:$0x1000] =	vst v63  }
0xb7: {  	v1 =	vld [tilespmem:$0x240];
	_ =	sdelay $0x4  }
0xb8: {  	v1 =	vadd.s32 v0, v1;
	_ =	sdelay $0x3  }
0xb9: {  	s24 =	simm.s32 $0xA40  }
0xba: {  	[tilespmem:s24], [sflag:$0x3] =	stream.indirect_vreg.gather [hbm4b:s5+s4], $0x1, v1, vm0, $0xb8;
	[tilespmem:$0x1000] =	vst v63  }
0xbb: {  	v1 =	vld [tilespmem:$0x250];
	_ =	sdelay $0x4  }
0xbc: {  	v1 =	vadd.s32 v0, v1;
	_ =	sdelay $0x3  }
0xbd: {  	s25 =	simm.s32 $0xA50  }
0xbe: {  	[tilespmem:s25], [sflag:$0x3] =	stream.indirect_vreg.gather [hbm4b:s5+s4], $0x1, v1, vm0, $0xb8;
	[tilespmem:$0x1000] =	vst v63  }
0xbf: {  	v1 =	vld [tilespmem:$0x260];
	_ =	sdelay $0x4  }
0xc0: {  	v1 =	vadd.s32 v0, v1;
	_ =	sdelay $0x3  }
0xc1: {  	s26 =	simm.s32 $0xA60  }
0xc2: {  	[tilespmem:s26], [sflag:$0x3] =	stream.indirect_vreg.gather [hbm4b:s5+s4], $0x1, v1, vm0, $0xb8;
	[tilespmem:$0x1000] =	vst v63  }
0xc3: {  	v1 =	vld [tilespmem:$0x270];
	_ =	sdelay $0x4  }
0xc4: {  	v1 =	vadd.s32 v0, v1;
	_ =	sdelay $0x3  }
0xc5: {  	s28 =	simm.s32 $0xA70  }
0xc6: {  	[tilespmem:s28], [sflag:$0x3] =	stream.indirect_vreg.gather [hbm4b:s5+s4], $0x1, v1, vm0, $0xb8;
	[tilespmem:$0x1000] =	vst v63  }
0xc7: {  	v1 =	vld [tilespmem:$0x280];
	_ =	sdelay $0x4  }
0xc8: {  	v1 =	vadd.s32 v0, v1;
	_ =	sdelay $0x3  }
0xc9: {  	s22 =	simm.s32 $0xA80  }
0xca: {  	[tilespmem:s22], [sflag:$0x3] =	stream.indirect_vreg.gather [hbm4b:s5+s4], $0x1, v1, vm0, $0xb8;
	[tilespmem:$0x1000] =	vst v63  }
0xcb: {  	v1 =	vld [tilespmem:$0x290];
	_ =	sdelay $0x4  }
0xcc: {  	v1 =	vadd.s32 v0, v1;
	_ =	sdelay $0x3  }
0xcd: {  	s23 =	simm.s32 $0xA90  }
0xce: {  	[tilespmem:s23], [sflag:$0x3] =	stream.indirect_vreg.gather [hbm4b:s5+s4], $0x1, v1, vm0, $0xb8;
	[tilespmem:$0x1000] =	vst v63  }
0xcf: {  	v1 =	vld [tilespmem:$0x2A0];
	_ =	sdelay $0x4  }
0xd0: {  	v1 =	vadd.s32 v0, v1;
	_ =	sdelay $0x3  }
0xd1: {  	s24 =	simm.s32 $0xAA0  }
0xd2: {  	[tilespmem:s24], [sflag:$0x3] =	stream.indirect_vreg.gather [hbm4b:s5+s4], $0x1, v1, vm0, $0xb8;
	[tilespmem:$0x1000] =	vst v63  }
0xd3: {  	v1 =	vld [tilespmem:$0x2B0];
	_ =	sdelay $0x4  }
0xd4: {  	v1 =	vadd.s32 v0, v1;
	_ =	sdelay $0x3  }
0xd5: {  	s25 =	simm.s32 $0xAB0  }
0xd6: {  	[tilespmem:s25], [sflag:$0x3] =	stream.indirect_vreg.gather [hbm4b:s5+s4], $0x1, v1, vm0, $0xb8;
	[tilespmem:$0x1000] =	vst v63  }
0xd7: {  	v1 =	vld [tilespmem:$0x2C0];
	_ =	sdelay $0x4  }
0xd8: {  	v1 =	vadd.s32 v0, v1;
	_ =	sdelay $0x3  }
0xd9: {  	s26 =	simm.s32 $0xAC0  }
0xda: {  	[tilespmem:s26], [sflag:$0x3] =	stream.indirect_vreg.gather [hbm4b:s5+s4], $0x1, v1, vm0, $0xb8;
	[tilespmem:$0x1000] =	vst v63  }
0xdb: {  	v1 =	vld [tilespmem:$0x2D0];
	_ =	sdelay $0x4  }
0xdc: {  	v1 =	vadd.s32 v0, v1;
	_ =	sdelay $0x3  }
0xdd: {  	s28 =	simm.s32 $0xAD0  }
0xde: {  	[tilespmem:s28], [sflag:$0x3] =	stream.indirect_vreg.gather [hbm4b:s5+s4], $0x1, v1, vm0, $0xb8;
	[tilespmem:$0x1000] =	vst v63  }
0xdf: {  	v1 =	vld [tilespmem:$0x2E0];
	_ =	sdelay $0x4  }
0xe0: {  	v1 =	vadd.s32 v0, v1;
	_ =	sdelay $0x3  }
0xe1: {  	s22 =	simm.s32 $0xAE0  }
0xe2: {  	[tilespmem:s22], [sflag:$0x3] =	stream.indirect_vreg.gather [hbm4b:s5+s4], $0x1, v1, vm0, $0xb8;
	[tilespmem:$0x1000] =	vst v63  }
0xe3: {  	v1 =	vld [tilespmem:$0x2F0];
	_ =	sdelay $0x4  }
0xe4: {  	v1 =	vadd.s32 v0, v1;
	_ =	sdelay $0x3  }
0xe5: {  	s23 =	simm.s32 $0xAF0  }
0xe6: {  	[tilespmem:s23], [sflag:$0x3] =	stream.indirect_vreg.gather [hbm4b:s5+s4], $0x1, v1, vm0, $0xb8;
	[tilespmem:$0x1000] =	vst v63  }
0xe7: {  	v1 =	vld [tilespmem:$0x300];
	_ =	sdelay $0x4  }
0xe8: {  	v1 =	vadd.s32 v0, v1;
	_ =	sdelay $0x3  }
0xe9: {  	s24 =	simm.s32 $0xB00  }
0xea: {  	[tilespmem:s24], [sflag:$0x3] =	stream.indirect_vreg.gather [hbm4b:s5+s4], $0x1, v1, vm0, $0xb8;
	[tilespmem:$0x1000] =	vst v63  }
0xeb: {  	v1 =	vld [tilespmem:$0x310];
	_ =	sdelay $0x4  }
0xec: {  	v1 =	vadd.s32 v0, v1;
	_ =	sdelay $0x3  }
0xed: {  	s25 =	simm.s32 $0xB10  }
0xee: {  	[tilespmem:s25], [sflag:$0x3] =	stream.indirect_vreg.gather [hbm4b:s5+s4], $0x1, v1, vm0, $0xb8;
	[tilespmem:$0x1000] =	vst v63  }
0xef: {  	v1 =	vld [tilespmem:$0x320];
	_ =	sdelay $0x4  }
0xf0: {  	v1 =	vadd.s32 v0, v1;
	_ =	sdelay $0x3  }
0xf1: {  	s26 =	simm.s32 $0xB20  }
0xf2: {  	[tilespmem:s26], [sflag:$0x3] =	stream.indirect_vreg.gather [hbm4b:s5+s4], $0x1, v1, vm0, $0xb8;
	[tilespmem:$0x1000] =	vst v63  }
0xf3: {  	v1 =	vld [tilespmem:$0x330];
	_ =	sdelay $0x4  }
0xf4: {  	v1 =	vadd.s32 v0, v1;
	_ =	sdelay $0x3  }
0xf5: {  	s28 =	simm.s32 $0xB30  }
0xf6: {  	[tilespmem:s28], [sflag:$0x3] =	stream.indirect_vreg.gather [hbm4b:s5+s4], $0x1, v1, vm0, $0xb8;
	[tilespmem:$0x1000] =	vst v63  }
0xf7: {  	v1 =	vld [tilespmem:$0x340];
	_ =	sdelay $0x4  }
0xf8: {  	v1 =	vadd.s32 v0, v1;
	_ =	sdelay $0x3  }
0xf9: {  	s22 =	simm.s32 $0xB40  }
0xfa: {  	[tilespmem:s22], [sflag:$0x3] =	stream.indirect_vreg.gather [hbm4b:s5+s4], $0x1, v1, vm0, $0xb8;
	[tilespmem:$0x1000] =	vst v63  }
0xfb: {  	v1 =	vld [tilespmem:$0x350];
	_ =	sdelay $0x4  }
0xfc: {  	v1 =	vadd.s32 v0, v1;
	_ =	sdelay $0x3  }
0xfd: {  	s23 =	simm.s32 $0xB50  }
0xfe: {  	[tilespmem:s23], [sflag:$0x3] =	stream.indirect_vreg.gather [hbm4b:s5+s4], $0x1, v1, vm0, $0xb8;
	[tilespmem:$0x1000] =	vst v63  }
0xff: {  	v1 =	vld [tilespmem:$0x360];
	_ =	sdelay $0x4  }
0x100: {  	v1 =	vadd.s32 v0, v1;
	_ =	sdelay $0x3  }
0x101: {  	s24 =	simm.s32 $0xB60  }
0x102: {  	[tilespmem:s24], [sflag:$0x3] =	stream.indirect_vreg.gather [hbm4b:s5+s4], $0x1, v1, vm0, $0xb8;
	[tilespmem:$0x1000] =	vst v63  }
0x103: {  	v1 =	vld [tilespmem:$0x370];
	_ =	sdelay $0x4  }
0x104: {  	v1 =	vadd.s32 v0, v1;
	_ =	sdelay $0x3  }
0x105: {  	s25 =	simm.s32 $0xB70  }
0x106: {  	[tilespmem:s25], [sflag:$0x3] =	stream.indirect_vreg.gather [hbm4b:s5+s4], $0x1, v1, vm0, $0xb8;
	[tilespmem:$0x1000] =	vst v63  }
0x107: {  	v1 =	vld [tilespmem:$0x380];
	_ =	sdelay $0x4  }
0x108: {  	v1 =	vadd.s32 v0, v1;
	_ =	sdelay $0x3  }
0x109: {  	s26 =	simm.s32 $0xB80  }
0x10a: {  	[tilespmem:s26], [sflag:$0x3] =	stream.indirect_vreg.gather [hbm4b:s5+s4], $0x1, v1, vm0, $0xb8;
	[tilespmem:$0x1000] =	vst v63  }
0x10b: {  	v1 =	vld [tilespmem:$0x390];
	_ =	sdelay $0x4  }
0x10c: {  	v1 =	vadd.s32 v0, v1;
	_ =	sdelay $0x3  }
0x10d: {  	s28 =	simm.s32 $0xB90  }
0x10e: {  	[tilespmem:s28], [sflag:$0x3] =	stream.indirect_vreg.gather [hbm4b:s5+s4], $0x1, v1, vm0, $0xb8;
	[tilespmem:$0x1000] =	vst v63  }
0x10f: {  	v1 =	vld [tilespmem:$0x3A0];
	_ =	sdelay $0x4  }
0x110: {  	v1 =	vadd.s32 v0, v1;
	_ =	sdelay $0x3  }
0x111: {  	s22 =	simm.s32 $0xBA0  }
0x112: {  	[tilespmem:s22], [sflag:$0x3] =	stream.indirect_vreg.gather [hbm4b:s5+s4], $0x1, v1, vm0, $0xb8;
	[tilespmem:$0x1000] =	vst v63  }
0x113: {  	v1 =	vld [tilespmem:$0x3B0];
	_ =	sdelay $0x4  }
0x114: {  	v1 =	vadd.s32 v0, v1;
	_ =	sdelay $0x3  }
0x115: {  	s23 =	simm.s32 $0xBB0  }
0x116: {  	[tilespmem:s23], [sflag:$0x3] =	stream.indirect_vreg.gather [hbm4b:s5+s4], $0x1, v1, vm0, $0xb8;
	[tilespmem:$0x1000] =	vst v63  }
0x117: {  	v1 =	vld [tilespmem:$0x3C0];
	_ =	sdelay $0x4  }
0x118: {  	v1 =	vadd.s32 v0, v1;
	_ =	sdelay $0x3  }
0x119: {  	s24 =	simm.s32 $0xBC0  }
0x11a: {  	[tilespmem:s24], [sflag:$0x3] =	stream.indirect_vreg.gather [hbm4b:s5+s4], $0x1, v1, vm0, $0xb8;
	[tilespmem:$0x1000] =	vst v63  }
0x11b: {  	v1 =	vld [tilespmem:$0x3D0];
	_ =	sdelay $0x4  }
0x11c: {  	v1 =	vadd.s32 v0, v1;
	_ =	sdelay $0x3  }
0x11d: {  	s25 =	simm.s32 $0xBD0  }
0x11e: {  	[tilespmem:s25], [sflag:$0x3] =	stream.indirect_vreg.gather [hbm4b:s5+s4], $0x1, v1, vm0, $0xb8;
	[tilespmem:$0x1000] =	vst v63  }
0x11f: {  	v1 =	vld [tilespmem:$0x3E0];
	_ =	sdelay $0x4  }
0x120: {  	v1 =	vadd.s32 v0, v1;
	_ =	sdelay $0x3  }
0x121: {  	s26 =	simm.s32 $0xBE0  }
0x122: {  	[tilespmem:s26], [sflag:$0x3] =	stream.indirect_vreg.gather [hbm4b:s5+s4], $0x1, v1, vm0, $0xb8;
	[tilespmem:$0x1000] =	vst v63  }
0x123: {  	v1 =	vld [tilespmem:$0x3F0];
	_ =	sdelay $0x4  }
0x124: {  	v1 =	vadd.s32 v0, v1  }
.Ltmp2:
0x125: {  	_ = 	snop;
	(pc) =	sbr.rel .LBB2_2-.Ltmp2, $4  }
0x126: {  	_ = 	snop  }
0x127: {  	s21 =	rddreg [dreg:$0x8]  }
0x128: {  	s28 =	simm.s32 $0xBF0;
	s22 =	rddreg [dreg:$0x7];
	s23 =	simm.s32 $0x0  }
0x129: {  	[tilespmem:s28], [sflag:$0x3] =	stream.indirect_vreg.gather [hbm4b:s5+s4], $0x1, v1, vm0, $0xb8;
	[tilespmem:$0x1000] =	vst v63  }
.LBB2_4:
0x12a: {  	s23 =	sadd.s32 $0x20, s23  }
0x12b: {  	p0 =	sne.s32 s23, $0x400  }
.Ltmp3:
0x12c: {  	_ = 	snop;
	(pc) =	sbr.rel @!p0 .LBB2_5-.Ltmp3, $4  }
0x12d: {  	s25 =	sadd.s32 $0x10, s25;
	_ =	swait.ge [sflag:s19], $0x400;
	s24 =	sadd.s32 s3, s24  }
0x12e: {  	s22 =	sadd.s32 $0x10000, s22;
	s25 =	sand.u32 $0x70, s25;
	[sflag:s19] =	ssyncset.done $0x0  }
0x12f: {  	s21 =	sadd.s32 $0x100, s21;
	[sflag:s19] =	ssyncadd.s32 $0xFFFFFC00;
	s24 =	sadd.s32 s25, s24  }
0x130: {  	[hbm4b:s24+s12] =	stream.strided.scatter [tilespmem:s10], [sflag:$0x6], $0x400, s13, s12, $0x38;
	[tilespmem:$0x1000] =	vst v63  }
.LBB2_2:
0x131: {  	_ =	swait.ge [sflag:s9], $0x400  }
0x132: {  	p0 =	seq.s32 s23, $0x0;
	[sflag:s9] =	ssyncset.done $0x0  }
0x133: {  	s24 =	simm.s32 @!p0 $0x6;
	[sflag:s9] =	ssyncadd.s32 $0xFFFFFC00  }
0x134: {  	_ =	swait.ge @!p0 [sflag:s24], $0x400  }
0x135: {  	[sflag:s24] =	ssyncset.done @!p0 $0x0  }
0x136: {  	[sflag:s24] =	ssyncadd.s32 @!p0 $0xFFFFFC00  }
0x137: {  	v1 =	vld [tilespmem:$0x400];
	_ =	sdelay $0x3  }
0x138: {  	s24 =	sadd.s32 $0xFFFF8000, s22  }
0x139: {  	v1 =	vadd.s32 s24, v1;
	_ =	sdelay $0x4  }
0x13a: {  	[tilespmem:s10], [sflag:$0x4] =	stream.indirect_vreg.gather [hbm4b:s5+s4], $0x1, v1, vm0, $0xb8;
	[tilespmem:$0x1000] =	vst v63  }
0x13b: {  	v1 =	vld [tilespmem:$0x410];
	_ =	sdelay $0x4  }
0x13c: {  	v1 =	vadd.s32 s24, v1;
	_ =	sdelay $0x3  }
0x13d: {  	s25 =	simm.s32 $0xC10  }
0x13e: {  	[tilespmem:s25], [sflag:$0x4] =	stream.indirect_vreg.gather [hbm4b:s5+s4], $0x1, v1, vm0, $0xb8;
	[tilespmem:$0x1000] =	vst v63  }
0x13f: {  	v1 =	vld [tilespmem:$0x420];
	_ =	sdelay $0x4  }
0x140: {  	v1 =	vadd.s32 s24, v1;
	_ =	sdelay $0x3  }
0x141: {  	s28 =	simm.s32 $0xC20  }
0x142: {  	[tilespmem:s28], [sflag:$0x4] =	stream.indirect_vreg.gather [hbm4b:s5+s4], $0x1, v1, vm0, $0xb8;
	[tilespmem:$0x1000] =	vst v63  }
0x143: {  	v1 =	vld [tilespmem:$0x430];
	_ =	sdelay $0x4  }
0x144: {  	v1 =	vadd.s32 s24, v1;
	_ =	sdelay $0x3  }
0x145: {  	s26 =	simm.s32 $0xC30  }
0x146: {  	[tilespmem:s26], [sflag:$0x4] =	stream.indirect_vreg.gather [hbm4b:s5+s4], $0x1, v1, vm0, $0xb8;
	[tilespmem:$0x1000] =	vst v63  }
0x147: {  	v1 =	vld [tilespmem:$0x440];
	_ =	sdelay $0x4  }
0x148: {  	v1 =	vadd.s32 s24, v1;
	_ =	sdelay $0x3  }
0x149: {  	s28 =	simm.s32 $0xC40  }
0x14a: {  	[tilespmem:s28], [sflag:$0x4] =	stream.indirect_vreg.gather [hbm4b:s5+s4], $0x1, v1, vm0, $0xb8;
	[tilespmem:$0x1000] =	vst v63  }
0x14b: {  	v1 =	vld [tilespmem:$0x450];
	_ =	sdelay $0x4  }
0x14c: {  	v1 =	vadd.s32 s24, v1;
	_ =	sdelay $0x3  }
0x14d: {  	s26 =	simm.s32 $0xC50  }
0x14e: {  	[tilespmem:s26], [sflag:$0x4] =	stream.indirect_vreg.gather [hbm4b:s5+s4], $0x1, v1, vm0, $0xb8;
	[tilespmem:$0x1000] =	vst v63  }
0x14f: {  	v1 =	vld [tilespmem:$0x460];
	_ =	sdelay $0x4  }
0x150: {  	v1 =	vadd.s32 s24, v1;
	_ =	sdelay $0x3  }
0x151: {  	s28 =	simm.s32 $0xC60  }
0x152: {  	[tilespmem:s28], [sflag:$0x4] =	stream.indirect_vreg.gather [hbm4b:s5+s4], $0x1, v1, vm0, $0xb8;
	[tilespmem:$0x1000] =	vst v63  }
0x153: {  	v1 =	vld [tilespmem:$0x470];
	_ =	sdelay $0x4  }
0x154: {  	v1 =	vadd.s32 s24, v1;
	_ =	sdelay $0x3  }
0x155: {  	s26 =	simm.s32 $0xC70  }
0x156: {  	[tilespmem:s26], [sflag:$0x4] =	stream.indirect_vreg.gather [hbm4b:s5+s4], $0x1, v1, vm0, $0xb8;
	[tilespmem:$0x1000] =	vst v63  }
0x157: {  	v1 =	vld [tilespmem:$0x480];
	_ =	sdelay $0x4  }
0x158: {  	v1 =	vadd.s32 s24, v1;
	_ =	sdelay $0x3  }
0x159: {  	s28 =	simm.s32 $0xC80  }
0x15a: {  	[tilespmem:s28], [sflag:$0x4] =	stream.indirect_vreg.gather [hbm4b:s5+s4], $0x1, v1, vm0, $0xb8;
	[tilespmem:$0x1000] =	vst v63  }
0x15b: {  	v1 =	vld [tilespmem:$0x490];
	_ =	sdelay $0x4  }
0x15c: {  	v1 =	vadd.s32 s24, v1;
	_ =	sdelay $0x3  }
0x15d: {  	s26 =	simm.s32 $0xC90  }
0x15e: {  	[tilespmem:s26], [sflag:$0x4] =	stream.indirect_vreg.gather [hbm4b:s5+s4], $0x1, v1, vm0, $0xb8;
	[tilespmem:$0x1000] =	vst v63  }
0x15f: {  	v1 =	vld [tilespmem:$0x4A0];
	_ =	sdelay $0x4  }
0x160: {  	v1 =	vadd.s32 s24, v1;
	_ =	sdelay $0x3  }
0x161: {  	s28 =	simm.s32 $0xCA0  }
0x162: {  	[tilespmem:s28], [sflag:$0x4] =	stream.indirect_vreg.gather [hbm4b:s5+s4], $0x1, v1, vm0, $0xb8;
	[tilespmem:$0x1000] =	vst v63  }
0x163: {  	v1 =	vld [tilespmem:$0x4B0];
	_ =	sdelay $0x4  }
0x164: {  	v1 =	vadd.s32 s24, v1;
	_ =	sdelay $0x3  }
0x165: {  	s26 =	simm.s32 $0xCB0  }
0x166: {  	[tilespmem:s26], [sflag:$0x4] =	stream.indirect_vreg.gather [hbm4b:s5+s4], $0x1, v1, vm0, $0xb8;
	[tilespmem:$0x1000] =	vst v63  }
0x167: {  	v1 =	vld [tilespmem:$0x4C0];
	_ =	sdelay $0x4  }
0x168: {  	v1 =	vadd.s32 s24, v1;
	_ =	sdelay $0x3  }
0x169: {  	s28 =	simm.s32 $0xCC0  }
0x16a: {  	[tilespmem:s28], [sflag:$0x4] =	stream.indirect_vreg.gather [hbm4b:s5+s4], $0x1, v1, vm0, $0xb8;
	[tilespmem:$0x1000] =	vst v63  }
0x16b: {  	v1 =	vld [tilespmem:$0x4D0];
	_ =	sdelay $0x4  }
0x16c: {  	v1 =	vadd.s32 s24, v1;
	_ =	sdelay $0x3  }
0x16d: {  	s26 =	simm.s32 $0xCD0  }
0x16e: {  	[tilespmem:s26], [sflag:$0x4] =	stream.indirect_vreg.gather [hbm4b:s5+s4], $0x1, v1, vm0, $0xb8;
	[tilespmem:$0x1000] =	vst v63  }
0x16f: {  	v1 =	vld [tilespmem:$0x4E0];
	_ =	sdelay $0x4  }
0x170: {  	v1 =	vadd.s32 s24, v1;
	_ =	sdelay $0x3  }
0x171: {  	s28 =	simm.s32 $0xCE0  }
0x172: {  	[tilespmem:s28], [sflag:$0x4] =	stream.indirect_vreg.gather [hbm4b:s5+s4], $0x1, v1, vm0, $0xb8;
	[tilespmem:$0x1000] =	vst v63  }
0x173: {  	v1 =	vld [tilespmem:$0x4F0];
	_ =	sdelay $0x4  }
0x174: {  	v1 =	vadd.s32 s24, v1;
	_ =	sdelay $0x3  }
0x175: {  	s26 =	simm.s32 $0xCF0  }
0x176: {  	[tilespmem:s26], [sflag:$0x4] =	stream.indirect_vreg.gather [hbm4b:s5+s4], $0x1, v1, vm0, $0xb8;
	[tilespmem:$0x1000] =	vst v63  }
0x177: {  	v1 =	vld [tilespmem:$0x500];
	_ =	sdelay $0x4  }
0x178: {  	v1 =	vadd.s32 s24, v1;
	_ =	sdelay $0x3  }
0x179: {  	s28 =	simm.s32 $0xD00  }
0x17a: {  	[tilespmem:s28], [sflag:$0x4] =	stream.indirect_vreg.gather [hbm4b:s5+s4], $0x1, v1, vm0, $0xb8;
	[tilespmem:$0x1000] =	vst v63  }
0x17b: {  	v1 =	vld [tilespmem:$0x510];
	_ =	sdelay $0x4  }
0x17c: {  	v1 =	vadd.s32 s24, v1;
	_ =	sdelay $0x3  }
0x17d: {  	s26 =	simm.s32 $0xD10  }
0x17e: {  	[tilespmem:s26], [sflag:$0x4] =	stream.indirect_vreg.gather [hbm4b:s5+s4], $0x1, v1, vm0, $0xb8;
	[tilespmem:$0x1000] =	vst v63  }
0x17f: {  	v1 =	vld [tilespmem:$0x520];
	_ =	sdelay $0x4  }
0x180: {  	v1 =	vadd.s32 s24, v1;
	_ =	sdelay $0x3  }
0x181: {  	s28 =	simm.s32 $0xD20  }
0x182: {  	[tilespmem:s28], [sflag:$0x4] =	stream.indirect_vreg.gather [hbm4b:s5+s4], $0x1, v1, vm0, $0xb8;
	[tilespmem:$0x1000] =	vst v63  }
0x183: {  	v1 =	vld [tilespmem:$0x530];
	_ =	sdelay $0x4  }
0x184: {  	v1 =	vadd.s32 s24, v1;
	_ =	sdelay $0x3  }
0x185: {  	s26 =	simm.s32 $0xD30  }
0x186: {  	[tilespmem:s26], [sflag:$0x4] =	stream.indirect_vreg.gather [hbm4b:s5+s4], $0x1, v1, vm0, $0xb8;
	[tilespmem:$0x1000] =	vst v63  }
0x187: {  	v1 =	vld [tilespmem:$0x540];
	_ =	sdelay $0x4  }
0x188: {  	v1 =	vadd.s32 s24, v1;
	_ =	sdelay $0x3  }
0x189: {  	s28 =	simm.s32 $0xD40  }
0x18a: {  	[tilespmem:s28], [sflag:$0x4] =	stream.indirect_vreg.gather [hbm4b:s5+s4], $0x1, v1, vm0, $0xb8;
	[tilespmem:$0x1000] =	vst v63  }
0x18b: {  	v1 =	vld [tilespmem:$0x550];
	_ =	sdelay $0x4  }
0x18c: {  	v1 =	vadd.s32 s24, v1;
	_ =	sdelay $0x3  }
0x18d: {  	s26 =	simm.s32 $0xD50  }
0x18e: {  	[tilespmem:s26], [sflag:$0x4] =	stream.indirect_vreg.gather [hbm4b:s5+s4], $0x1, v1, vm0, $0xb8;
	[tilespmem:$0x1000] =	vst v63  }
0x18f: {  	v1 =	vld [tilespmem:$0x560];
	_ =	sdelay $0x4  }
0x190: {  	v1 =	vadd.s32 s24, v1;
	_ =	sdelay $0x3  }
0x191: {  	s28 =	simm.s32 $0xD60  }
0x192: {  	[tilespmem:s28], [sflag:$0x4] =	stream.indirect_vreg.gather [hbm4b:s5+s4], $0x1, v1, vm0, $0xb8;
	[tilespmem:$0x1000] =	vst v63  }
0x193: {  	v1 =	vld [tilespmem:$0x570];
	_ =	sdelay $0x4  }
0x194: {  	v1 =	vadd.s32 s24, v1;
	_ =	sdelay $0x3  }
0x195: {  	s26 =	simm.s32 $0xD70  }
0x196: {  	[tilespmem:s26], [sflag:$0x4] =	stream.indirect_vreg.gather [hbm4b:s5+s4], $0x1, v1, vm0, $0xb8;
	[tilespmem:$0x1000] =	vst v63  }
0x197: {  	v1 =	vld [tilespmem:$0x580];
	_ =	sdelay $0x4  }
0x198: {  	v1 =	vadd.s32 s24, v1;
	_ =	sdelay $0x3  }
0x199: {  	s28 =	simm.s32 $0xD80  }
0x19a: {  	[tilespmem:s28], [sflag:$0x4] =	stream.indirect_vreg.gather [hbm4b:s5+s4], $0x1, v1, vm0, $0xb8;
	[tilespmem:$0x1000] =	vst v63  }
0x19b: {  	v1 =	vld [tilespmem:$0x590];
	_ =	sdelay $0x4  }
0x19c: {  	v1 =	vadd.s32 s24, v1;
	_ =	sdelay $0x3  }
0x19d: {  	s26 =	simm.s32 $0xD90  }
0x19e: {  	[tilespmem:s26], [sflag:$0x4] =	stream.indirect_vreg.gather [hbm4b:s5+s4], $0x1, v1, vm0, $0xb8;
	[tilespmem:$0x1000] =	vst v63  }
0x19f: {  	v1 =	vld [tilespmem:$0x5A0];
	_ =	sdelay $0x4  }
0x1a0: {  	v1 =	vadd.s32 s24, v1;
	_ =	sdelay $0x3  }
0x1a1: {  	s28 =	simm.s32 $0xDA0  }
0x1a2: {  	[tilespmem:s28], [sflag:$0x4] =	stream.indirect_vreg.gather [hbm4b:s5+s4], $0x1, v1, vm0, $0xb8;
	[tilespmem:$0x1000] =	vst v63  }
0x1a3: {  	v1 =	vld [tilespmem:$0x5B0];
	_ =	sdelay $0x4  }
0x1a4: {  	v1 =	vadd.s32 s24, v1;
	_ =	sdelay $0x3  }
0x1a5: {  	s26 =	simm.s32 $0xDB0  }
0x1a6: {  	[tilespmem:s26], [sflag:$0x4] =	stream.indirect_vreg.gather [hbm4b:s5+s4], $0x1, v1, vm0, $0xb8;
	[tilespmem:$0x1000] =	vst v63  }
0x1a7: {  	v1 =	vld [tilespmem:$0x5C0];
	_ =	sdelay $0x4  }
0x1a8: {  	v1 =	vadd.s32 s24, v1;
	_ =	sdelay $0x3  }
0x1a9: {  	s28 =	simm.s32 $0xDC0  }
0x1aa: {  	[tilespmem:s28], [sflag:$0x4] =	stream.indirect_vreg.gather [hbm4b:s5+s4], $0x1, v1, vm0, $0xb8;
	[tilespmem:$0x1000] =	vst v63  }
0x1ab: {  	v1 =	vld [tilespmem:$0x5D0];
	_ =	sdelay $0x4  }
0x1ac: {  	v1 =	vadd.s32 s24, v1;
	_ =	sdelay $0x3  }
0x1ad: {  	s26 =	simm.s32 $0xDD0  }
0x1ae: {  	[tilespmem:s26], [sflag:$0x4] =	stream.indirect_vreg.gather [hbm4b:s5+s4], $0x1, v1, vm0, $0xb8;
	[tilespmem:$0x1000] =	vst v63  }
0x1af: {  	v1 =	vld [tilespmem:$0x5E0];
	_ =	sdelay $0x4  }
0x1b0: {  	v1 =	vadd.s32 s24, v1;
	_ =	sdelay $0x3  }
0x1b1: {  	s28 =	simm.s32 $0xDE0  }
0x1b2: {  	[tilespmem:s28], [sflag:$0x4] =	stream.indirect_vreg.gather [hbm4b:s5+s4], $0x1, v1, vm0, $0xb8;
	[tilespmem:$0x1000] =	vst v63  }
0x1b3: {  	v1 =	vld [tilespmem:$0x5F0];
	_ =	sdelay $0x4  }
0x1b4: {  	v1 =	vadd.s32 s24, v1;
	_ =	sdelay $0x3  }
0x1b5: {  	s26 =	simm.s32 $0xDF0  }
0x1b6: {  	[tilespmem:s26], [sflag:$0x4] =	stream.indirect_vreg.gather [hbm4b:s5+s4], $0x1, v1, vm0, $0xb8;
	[tilespmem:$0x1000] =	vst v63  }
0x1b7: {  	v1 =	vld [tilespmem:$0x600];
	_ =	sdelay $0x4  }
0x1b8: {  	v1 =	vadd.s32 s24, v1;
	_ =	sdelay $0x3  }
0x1b9: {  	s28 =	simm.s32 $0xE00  }
0x1ba: {  	[tilespmem:s28], [sflag:$0x4] =	stream.indirect_vreg.gather [hbm4b:s5+s4], $0x1, v1, vm0, $0xb8;
	[tilespmem:$0x1000] =	vst v63  }
0x1bb: {  	v1 =	vld [tilespmem:$0x610];
	_ =	sdelay $0x4  }
0x1bc: {  	v1 =	vadd.s32 s24, v1;
	_ =	sdelay $0x3  }
0x1bd: {  	s26 =	simm.s32 $0xE10  }
0x1be: {  	[tilespmem:s26], [sflag:$0x4] =	stream.indirect_vreg.gather [hbm4b:s5+s4], $0x1, v1, vm0, $0xb8;
	[tilespmem:$0x1000] =	vst v63  }
0x1bf: {  	v1 =	vld [tilespmem:$0x620];
	_ =	sdelay $0x4  }
0x1c0: {  	v1 =	vadd.s32 s24, v1;
	_ =	sdelay $0x3  }
0x1c1: {  	s28 =	simm.s32 $0xE20  }
0x1c2: {  	[tilespmem:s28], [sflag:$0x4] =	stream.indirect_vreg.gather [hbm4b:s5+s4], $0x1, v1, vm0, $0xb8;
	[tilespmem:$0x1000] =	vst v63  }
0x1c3: {  	v1 =	vld [tilespmem:$0x630];
	_ =	sdelay $0x4  }
0x1c4: {  	v1 =	vadd.s32 s24, v1;
	_ =	sdelay $0x3  }
0x1c5: {  	s26 =	simm.s32 $0xE30  }
0x1c6: {  	[tilespmem:s26], [sflag:$0x4] =	stream.indirect_vreg.gather [hbm4b:s5+s4], $0x1, v1, vm0, $0xb8;
	[tilespmem:$0x1000] =	vst v63  }
0x1c7: {  	v1 =	vld [tilespmem:$0x640];
	_ =	sdelay $0x4  }
0x1c8: {  	v1 =	vadd.s32 s24, v1;
	_ =	sdelay $0x3  }
0x1c9: {  	s28 =	simm.s32 $0xE40  }
0x1ca: {  	[tilespmem:s28], [sflag:$0x4] =	stream.indirect_vreg.gather [hbm4b:s5+s4], $0x1, v1, vm0, $0xb8;
	[tilespmem:$0x1000] =	vst v63  }
0x1cb: {  	v1 =	vld [tilespmem:$0x650];
	_ =	sdelay $0x4  }
0x1cc: {  	v1 =	vadd.s32 s24, v1;
	_ =	sdelay $0x3  }
0x1cd: {  	s26 =	simm.s32 $0xE50  }
0x1ce: {  	[tilespmem:s26], [sflag:$0x4] =	stream.indirect_vreg.gather [hbm4b:s5+s4], $0x1, v1, vm0, $0xb8;
	[tilespmem:$0x1000] =	vst v63  }
0x1cf: {  	v1 =	vld [tilespmem:$0x660];
	_ =	sdelay $0x4  }
0x1d0: {  	v1 =	vadd.s32 s24, v1;
	_ =	sdelay $0x3  }
0x1d1: {  	s28 =	simm.s32 $0xE60  }
0x1d2: {  	[tilespmem:s28], [sflag:$0x4] =	stream.indirect_vreg.gather [hbm4b:s5+s4], $0x1, v1, vm0, $0xb8;
	[tilespmem:$0x1000] =	vst v63  }
0x1d3: {  	v1 =	vld [tilespmem:$0x670];
	_ =	sdelay $0x4  }
0x1d4: {  	v1 =	vadd.s32 s24, v1;
	_ =	sdelay $0x3  }
0x1d5: {  	s26 =	simm.s32 $0xE70  }
0x1d6: {  	[tilespmem:s26], [sflag:$0x4] =	stream.indirect_vreg.gather [hbm4b:s5+s4], $0x1, v1, vm0, $0xb8;
	[tilespmem:$0x1000] =	vst v63  }
0x1d7: {  	v1 =	vld [tilespmem:$0x680];
	_ =	sdelay $0x4  }
0x1d8: {  	v1 =	vadd.s32 s24, v1;
	_ =	sdelay $0x3  }
0x1d9: {  	s28 =	simm.s32 $0xE80  }
0x1da: {  	[tilespmem:s28], [sflag:$0x4] =	stream.indirect_vreg.gather [hbm4b:s5+s4], $0x1, v1, vm0, $0xb8;
	[tilespmem:$0x1000] =	vst v63  }
0x1db: {  	v1 =	vld [tilespmem:$0x690];
	_ =	sdelay $0x4  }
0x1dc: {  	v1 =	vadd.s32 s24, v1;
	_ =	sdelay $0x3  }
0x1dd: {  	s26 =	simm.s32 $0xE90  }
0x1de: {  	[tilespmem:s26], [sflag:$0x4] =	stream.indirect_vreg.gather [hbm4b:s5+s4], $0x1, v1, vm0, $0xb8;
	[tilespmem:$0x1000] =	vst v63  }
0x1df: {  	v1 =	vld [tilespmem:$0x6A0];
	_ =	sdelay $0x4  }
0x1e0: {  	v1 =	vadd.s32 s24, v1;
	_ =	sdelay $0x3  }
0x1e1: {  	s28 =	simm.s32 $0xEA0  }
0x1e2: {  	[tilespmem:s28], [sflag:$0x4] =	stream.indirect_vreg.gather [hbm4b:s5+s4], $0x1, v1, vm0, $0xb8;
	[tilespmem:$0x1000] =	vst v63  }
0x1e3: {  	v1 =	vld [tilespmem:$0x6B0];
	_ =	sdelay $0x4  }
0x1e4: {  	v1 =	vadd.s32 s24, v1;
	_ =	sdelay $0x3  }
0x1e5: {  	s26 =	simm.s32 $0xEB0  }
0x1e6: {  	[tilespmem:s26], [sflag:$0x4] =	stream.indirect_vreg.gather [hbm4b:s5+s4], $0x1, v1, vm0, $0xb8;
	[tilespmem:$0x1000] =	vst v63  }
0x1e7: {  	v1 =	vld [tilespmem:$0x6C0];
	_ =	sdelay $0x4  }
0x1e8: {  	v1 =	vadd.s32 s24, v1;
	_ =	sdelay $0x3  }
0x1e9: {  	s28 =	simm.s32 $0xEC0  }
0x1ea: {  	[tilespmem:s28], [sflag:$0x4] =	stream.indirect_vreg.gather [hbm4b:s5+s4], $0x1, v1, vm0, $0xb8;
	[tilespmem:$0x1000] =	vst v63  }
0x1eb: {  	v1 =	vld [tilespmem:$0x6D0];
	_ =	sdelay $0x4  }
0x1ec: {  	v1 =	vadd.s32 s24, v1;
	_ =	sdelay $0x3  }
0x1ed: {  	s26 =	simm.s32 $0xED0  }
0x1ee: {  	[tilespmem:s26], [sflag:$0x4] =	stream.indirect_vreg.gather [hbm4b:s5+s4], $0x1, v1, vm0, $0xb8;
	[tilespmem:$0x1000] =	vst v63  }
0x1ef: {  	v1 =	vld [tilespmem:$0x6E0];
	_ =	sdelay $0x4  }
0x1f0: {  	v1 =	vadd.s32 s24, v1;
	_ =	sdelay $0x3  }
0x1f1: {  	s28 =	simm.s32 $0xEE0  }
0x1f2: {  	[tilespmem:s28], [sflag:$0x4] =	stream.indirect_vreg.gather [hbm4b:s5+s4], $0x1, v1, vm0, $0xb8;
	[tilespmem:$0x1000] =	vst v63  }
0x1f3: {  	v1 =	vld [tilespmem:$0x6F0];
	_ =	sdelay $0x4  }
0x1f4: {  	v1 =	vadd.s32 s24, v1;
	_ =	sdelay $0x3  }
0x1f5: {  	s26 =	simm.s32 $0xEF0  }
0x1f6: {  	[tilespmem:s26], [sflag:$0x4] =	stream.indirect_vreg.gather [hbm4b:s5+s4], $0x1, v1, vm0, $0xb8;
	[tilespmem:$0x1000] =	vst v63  }
0x1f7: {  	v1 =	vld [tilespmem:$0x700];
	_ =	sdelay $0x4  }
0x1f8: {  	v1 =	vadd.s32 s24, v1;
	_ =	sdelay $0x3  }
0x1f9: {  	s28 =	simm.s32 $0xF00  }
0x1fa: {  	[tilespmem:s28], [sflag:$0x4] =	stream.indirect_vreg.gather [hbm4b:s5+s4], $0x1, v1, vm0, $0xb8;
	[tilespmem:$0x1000] =	vst v63  }
0x1fb: {  	v1 =	vld [tilespmem:$0x710];
	_ =	sdelay $0x4  }
0x1fc: {  	v1 =	vadd.s32 s24, v1;
	_ =	sdelay $0x3  }
0x1fd: {  	s26 =	simm.s32 $0xF10  }
0x1fe: {  	[tilespmem:s26], [sflag:$0x4] =	stream.indirect_vreg.gather [hbm4b:s5+s4], $0x1, v1, vm0, $0xb8;
	[tilespmem:$0x1000] =	vst v63  }
0x1ff: {  	v1 =	vld [tilespmem:$0x720];
	_ =	sdelay $0x4  }
0x200: {  	v1 =	vadd.s32 s24, v1;
	_ =	sdelay $0x3  }
0x201: {  	s28 =	simm.s32 $0xF20  }
0x202: {  	[tilespmem:s28], [sflag:$0x4] =	stream.indirect_vreg.gather [hbm4b:s5+s4], $0x1, v1, vm0, $0xb8;
	[tilespmem:$0x1000] =	vst v63  }
0x203: {  	v1 =	vld [tilespmem:$0x730];
	_ =	sdelay $0x4  }
0x204: {  	v1 =	vadd.s32 s24, v1;
	_ =	sdelay $0x3  }
0x205: {  	s26 =	simm.s32 $0xF30  }
0x206: {  	[tilespmem:s26], [sflag:$0x4] =	stream.indirect_vreg.gather [hbm4b:s5+s4], $0x1, v1, vm0, $0xb8;
	[tilespmem:$0x1000] =	vst v63  }
0x207: {  	v1 =	vld [tilespmem:$0x740];
	_ =	sdelay $0x4  }
0x208: {  	v1 =	vadd.s32 s24, v1;
	_ =	sdelay $0x3  }
0x209: {  	s28 =	simm.s32 $0xF40  }
0x20a: {  	[tilespmem:s28], [sflag:$0x4] =	stream.indirect_vreg.gather [hbm4b:s5+s4], $0x1, v1, vm0, $0xb8;
	[tilespmem:$0x1000] =	vst v63  }
0x20b: {  	v1 =	vld [tilespmem:$0x750];
	_ =	sdelay $0x4  }
0x20c: {  	v1 =	vadd.s32 s24, v1;
	_ =	sdelay $0x3  }
0x20d: {  	s26 =	simm.s32 $0xF50  }
0x20e: {  	[tilespmem:s26], [sflag:$0x4] =	stream.indirect_vreg.gather [hbm4b:s5+s4], $0x1, v1, vm0, $0xb8;
	[tilespmem:$0x1000] =	vst v63  }
0x20f: {  	v1 =	vld [tilespmem:$0x760];
	_ =	sdelay $0x4  }
0x210: {  	v1 =	vadd.s32 s24, v1;
	_ =	sdelay $0x4  }
0x211: {  	[tilespmem:s29], [sflag:$0x4] =	stream.indirect_vreg.gather [hbm4b:s5+s4], $0x1, v1, vm0, $0xb8;
	[tilespmem:$0x1000] =	vst v63  }
0x212: {  	v1 =	vld [tilespmem:$0x770];
	_ =	sdelay $0x4  }
0x213: {  	v1 =	vadd.s32 s24, v1;
	_ =	sdelay $0x4  }
0x214: {  	[tilespmem:s30], [sflag:$0x4] =	stream.indirect_vreg.gather [hbm4b:s5+s4], $0x1, v1, vm0, $0xb8;
	[tilespmem:$0x1000] =	vst v63  }
0x215: {  	v1 =	vld [tilespmem:$0x780];
	_ =	sdelay $0x4  }
0x216: {  	v1 =	vadd.s32 s24, v1;
	_ =	sdelay $0x4  }
0x217: {  	[tilespmem:s31], [sflag:$0x4] =	stream.indirect_vreg.gather [hbm4b:s5+s4], $0x1, v1, vm0, $0xb8;
	[tilespmem:$0x1000] =	vst v63  }
0x218: {  	v1 =	vld [tilespmem:$0x790];
	_ =	sdelay $0x4  }
0x219: {  	v1 =	vadd.s32 s24, v1;
	_ =	sdelay $0x4  }
0x21a: {  	[tilespmem:s0], [sflag:$0x4] =	stream.indirect_vreg.gather [hbm4b:s5+s4], $0x1, v1, vm0, $0xb8;
	[tilespmem:$0x1000] =	vst v63  }
0x21b: {  	v1 =	vld [tilespmem:$0x7A0];
	_ =	sdelay $0x4  }
0x21c: {  	v1 =	vadd.s32 s24, v1;
	_ =	sdelay $0x4  }
0x21d: {  	[tilespmem:s1], [sflag:$0x4] =	stream.indirect_vreg.gather [hbm4b:s5+s4], $0x1, v1, vm0, $0xb8;
	[tilespmem:$0x1000] =	vst v63  }
0x21e: {  	v1 =	vld [tilespmem:$0x7B0];
	_ =	sdelay $0x4  }
0x21f: {  	v1 =	vadd.s32 s24, v1;
	_ =	sdelay $0x4  }
0x220: {  	[tilespmem:s7], [sflag:$0x4] =	stream.indirect_vreg.gather [hbm4b:s5+s4], $0x1, v1, vm0, $0xb8;
	[tilespmem:$0x1000] =	vst v63  }
0x221: {  	v1 =	vld [tilespmem:$0x7C0];
	_ =	sdelay $0x4  }
0x222: {  	v1 =	vadd.s32 s24, v1;
	_ =	sdelay $0x4  }
0x223: {  	[tilespmem:s8], [sflag:$0x4] =	stream.indirect_vreg.gather [hbm4b:s5+s4], $0x1, v1, vm0, $0xb8;
	[tilespmem:$0x1000] =	vst v63  }
0x224: {  	v1 =	vld [tilespmem:$0x7D0];
	_ =	sdelay $0x4  }
0x225: {  	v1 =	vadd.s32 s24, v1;
	_ =	sdelay $0x4  }
0x226: {  	[tilespmem:s6], [sflag:$0x4] =	stream.indirect_vreg.gather [hbm4b:s5+s4], $0x1, v1, vm0, $0xb8;
	[tilespmem:$0x1000] =	vst v63  }
0x227: {  	v1 =	vld [tilespmem:$0x7E0];
	_ =	sdelay $0x4  }
0x228: {  	v1 =	vadd.s32 s24, v1;
	_ =	sdelay $0x4  }
0x229: {  	[tilespmem:s16], [sflag:$0x4] =	stream.indirect_vreg.gather [hbm4b:s5+s4], $0x1, v1, vm0, $0xb8;
	[tilespmem:$0x1000] =	vst v63  }
0x22a: {  	v1 =	vld [tilespmem:$0x7F0];
	_ =	sdelay $0x4  }
0x22b: {  	p0 =	seq.s32 s23, $0x3E0;
	v1 =	vadd.s32 s24, v1  }
0x22c: {  	s24 =	sadd.s32 @!p0 s23, s11  }
0x22d: {  	s24 =	sadd.s32 @!p0 $0x20, s24  }
0x22e: {  	s25 =	sadd.s32 @!p0 $0x100, s21;
	s24 =	sand.u32 @!p0 $0x60, s24  }
0x22f: {  	s25 =	sand.u32 @!p0 $0xFFFFC00, s25;
	s28 =	simm.s32 @!p0 $0x0;
	s24 =	sadd.s32 @!p0 s2, s24  }
0x230: {  	[tilespmem:s17], [sflag:$0x4] =	stream.indirect_vreg.gather [hbm4b:s5+s4], $0x1, v1, vm0, $0xb8;
	[tilespmem:$0x1000] =	vst v63  }
0x231: {  	s26 =	simm.s32 @!p0 $0x400;
	s24 =	sadd.s32 @!p0 s25, s24;
	s25 =	simm.s32 @!p0 $0x80  }
0x232: {  	[tilespmem:s28], [sflag:$0x1] =	stream.strided.gather @!p0 [hbm4b:s24+s25], $0x400, s26, s25, $0x38;
	[tilespmem:$0x1000] =	vst v63  }
.Ltmp4:
0x233: {  	s28 =	sand.u32 $0x60, s23;
	_ =	swait.ge [sflag:s18], $0x400;
	(pc) =	sbr.rel @p0 .LBB2_4-.Ltmp4, $4  }
0x234: {  	s24 =	sand.u32 $0xFFFFC00, s21;
	s25 =	sadd.s32 s3, s28;
	[sflag:s18] =	ssyncset.done $0x0  }
0x235: {  	s25 =	sadd.s32 s24, s25;
	[sflag:s18] =	ssyncadd.s32 $0xFFFFFC00  }
0x236: {  	[hbm4b:s25+s12] =	stream.strided.scatter [tilespmem:s15], [sflag:$0x5], $0x400, s13, s12, $0x38;
	[tilespmem:$0x1000] =	vst v63  }
0x237: {  	s25 =	sadd.s32 s23, s11  }
0x238: {  	_ =	swait.ge [sflag:s14], $0x400  }
0x239: {  	[sflag:s14] =	ssyncset.done $0x0  }
0x23a: {  	[sflag:s14] =	ssyncadd.s32 $0xFFFFFC00  }
0x23b: {  	_ =	swait.ge [sflag:s20], $0x400  }
0x23c: {  	[sflag:s20] =	ssyncset.done $0x0  }
0x23d: {  	[sflag:s20] =	ssyncadd.s32 $0xFFFFFC00  }
0x23e: {  	v1 =	vld [tilespmem:$0x0];
	_ =	sdelay $0x4  }
0x23f: {  	v1 =	vadd.s32 s22, v1;
	_ =	sdelay $0x4  }
0x240: {  	[tilespmem:s15], [sflag:$0x3] =	stream.indirect_vreg.gather [hbm4b:s5+s4], $0x1, v1, vm0, $0xb8;
	[tilespmem:$0x1000] =	vst v63  }
0x241: {  	v1 =	vld [tilespmem:$0x10];
	_ =	sdelay $0x4  }
0x242: {  	v1 =	vadd.s32 s22, v1;
	_ =	sdelay $0x3  }
0x243: {  	s26 =	simm.s32 $0x810  }
0x244: {  	[tilespmem:s26], [sflag:$0x3] =	stream.indirect_vreg.gather [hbm4b:s5+s4], $0x1, v1, vm0, $0xb8;
	[tilespmem:$0x1000] =	vst v63  }
0x245: {  	v1 =	vld [tilespmem:$0x20];
	_ =	sdelay $0x4  }
0x246: {  	v1 =	vadd.s32 s22, v1;
	_ =	sdelay $0x3  }
0x247: {  	s28 =	simm.s32 $0x820  }
0x248: {  	[tilespmem:s28], [sflag:$0x3] =	stream.indirect_vreg.gather [hbm4b:s5+s4], $0x1, v1, vm0, $0xb8;
	[tilespmem:$0x1000] =	vst v63  }
0x249: {  	v1 =	vld [tilespmem:$0x30];
	_ =	sdelay $0x4  }
0x24a: {  	v1 =	vadd.s32 s22, v1;
	_ =	sdelay $0x3  }
0x24b: {  	s28 =	simm.s32 $0x830  }
0x24c: {  	[tilespmem:s28], [sflag:$0x3] =	stream.indirect_vreg.gather [hbm4b:s5+s4], $0x1, v1, vm0, $0xb8;
	[tilespmem:$0x1000] =	vst v63  }
0x24d: {  	v1 =	vld [tilespmem:$0x40];
	_ =	sdelay $0x4  }
0x24e: {  	v1 =	vadd.s32 s22, v1;
	_ =	sdelay $0x3  }
0x24f: {  	s28 =	simm.s32 $0x840  }
0x250: {  	[tilespmem:s28], [sflag:$0x3] =	stream.indirect_vreg.gather [hbm4b:s5+s4], $0x1, v1, vm0, $0xb8;
	[tilespmem:$0x1000] =	vst v63  }
0x251: {  	v1 =	vld [tilespmem:$0x50];
	_ =	sdelay $0x4  }
0x252: {  	v1 =	vadd.s32 s22, v1;
	_ =	sdelay $0x3  }
0x253: {  	s28 =	simm.s32 $0x850  }
0x254: {  	[tilespmem:s28], [sflag:$0x3] =	stream.indirect_vreg.gather [hbm4b:s5+s4], $0x1, v1, vm0, $0xb8;
	[tilespmem:$0x1000] =	vst v63  }
0x255: {  	v1 =	vld [tilespmem:$0x60];
	_ =	sdelay $0x4  }
0x256: {  	v1 =	vadd.s32 s22, v1;
	_ =	sdelay $0x3  }
0x257: {  	s28 =	simm.s32 $0x860  }
0x258: {  	[tilespmem:s28], [sflag:$0x3] =	stream.indirect_vreg.gather [hbm4b:s5+s4], $0x1, v1, vm0, $0xb8;
	[tilespmem:$0x1000] =	vst v63  }
0x259: {  	v1 =	vld [tilespmem:$0x70];
	_ =	sdelay $0x4  }
0x25a: {  	v1 =	vadd.s32 s22, v1;
	_ =	sdelay $0x3  }
0x25b: {  	s28 =	simm.s32 $0x870  }
0x25c: {  	[tilespmem:s28], [sflag:$0x3] =	stream.indirect_vreg.gather [hbm4b:s5+s4], $0x1, v1, vm0, $0xb8;
	[tilespmem:$0x1000] =	vst v63  }
0x25d: {  	v1 =	vld [tilespmem:$0x80];
	_ =	sdelay $0x4  }
0x25e: {  	v1 =	vadd.s32 s22, v1;
	_ =	sdelay $0x3  }
0x25f: {  	s28 =	simm.s32 $0x880  }
0x260: {  	[tilespmem:s28], [sflag:$0x3] =	stream.indirect_vreg.gather [hbm4b:s5+s4], $0x1, v1, vm0, $0xb8;
	[tilespmem:$0x1000] =	vst v63  }
0x261: {  	v1 =	vld [tilespmem:$0x90];
	_ =	sdelay $0x4  }
0x262: {  	v1 =	vadd.s32 s22, v1;
	_ =	sdelay $0x3  }
0x263: {  	s28 =	simm.s32 $0x890  }
0x264: {  	[tilespmem:s28], [sflag:$0x3] =	stream.indirect_vreg.gather [hbm4b:s5+s4], $0x1, v1, vm0, $0xb8;
	[tilespmem:$0x1000] =	vst v63  }
0x265: {  	v1 =	vld [tilespmem:$0xA0];
	_ =	sdelay $0x4  }
0x266: {  	v1 =	vadd.s32 s22, v1;
	_ =	sdelay $0x3  }
0x267: {  	s28 =	simm.s32 $0x8A0  }
0x268: {  	[tilespmem:s28], [sflag:$0x3] =	stream.indirect_vreg.gather [hbm4b:s5+s4], $0x1, v1, vm0, $0xb8;
	[tilespmem:$0x1000] =	vst v63  }
0x269: {  	v1 =	vld [tilespmem:$0xB0];
	_ =	sdelay $0x4  }
0x26a: {  	v1 =	vadd.s32 s22, v1;
	_ =	sdelay $0x3  }
0x26b: {  	s28 =	simm.s32 $0x8B0  }
0x26c: {  	[tilespmem:s28], [sflag:$0x3] =	stream.indirect_vreg.gather [hbm4b:s5+s4], $0x1, v1, vm0, $0xb8;
	[tilespmem:$0x1000] =	vst v63  }
0x26d: {  	v1 =	vld [tilespmem:$0xC0];
	_ =	sdelay $0x4  }
0x26e: {  	v1 =	vadd.s32 s22, v1;
	_ =	sdelay $0x3  }
0x26f: {  	s28 =	simm.s32 $0x8C0  }
0x270: {  	[tilespmem:s28], [sflag:$0x3] =	stream.indirect_vreg.gather [hbm4b:s5+s4], $0x1, v1, vm0, $0xb8;
	[tilespmem:$0x1000] =	vst v63  }
0x271: {  	v1 =	vld [tilespmem:$0xD0];
	_ =	sdelay $0x4  }
0x272: {  	v1 =	vadd.s32 s22, v1;
	_ =	sdelay $0x3  }
0x273: {  	s28 =	simm.s32 $0x8D0  }
0x274: {  	[tilespmem:s28], [sflag:$0x3] =	stream.indirect_vreg.gather [hbm4b:s5+s4], $0x1, v1, vm0, $0xb8;
	[tilespmem:$0x1000] =	vst v63  }
0x275: {  	v1 =	vld [tilespmem:$0xE0];
	_ =	sdelay $0x4  }
0x276: {  	v1 =	vadd.s32 s22, v1;
	_ =	sdelay $0x3  }
0x277: {  	s28 =	simm.s32 $0x8E0  }
0x278: {  	[tilespmem:s28], [sflag:$0x3] =	stream.indirect_vreg.gather [hbm4b:s5+s4], $0x1, v1, vm0, $0xb8;
	[tilespmem:$0x1000] =	vst v63  }
0x279: {  	v1 =	vld [tilespmem:$0xF0];
	_ =	sdelay $0x4  }
0x27a: {  	v1 =	vadd.s32 s22, v1;
	_ =	sdelay $0x3  }
0x27b: {  	s28 =	simm.s32 $0x8F0  }
0x27c: {  	[tilespmem:s28], [sflag:$0x3] =	stream.indirect_vreg.gather [hbm4b:s5+s4], $0x1, v1, vm0, $0xb8;
	[tilespmem:$0x1000] =	vst v63  }
0x27d: {  	v1 =	vld [tilespmem:$0x100];
	_ =	sdelay $0x4  }
0x27e: {  	v1 =	vadd.s32 s22, v1;
	_ =	sdelay $0x3  }
0x27f: {  	s28 =	simm.s32 $0x900  }
0x280: {  	[tilespmem:s28], [sflag:$0x3] =	stream.indirect_vreg.gather [hbm4b:s5+s4], $0x1, v1, vm0, $0xb8;
	[tilespmem:$0x1000] =	vst v63  }
0x281: {  	v1 =	vld [tilespmem:$0x110];
	_ =	sdelay $0x4  }
0x282: {  	v1 =	vadd.s32 s22, v1;
	_ =	sdelay $0x3  }
0x283: {  	s28 =	simm.s32 $0x910  }
0x284: {  	[tilespmem:s28], [sflag:$0x3] =	stream.indirect_vreg.gather [hbm4b:s5+s4], $0x1, v1, vm0, $0xb8;
	[tilespmem:$0x1000] =	vst v63  }
0x285: {  	v1 =	vld [tilespmem:$0x120];
	_ =	sdelay $0x4  }
0x286: {  	v1 =	vadd.s32 s22, v1;
	_ =	sdelay $0x3  }
0x287: {  	s28 =	simm.s32 $0x920  }
0x288: {  	[tilespmem:s28], [sflag:$0x3] =	stream.indirect_vreg.gather [hbm4b:s5+s4], $0x1, v1, vm0, $0xb8;
	[tilespmem:$0x1000] =	vst v63  }
0x289: {  	v1 =	vld [tilespmem:$0x130];
	_ =	sdelay $0x4  }
0x28a: {  	v1 =	vadd.s32 s22, v1;
	_ =	sdelay $0x3  }
0x28b: {  	s28 =	simm.s32 $0x930  }
0x28c: {  	[tilespmem:s28], [sflag:$0x3] =	stream.indirect_vreg.gather [hbm4b:s5+s4], $0x1, v1, vm0, $0xb8;
	[tilespmem:$0x1000] =	vst v63  }
0x28d: {  	v1 =	vld [tilespmem:$0x140];
	_ =	sdelay $0x4  }
0x28e: {  	v1 =	vadd.s32 s22, v1;
	_ =	sdelay $0x3  }
0x28f: {  	s28 =	simm.s32 $0x940  }
0x290: {  	[tilespmem:s28], [sflag:$0x3] =	stream.indirect_vreg.gather [hbm4b:s5+s4], $0x1, v1, vm0, $0xb8;
	[tilespmem:$0x1000] =	vst v63  }
0x291: {  	v1 =	vld [tilespmem:$0x150];
	_ =	sdelay $0x4  }
0x292: {  	v1 =	vadd.s32 s22, v1;
	_ =	sdelay $0x3  }
0x293: {  	s28 =	simm.s32 $0x950  }
0x294: {  	[tilespmem:s28], [sflag:$0x3] =	stream.indirect_vreg.gather [hbm4b:s5+s4], $0x1, v1, vm0, $0xb8;
	[tilespmem:$0x1000] =	vst v63  }
0x295: {  	v1 =	vld [tilespmem:$0x160];
	_ =	sdelay $0x4  }
0x296: {  	v1 =	vadd.s32 s22, v1;
	_ =	sdelay $0x3  }
0x297: {  	s28 =	simm.s32 $0x960  }
0x298: {  	[tilespmem:s28], [sflag:$0x3] =	stream.indirect_vreg.gather [hbm4b:s5+s4], $0x1, v1, vm0, $0xb8;
	[tilespmem:$0x1000] =	vst v63  }
0x299: {  	v1 =	vld [tilespmem:$0x170];
	_ =	sdelay $0x4  }
0x29a: {  	v1 =	vadd.s32 s22, v1;
	_ =	sdelay $0x3  }
0x29b: {  	s28 =	simm.s32 $0x970  }
0x29c: {  	[tilespmem:s28], [sflag:$0x3] =	stream.indirect_vreg.gather [hbm4b:s5+s4], $0x1, v1, vm0, $0xb8;
	[tilespmem:$0x1000] =	vst v63  }
0x29d: {  	v1 =	vld [tilespmem:$0x180];
	_ =	sdelay $0x4  }
0x29e: {  	v1 =	vadd.s32 s22, v1;
	_ =	sdelay $0x3  }
0x29f: {  	s28 =	simm.s32 $0x980  }
0x2a0: {  	[tilespmem:s28], [sflag:$0x3] =	stream.indirect_vreg.gather [hbm4b:s5+s4], $0x1, v1, vm0, $0xb8;
	[tilespmem:$0x1000] =	vst v63  }
0x2a1: {  	v1 =	vld [tilespmem:$0x190];
	_ =	sdelay $0x4  }
0x2a2: {  	v1 =	vadd.s32 s22, v1;
	_ =	sdelay $0x3  }
0x2a3: {  	s28 =	simm.s32 $0x990  }
0x2a4: {  	[tilespmem:s28], [sflag:$0x3] =	stream.indirect_vreg.gather [hbm4b:s5+s4], $0x1, v1, vm0, $0xb8;
	[tilespmem:$0x1000] =	vst v63  }
0x2a5: {  	v1 =	vld [tilespmem:$0x1A0];
	_ =	sdelay $0x4  }
0x2a6: {  	v1 =	vadd.s32 s22, v1;
	_ =	sdelay $0x3  }
0x2a7: {  	s28 =	simm.s32 $0x9A0  }
0x2a8: {  	[tilespmem:s28], [sflag:$0x3] =	stream.indirect_vreg.gather [hbm4b:s5+s4], $0x1, v1, vm0, $0xb8;
	[tilespmem:$0x1000] =	vst v63  }
0x2a9: {  	v1 =	vld [tilespmem:$0x1B0];
	_ =	sdelay $0x4  }
0x2aa: {  	v1 =	vadd.s32 s22, v1;
	_ =	sdelay $0x3  }
0x2ab: {  	s28 =	simm.s32 $0x9B0  }
0x2ac: {  	[tilespmem:s28], [sflag:$0x3] =	stream.indirect_vreg.gather [hbm4b:s5+s4], $0x1, v1, vm0, $0xb8;
	[tilespmem:$0x1000] =	vst v63  }
0x2ad: {  	v1 =	vld [tilespmem:$0x1C0];
	_ =	sdelay $0x4  }
0x2ae: {  	v1 =	vadd.s32 s22, v1;
	_ =	sdelay $0x3  }
0x2af: {  	s28 =	simm.s32 $0x9C0  }
0x2b0: {  	[tilespmem:s28], [sflag:$0x3] =	stream.indirect_vreg.gather [hbm4b:s5+s4], $0x1, v1, vm0, $0xb8;
	[tilespmem:$0x1000] =	vst v63  }
0x2b1: {  	v1 =	vld [tilespmem:$0x1D0];
	_ =	sdelay $0x4  }
0x2b2: {  	v1 =	vadd.s32 s22, v1;
	_ =	sdelay $0x3  }
0x2b3: {  	s28 =	simm.s32 $0x9D0  }
0x2b4: {  	[tilespmem:s28], [sflag:$0x3] =	stream.indirect_vreg.gather [hbm4b:s5+s4], $0x1, v1, vm0, $0xb8;
	[tilespmem:$0x1000] =	vst v63  }
0x2b5: {  	v1 =	vld [tilespmem:$0x1E0];
	_ =	sdelay $0x4  }
0x2b6: {  	v1 =	vadd.s32 s22, v1;
	_ =	sdelay $0x3  }
0x2b7: {  	s28 =	simm.s32 $0x9E0  }
0x2b8: {  	[tilespmem:s28], [sflag:$0x3] =	stream.indirect_vreg.gather [hbm4b:s5+s4], $0x1, v1, vm0, $0xb8;
	[tilespmem:$0x1000] =	vst v63  }
0x2b9: {  	v1 =	vld [tilespmem:$0x1F0];
	_ =	sdelay $0x4  }
0x2ba: {  	v1 =	vadd.s32 s22, v1;
	_ =	sdelay $0x3  }
0x2bb: {  	s28 =	simm.s32 $0x9F0  }
0x2bc: {  	[tilespmem:s28], [sflag:$0x3] =	stream.indirect_vreg.gather [hbm4b:s5+s4], $0x1, v1, vm0, $0xb8;
	[tilespmem:$0x1000] =	vst v63  }
0x2bd: {  	v1 =	vld [tilespmem:$0x200];
	_ =	sdelay $0x4  }
0x2be: {  	v1 =	vadd.s32 s22, v1;
	_ =	sdelay $0x3  }
0x2bf: {  	s28 =	simm.s32 $0xA00  }
0x2c0: {  	[tilespmem:s28], [sflag:$0x3] =	stream.indirect_vreg.gather [hbm4b:s5+s4], $0x1, v1, vm0, $0xb8;
	[tilespmem:$0x1000] =	vst v63  }
0x2c1: {  	v1 =	vld [tilespmem:$0x210];
	_ =	sdelay $0x4  }
0x2c2: {  	v1 =	vadd.s32 s22, v1;
	_ =	sdelay $0x3  }
0x2c3: {  	s28 =	simm.s32 $0xA10  }
0x2c4: {  	[tilespmem:s28], [sflag:$0x3] =	stream.indirect_vreg.gather [hbm4b:s5+s4], $0x1, v1, vm0, $0xb8;
	[tilespmem:$0x1000] =	vst v63  }
0x2c5: {  	v1 =	vld [tilespmem:$0x220];
	_ =	sdelay $0x4  }
0x2c6: {  	v1 =	vadd.s32 s22, v1;
	_ =	sdelay $0x3  }
0x2c7: {  	s28 =	simm.s32 $0xA20  }
0x2c8: {  	[tilespmem:s28], [sflag:$0x3] =	stream.indirect_vreg.gather [hbm4b:s5+s4], $0x1, v1, vm0, $0xb8;
	[tilespmem:$0x1000] =	vst v63  }
0x2c9: {  	v1 =	vld [tilespmem:$0x230];
	_ =	sdelay $0x4  }
0x2ca: {  	v1 =	vadd.s32 s22, v1;
	_ =	sdelay $0x3  }
0x2cb: {  	s28 =	simm.s32 $0xA30  }
0x2cc: {  	[tilespmem:s28], [sflag:$0x3] =	stream.indirect_vreg.gather [hbm4b:s5+s4], $0x1, v1, vm0, $0xb8;
	[tilespmem:$0x1000] =	vst v63  }
0x2cd: {  	v1 =	vld [tilespmem:$0x240];
	_ =	sdelay $0x4  }
0x2ce: {  	v1 =	vadd.s32 s22, v1;
	_ =	sdelay $0x3  }
0x2cf: {  	s28 =	simm.s32 $0xA40  }
0x2d0: {  	[tilespmem:s28], [sflag:$0x3] =	stream.indirect_vreg.gather [hbm4b:s5+s4], $0x1, v1, vm0, $0xb8;
	[tilespmem:$0x1000] =	vst v63  }
0x2d1: {  	v1 =	vld [tilespmem:$0x250];
	_ =	sdelay $0x4  }
0x2d2: {  	v1 =	vadd.s32 s22, v1;
	_ =	sdelay $0x3  }
0x2d3: {  	s28 =	simm.s32 $0xA50  }
0x2d4: {  	[tilespmem:s28], [sflag:$0x3] =	stream.indirect_vreg.gather [hbm4b:s5+s4], $0x1, v1, vm0, $0xb8;
	[tilespmem:$0x1000] =	vst v63  }
0x2d5: {  	v1 =	vld [tilespmem:$0x260];
	_ =	sdelay $0x4  }
0x2d6: {  	v1 =	vadd.s32 s22, v1;
	_ =	sdelay $0x3  }
0x2d7: {  	s28 =	simm.s32 $0xA60  }
0x2d8: {  	[tilespmem:s28], [sflag:$0x3] =	stream.indirect_vreg.gather [hbm4b:s5+s4], $0x1, v1, vm0, $0xb8;
	[tilespmem:$0x1000] =	vst v63  }
0x2d9: {  	v1 =	vld [tilespmem:$0x270];
	_ =	sdelay $0x4  }
0x2da: {  	v1 =	vadd.s32 s22, v1;
	_ =	sdelay $0x3  }
0x2db: {  	s28 =	simm.s32 $0xA70  }
0x2dc: {  	[tilespmem:s28], [sflag:$0x3] =	stream.indirect_vreg.gather [hbm4b:s5+s4], $0x1, v1, vm0, $0xb8;
	[tilespmem:$0x1000] =	vst v63  }
0x2dd: {  	v1 =	vld [tilespmem:$0x280];
	_ =	sdelay $0x4  }
0x2de: {  	v1 =	vadd.s32 s22, v1;
	_ =	sdelay $0x3  }
0x2df: {  	s28 =	simm.s32 $0xA80  }
0x2e0: {  	[tilespmem:s28], [sflag:$0x3] =	stream.indirect_vreg.gather [hbm4b:s5+s4], $0x1, v1, vm0, $0xb8;
	[tilespmem:$0x1000] =	vst v63  }
0x2e1: {  	v1 =	vld [tilespmem:$0x290];
	_ =	sdelay $0x4  }
0x2e2: {  	v1 =	vadd.s32 s22, v1;
	_ =	sdelay $0x3  }
0x2e3: {  	s28 =	simm.s32 $0xA90  }
0x2e4: {  	[tilespmem:s28], [sflag:$0x3] =	stream.indirect_vreg.gather [hbm4b:s5+s4], $0x1, v1, vm0, $0xb8;
	[tilespmem:$0x1000] =	vst v63  }
0x2e5: {  	v1 =	vld [tilespmem:$0x2A0];
	_ =	sdelay $0x4  }
0x2e6: {  	v1 =	vadd.s32 s22, v1;
	_ =	sdelay $0x3  }
0x2e7: {  	s28 =	simm.s32 $0xAA0  }
0x2e8: {  	[tilespmem:s28], [sflag:$0x3] =	stream.indirect_vreg.gather [hbm4b:s5+s4], $0x1, v1, vm0, $0xb8;
	[tilespmem:$0x1000] =	vst v63  }
0x2e9: {  	v1 =	vld [tilespmem:$0x2B0];
	_ =	sdelay $0x4  }
0x2ea: {  	v1 =	vadd.s32 s22, v1;
	_ =	sdelay $0x3  }
0x2eb: {  	s28 =	simm.s32 $0xAB0  }
0x2ec: {  	[tilespmem:s28], [sflag:$0x3] =	stream.indirect_vreg.gather [hbm4b:s5+s4], $0x1, v1, vm0, $0xb8;
	[tilespmem:$0x1000] =	vst v63  }
0x2ed: {  	v1 =	vld [tilespmem:$0x2C0];
	_ =	sdelay $0x4  }
0x2ee: {  	v1 =	vadd.s32 s22, v1;
	_ =	sdelay $0x3  }
0x2ef: {  	s28 =	simm.s32 $0xAC0  }
0x2f0: {  	[tilespmem:s28], [sflag:$0x3] =	stream.indirect_vreg.gather [hbm4b:s5+s4], $0x1, v1, vm0, $0xb8;
	[tilespmem:$0x1000] =	vst v63  }
0x2f1: {  	v1 =	vld [tilespmem:$0x2D0];
	_ =	sdelay $0x4  }
0x2f2: {  	v1 =	vadd.s32 s22, v1;
	_ =	sdelay $0x3  }
0x2f3: {  	s28 =	simm.s32 $0xAD0  }
0x2f4: {  	[tilespmem:s28], [sflag:$0x3] =	stream.indirect_vreg.gather [hbm4b:s5+s4], $0x1, v1, vm0, $0xb8;
	[tilespmem:$0x1000] =	vst v63  }
0x2f5: {  	v1 =	vld [tilespmem:$0x2E0];
	_ =	sdelay $0x4  }
0x2f6: {  	v1 =	vadd.s32 s22, v1;
	_ =	sdelay $0x3  }
0x2f7: {  	s28 =	simm.s32 $0xAE0  }
0x2f8: {  	[tilespmem:s28], [sflag:$0x3] =	stream.indirect_vreg.gather [hbm4b:s5+s4], $0x1, v1, vm0, $0xb8;
	[tilespmem:$0x1000] =	vst v63  }
0x2f9: {  	v1 =	vld [tilespmem:$0x2F0];
	_ =	sdelay $0x4  }
0x2fa: {  	v1 =	vadd.s32 s22, v1;
	_ =	sdelay $0x3  }
0x2fb: {  	s28 =	simm.s32 $0xAF0  }
0x2fc: {  	[tilespmem:s28], [sflag:$0x3] =	stream.indirect_vreg.gather [hbm4b:s5+s4], $0x1, v1, vm0, $0xb8;
	[tilespmem:$0x1000] =	vst v63  }
0x2fd: {  	v1 =	vld [tilespmem:$0x300];
	_ =	sdelay $0x4  }
0x2fe: {  	v1 =	vadd.s32 s22, v1;
	_ =	sdelay $0x3  }
0x2ff: {  	s28 =	simm.s32 $0xB00  }
0x300: {  	[tilespmem:s28], [sflag:$0x3] =	stream.indirect_vreg.gather [hbm4b:s5+s4], $0x1, v1, vm0, $0xb8;
	[tilespmem:$0x1000] =	vst v63  }
0x301: {  	v1 =	vld [tilespmem:$0x310];
	_ =	sdelay $0x4  }
0x302: {  	v1 =	vadd.s32 s22, v1;
	_ =	sdelay $0x3  }
0x303: {  	s28 =	simm.s32 $0xB10  }
0x304: {  	[tilespmem:s28], [sflag:$0x3] =	stream.indirect_vreg.gather [hbm4b:s5+s4], $0x1, v1, vm0, $0xb8;
	[tilespmem:$0x1000] =	vst v63  }
0x305: {  	v1 =	vld [tilespmem:$0x320];
	_ =	sdelay $0x4  }
0x306: {  	v1 =	vadd.s32 s22, v1;
	_ =	sdelay $0x3  }
0x307: {  	s28 =	simm.s32 $0xB20  }
0x308: {  	[tilespmem:s28], [sflag:$0x3] =	stream.indirect_vreg.gather [hbm4b:s5+s4], $0x1, v1, vm0, $0xb8;
	[tilespmem:$0x1000] =	vst v63  }
0x309: {  	v1 =	vld [tilespmem:$0x330];
	_ =	sdelay $0x4  }
0x30a: {  	v1 =	vadd.s32 s22, v1;
	_ =	sdelay $0x3  }
0x30b: {  	s28 =	simm.s32 $0xB30  }
0x30c: {  	[tilespmem:s28], [sflag:$0x3] =	stream.indirect_vreg.gather [hbm4b:s5+s4], $0x1, v1, vm0, $0xb8;
	[tilespmem:$0x1000] =	vst v63  }
0x30d: {  	v1 =	vld [tilespmem:$0x340];
	_ =	sdelay $0x4  }
0x30e: {  	v1 =	vadd.s32 s22, v1;
	_ =	sdelay $0x3  }
0x30f: {  	s28 =	simm.s32 $0xB40  }
0x310: {  	[tilespmem:s28], [sflag:$0x3] =	stream.indirect_vreg.gather [hbm4b:s5+s4], $0x1, v1, vm0, $0xb8;
	[tilespmem:$0x1000] =	vst v63  }
0x311: {  	v1 =	vld [tilespmem:$0x350];
	_ =	sdelay $0x4  }
0x312: {  	v1 =	vadd.s32 s22, v1;
	_ =	sdelay $0x3  }
0x313: {  	s28 =	simm.s32 $0xB50  }
0x314: {  	[tilespmem:s28], [sflag:$0x3] =	stream.indirect_vreg.gather [hbm4b:s5+s4], $0x1, v1, vm0, $0xb8;
	[tilespmem:$0x1000] =	vst v63  }
0x315: {  	v1 =	vld [tilespmem:$0x360];
	_ =	sdelay $0x4  }
0x316: {  	v1 =	vadd.s32 s22, v1;
	_ =	sdelay $0x3  }
0x317: {  	s28 =	simm.s32 $0xB60  }
0x318: {  	[tilespmem:s28], [sflag:$0x3] =	stream.indirect_vreg.gather [hbm4b:s5+s4], $0x1, v1, vm0, $0xb8;
	[tilespmem:$0x1000] =	vst v63  }
0x319: {  	v1 =	vld [tilespmem:$0x370];
	_ =	sdelay $0x4  }
0x31a: {  	v1 =	vadd.s32 s22, v1;
	_ =	sdelay $0x3  }
0x31b: {  	s28 =	simm.s32 $0xB70  }
0x31c: {  	[tilespmem:s28], [sflag:$0x3] =	stream.indirect_vreg.gather [hbm4b:s5+s4], $0x1, v1, vm0, $0xb8;
	[tilespmem:$0x1000] =	vst v63  }
0x31d: {  	v1 =	vld [tilespmem:$0x380];
	_ =	sdelay $0x4  }
0x31e: {  	v1 =	vadd.s32 s22, v1;
	_ =	sdelay $0x3  }
0x31f: {  	s28 =	simm.s32 $0xB80  }
0x320: {  	[tilespmem:s28], [sflag:$0x3] =	stream.indirect_vreg.gather [hbm4b:s5+s4], $0x1, v1, vm0, $0xb8;
	[tilespmem:$0x1000] =	vst v63  }
0x321: {  	v1 =	vld [tilespmem:$0x390];
	_ =	sdelay $0x4  }
0x322: {  	v1 =	vadd.s32 s22, v1;
	_ =	sdelay $0x3  }
0x323: {  	s28 =	simm.s32 $0xB90  }
0x324: {  	[tilespmem:s28], [sflag:$0x3] =	stream.indirect_vreg.gather [hbm4b:s5+s4], $0x1, v1, vm0, $0xb8;
	[tilespmem:$0x1000] =	vst v63  }
0x325: {  	v1 =	vld [tilespmem:$0x3A0];
	_ =	sdelay $0x4  }
0x326: {  	v1 =	vadd.s32 s22, v1;
	_ =	sdelay $0x3  }
0x327: {  	s28 =	simm.s32 $0xBA0  }
0x328: {  	[tilespmem:s28], [sflag:$0x3] =	stream.indirect_vreg.gather [hbm4b:s5+s4], $0x1, v1, vm0, $0xb8;
	[tilespmem:$0x1000] =	vst v63  }
0x329: {  	v1 =	vld [tilespmem:$0x3B0];
	_ =	sdelay $0x4  }
0x32a: {  	v1 =	vadd.s32 s22, v1;
	_ =	sdelay $0x3  }
0x32b: {  	s28 =	simm.s32 $0xBB0  }
0x32c: {  	[tilespmem:s28], [sflag:$0x3] =	stream.indirect_vreg.gather [hbm4b:s5+s4], $0x1, v1, vm0, $0xb8;
	[tilespmem:$0x1000] =	vst v63  }
0x32d: {  	v1 =	vld [tilespmem:$0x3C0];
	_ =	sdelay $0x4  }
0x32e: {  	v1 =	vadd.s32 s22, v1;
	_ =	sdelay $0x3  }
0x32f: {  	s28 =	simm.s32 $0xBC0  }
0x330: {  	[tilespmem:s28], [sflag:$0x3] =	stream.indirect_vreg.gather [hbm4b:s5+s4], $0x1, v1, vm0, $0xb8;
	[tilespmem:$0x1000] =	vst v63  }
0x331: {  	v1 =	vld [tilespmem:$0x3D0];
	_ =	sdelay $0x4  }
0x332: {  	v1 =	vadd.s32 s22, v1;
	_ =	sdelay $0x3  }
0x333: {  	s28 =	simm.s32 $0xBD0  }
0x334: {  	[tilespmem:s28], [sflag:$0x3] =	stream.indirect_vreg.gather [hbm4b:s5+s4], $0x1, v1, vm0, $0xb8;
	[tilespmem:$0x1000] =	vst v63  }
0x335: {  	v1 =	vld [tilespmem:$0x3E0];
	_ =	sdelay $0x4  }
0x336: {  	v1 =	vadd.s32 s22, v1;
	_ =	sdelay $0x3  }
0x337: {  	s28 =	simm.s32 $0xBE0  }
0x338: {  	[tilespmem:s28], [sflag:$0x3] =	stream.indirect_vreg.gather [hbm4b:s5+s4], $0x1, v1, vm0, $0xb8;
	[tilespmem:$0x1000] =	vst v63  }
0x339: {  	v1 =	vld [tilespmem:$0x3F0];
	_ =	sdelay $0x4  }
0x33a: {  	v1 =	vadd.s32 s22, v1;
	_ =	sdelay $0x3  }
0x33b: {  	s28 =	simm.s32 $0xBF0  }
0x33c: {  	[tilespmem:s28], [sflag:$0x3] =	stream.indirect_vreg.gather [hbm4b:s5+s4], $0x1, v1, vm0, $0xb8;
	[tilespmem:$0x1000] =	vst v63  }
.Ltmp5:
0x33d: {  	s26 =	sadd.s32 $0x30, s25;
	(pc) =	sbr.rel .LBB2_4-.Ltmp5, $4  }
0x33e: {  	s26 =	sand.u32 $0x70, s26;
	s28 =	sadd.s32 $0x180, s21  }
0x33f: {  	s26 =	sadd.s32 s2, s26;
	s28 =	sand.u32 $0xFFFFC00, s28  }
0x340: {  	s26 =	sadd.s32 s28, s26  }
0x341: {  	[tilespmem:s13], [sflag:$0x2] =	stream.strided.gather [hbm4b:s26+s12], $0x400, s13, s12, $0x38;
	[tilespmem:$0x1000] =	vst v63  }
.LBB2_6:
0x342: {  	_ =	sfence.sel $0x180000  }
0x343: {  	[bflag:$0x0] =	sbarrier.arrive $0xFFFF  }
0x344: {  	_ =	strace $0x9000004A  }
0x345: {  	s0 =	stileid.u32;
	[bflag:$0x2] =	sbarrier.arrive $0xFFFF  }
0x346: {  	p0 =	sne.s32 s0, $0x0;
	s0 =	rddreg [dreg:$0x3]  }
0x347: {  	s0 =	sadd.s32 @!p0 $0x100000, s0  }
0x348: {  	[sflag:s0] =	ssyncadd.tile.s32 @!p0 $0x1;
	_ =	shalt  }
.Lfunc_end2:
_tile_overlayer_lowered:
.L_overlay_start_2:
0x349: {  	(tag) =	ssettag $0x2  }
0x34a: {  	s0 =	rddreg [dreg:$0x0];
	s2 =	stileid.u32  }
0x34b: {  	s1 =	rddreg [dreg:$0x1];
	p0 =	sne.s32 s2, $0x0  }
0x34c: {  	s3 =	rddreg [dreg:$0x2];
	[bflag:$0x3] =	sbarrier.arrive $0xFFFF;
	s2 =	simm.s32 @!p0 $0x1C07  }
0x34d: {  	[timem:s3], [sflag:s2] =	dma.local @!p0 [hbm:s0], s1  }
0x34e: {  	s0 =	simm.s32 @!p0 $0x7  }
0x34f: {  	_ =	swait.ge @!p0 [sflag:s0], s1  }
0x350: {  	s1 =	ssub.s32 @!p0 $0x0, s1;
	[sflag:s0] =	ssyncset.done @!p0 $0x0  }
0x351: {  	[sflag:s0] =	ssyncadd.s32 @!p0 s1  }
0x352: {  	[bflag:$0x3] =	sbarrier.arrive $0xFFFF  }
0x353: {  	_ =	shalt  }

// kernel: sparse-core-data-format-call.cloned.1.call-start
scs
called_computation_lowered:
.L_overlay_start_0:
0x0: {  	s2 =	sld [smem:$0x3FD9]  }
0x1: {  	s3 =	sld [smem:$0x3FFE];
	_ =	sdelay $0x1  }
0x2: {  	s1 =	srdreg.scid  }
0x3: {  	s0 =	sand.u32 $0x1, s1  }
0x4: {  	s18 =	sshll.u32 s0, $0xA;
	s2 =	sadd.s32 s3, s2  }
0x5: {  	s2 =	sadd.s32 s2, s18  }
0x6: {  	[smem:$0x3FC6] =	sst s2  }
0x7: {  	_ = 	snop  }
0x8: {  	s2 =	sld [smem:$0x3FC9];
	(tm) =	ssettm $0x1  }
0x9: {  	s19 =	sld [smem:$0x3FFB];
	_ =	sdelay $0x3  }
0xa: {  	_ =	strace s19  }
0xb: {  	s3 =	sld [smem:$0x3FFC];
	_ =	sdelay $0x3  }
0xc: {  	_ =	strace s3  }
0xd: {  	s3 =	sld [smem:$0x3FFD];
	_ =	sdelay $0x3  }
0xe: {  	_ =	strace s3  }
0xf: {  	_ =	strace $0x8FFFFFFF  }
0x10: {  	s20 =	sld [smem:$0x3FDB];
	_ =	sdelay $0x1  }
0x11: {  	s4 =	simm.s32 $_scs_section_size  }
0x12: {  	s5 =	simm.s32 $_size__tile_overlayer_lowered;
	s6 =	simm.s32 $_tile_overlayer_lowered  }
0x13: {  	s23 =	simm.s32 $0x1BFF;
	s22 =	sshll.u32 s6, $0x1;
	s3 =	sadd.s32 s4, s20  }
0x14: {  	s7 =	simm.s32 $0x0;
	s21 =	sshll.u32 s5, $0x1;
	s5 =	sadd.s32 s22, s3  }
0x15: {  	[timem:s7], [sflag:s23] =	dma.local [hbm:s5], s21  }
0x16: {  	_ =	swait.ge [sflag:s23], s21  }
0x17: {  	s4 =	ssub.s32 $0x0, s21;
	[sflag:s23] =	ssyncset.done $0x0  }
0x18: {  	[sflag:s23] =	ssyncadd.s32 s4;
	_ =	sdelay $0x1  }
0x19: {  	s24 =	simm.s32 $0x1B8B  }
0x1a: {  	_ =	swait.ge [sflag:s24], $0x1  }
0x1b: {  	[sflag:s24] =	ssyncset.done $0x0  }
0x1c: {  	s26 =	simm.s32 $0x1B8E;
	s25 =	sld [smem:$0x3FFE];
	[sflag:s24] =	ssyncadd.s32 $0xFFFFFFFF  }
0x1d: {  	s27 =	simm.s32 $execute0_lowered;
	[smem:$0x3FD2] =	sst s26  }
0x1e: {  	s5 =	sshll.u32 s27, $0x1;
	_ =	strace $0x80000046;
	[dreg:$0x1] =	wrdreg $0xFFFFFFFF  }
0x1f: {  	s28 =	simm.s32 $_size_execute0_lowered;
	s3 =	sadd.s32 s3, s5;
	[dreg:$0x0] =	wrdreg $0x0  }
0x20: {  	s5 =	sshll.u32 s28, $0x1;
	[dreg:$0x2] =	wrdreg s3  }
0x21: {  	[dreg:$0x3] =	wrdreg s5  }
0x22: {  	[dreg:$0x4] =	wrdreg $0xC0  }
0x23: {  	_ =	task [dreg:s7], $0x5FFFF  }
0x24: {  	[dreg:$0x1] =	wrdreg $0xFFFFFFFF  }
0x25: {  	[dreg:$0x0] =	wrdreg $0x60  }
0x26: {  	[dreg:$0x2] =	wrdreg s2  }
0x27: {  	[dreg:$0x3] =	wrdreg s25  }
0x28: {  	[dreg:$0x4] =	wrdreg $0x9  }
0x29: {  	_ =	task.clear_ibuf [dreg:s7], $0x5FFFF;
	_ =	strace $0x90000046  }
0x2a: {  	s29 =	simm.s32 $0x9;
	_ =	strace $0x80000048  }
0x2b: {  	_ =	swait.ge [sflag:s29], $0x1  }
0x2c: {  	[sflag:s29] =	ssyncadd.s32 $0xFFFFFFFF  }
0x2d: {  	_ =	strace $0x90000048  }
0x2e: {  	_ =	sfence  }
0x2f: {  	s30 =	sld [smem:$0x0];
	_ =	sdelay $0x2  }
0x30: {  	s31 =	sshll.u32 s1, $0xD;
	s1 =	sshrl.u32 s1, $0x2  }
0x31: {  	s3 =	sand.u32 $0x4000, s31;
	s1 =	sadd.s32 s1, s30  }
0x32: {  	s0 =	sor.u32 s3, s0;
	s1 =	sshll.u32 s1, $0x11  }
0x33: {  	s0 =	sor.u32 s1, s0  }
0x34: {  	s0 =	sadd.s32 $0x8F2B, s0  }
0x35: {  	[sflag:s0] =	ssyncadd.remote.s32 $0x1  }
0x36: {  	_ =	sfence.sel $0xFFFF  }
0x37: {  	[dreg:$0x0] =	wrdreg $0xFFFFFFFF;
	(pc) =	sbr.abs _section_cstart, $3  }
0x38: {  	[dreg:$0x1] =	wrdreg $0xFFFFFFFF  }
0x39: {  	_ =	task.clear_ibuf [dreg:s7], $0x2FFFF;
	_ =	strace $0x9FFFFFFF  }
0x3a: {  	(tm) =	ssettm $0x7FFFFFFF  }
0x3b: {  	_ =	shalt  }
tec
execute0_lowered:
.L_overlay_start_1:
0x0: {  	(tag) =	ssettag $0x1  }
0x1: {  	s2 =	rddreg [dreg:$0x0]  }
0x2: {  	s1 =	rddreg [dreg:$0x1]  }
0x3: {  	s0 =	rddreg [dreg:$0x2];
	_ =	strace $0x80000047;
	s4 =	srdreg.scid  }
0x4: {  	s6 =	simm.s32 $0x2;
	s11 =	simm.s32 $0x0;
	p0 =	por $0x0, $0x0  }
.Ltmp0:
0x5: {  	s7 =	simm.s32 $0x8000;
	s12 =	simm.s32 $0x0;
	(pc) =	sbr.rel .LBB1_1-.Ltmp0, $4  }
0x6: {  	s9 =	simm.s32 $0x0;
	s3 =	sadd.s32 $0x800, s1;
	s5 =	sshll.u32 s4, $0x4  }
0x7: {  	s1 =	stileid.u32;
	s4 =	simm.s32 $0x1;
	s5 =	sand.u32 $0x10, s5  }
0x8: {  	s8 =	simm.s32 $0x0;
	[sflag:s4] =	ssyncpa.u1 $0x0;
	s5 =	sor.u32 s1, s5  }
0x9: {  	[sflag:s6] =	ssyncpa.u1 $0x0;
	s6 =	simm.s32 $0x800;
	s10 =	smov.u32 s5  }
.LBB1_7:
0xa: {  	s13 =	sadd.s32 $0x10, s9  }
0xb: {  	s11 =	sadd.s32 $0x20, s10;
	s15 =	smov.u32 s10;
	p2 =	sgt.s32 s13, $0xFF  }
0xc: {  	p1 =	slt.u32 s8, $0x2;
	s15 =	smov.u32 @p2 s11  }
0xd: {  	s8 =	sadd.s32 $0x1, s8;
	s13 =	simm.s32 @p2 $0x0;
	p2 =	sgt.s32 s15, $0xFF  }
0xe: {  	s15 =	smov.u32 @p2 s5;
	p2 =	sne.s32 s8, $0x82  }
.Ltmp1:
0xf: {  	_ = 	snop;
	(pc) =	sbr.rel @!p2 .LBB1_8-.Ltmp1, $4  }
0x10: {  	s14 =	simm.s32 @!p1 $0x2  }
0x11: {  	s12 =	smov.u32 s10;
	_ =	swait.ge @!p1 [sflag:s14], $0x4000  }
0x12: {  	p0 =	por !p0, !p0;
	s11 =	smov.u32 s9;
	[sflag:s14] =	ssyncset.done @!p1 $0x0  }
0x13: {  	s9 =	smov.u32 s13;
	[sflag:s14] =	ssyncadd.s32 @!p1 $0xFFFFC000;
	s10 =	smov.u32 s15  }
.LBB1_1:
0x14: {  	p1 =	sgt.u32 s8, $0x7F  }
0x15: {  	s13 =	sxor.u32 @!p1 $0xFFFFFFFF, s8;
	s14 =	sshll.u32 @!p1 s10, $0xF  }
0x16: {  	s15 =	sshll.u32 @!p1 s9, $0x7;
	s13 =	sshll.u32 @!p1 s13, $0xE;
	s14 =	sadd.s32 @!p1 s2, s14  }
0x17: {  	s13 =	sand.u32 @!p1 $0x4000, s13;
	s14 =	sadd.s32 @!p1 s15, s14;
	s15 =	simm.s32 @!p1 $0x0  }
0x18: {  	[tilespmem:s13], [sflag:$0x1] =	stream.linear.gather @!p1 [hbm4b:s14+s15], $0x4000, $0x38;
	[tilespmem:$0x10000] =	vst v63  }
0x19: {  	p1 =	seq.s32 s8, $0x0  }
0x1a: {  	p2 =	seq.s32 @!p1 s8, $0x81  }
0x1b: {  	p1 =	por p1, p2  }
.Ltmp2:
0x1c: {  	_ = 	snop;
	(pc) =	sbr.rel @p1 .LBB1_7-.Ltmp2, $1  }
0x1d: {  	_ =	sdelay $0x3  }
0x1e: {  	s13 =	simm.s32 $0x1;
	_ =	swait.ge [sflag:s4], $0x4000;
	s16 =	sshll.u32 s8, $0xE  }
0x1f: {  	s13 =	simm.s32 @!p0 $0x0;
	[sflag:s4] =	ssyncset.done $0x0;
	s31 =	sand.u32 $0x4000, s16  }
0x20: {  	s16 =	simm.s32 $0x0;
	s14 =	sshll.u32 s13, $0xE;
	[sflag:s4] =	ssyncadd.s32 $0xFFFFC000  }
0x21: {  	s13 =	sor.u32 $0x8040, s14;
	s15 =	sor.u32 $0x40, s14;
	s14 =	sor.u32 $0x8000, s31  }
.LBB1_3:
0x22: {  	v0 =	vmov s15;
	_ =	sdelay $0x3  }
0x23: {  	s18 =	simm.s32 $0x0  }
0x24: {  	v6 =	vld.idx.msk [tilespmem:v0+s18+$0x30 ss:$0x1], $0xffff  }
0x25: {  	v7 =	vld.idx.msk [tilespmem:v0+s18+$0xFFFFFFC0 ss:$0x1], $0xffff  }
0x26: {  	v5 =	vld.idx.msk [tilespmem:v0+s18+$0xFFFFFFD0 ss:$0x1], $0xffff  }
0x27: {  	v4 =	vld.idx.msk [tilespmem:v0+s18+$0xFFFFFFE0 ss:$0x1], $0xffff  }
0x28: {  	v3 =	vld.idx.msk [tilespmem:v0+s18+$0xFFFFFFF0 ss:$0x1], $0xffff  }
0x29: {  	v1 =	vld.idx.msk [tilespmem:v0+s18+$0x0 ss:$0x1], $0xffff  }
0x2a: {  	v2 =	vld.idx.msk [tilespmem:v0+s18+$0x10 ss:$0x1], $0xffff;
	[tilespmem:s13+$0x30] =	vst v6  }
0x2b: {  	s17 =	simm.s32 $0x80;
	s19 =	simm.s32 $0x400;
	[tilespmem:s13+$0xFFFFFFC0] =	vst v7;
	v6 =	vld.idx.msk [tilespmem:v0+s18+$0x20 ss:$0x1], $0xffff;
	s18 =	smov.u32 s13  }
.LBB1_4:
0x2c: {  	p1 =	sne.s32 s19, $0xE00;
	v7 =	vld.idx.msk [tilespmem:v0+s17+$0x30 ss:$0x1], $0xffff;
	[tilespmem:s18+$0xFFFFFFD0] =	vst v5  }
0x2d: {  	v8 =	vld.idx.msk [tilespmem:v0+s17+$0xFFFFFFC0 ss:$0x1], $0xffff;
	[tilespmem:s18+$0xFFFFFFE0] =	vst v4  }
0x2e: {  	v5 =	vld.idx.msk [tilespmem:v0+s17+$0xFFFFFFD0 ss:$0x1], $0xffff;
	[tilespmem:s18+$0xFFFFFFF0] =	vst v3  }
.Ltmp3:
0x2f: {  	v4 =	vld.idx.msk [tilespmem:v0+s17+$0xFFFFFFE0 ss:$0x1], $0xffff;
	[tilespmem:s18+$0x0] =	vst v1;
	(pc) =	sbr.rel @p1 .LBB1_4-.Ltmp3, $4  }
0x30: {  	v3 =	vld.idx.msk [tilespmem:v0+s17+$0xFFFFFFF0 ss:$0x1], $0xffff;
	[tilespmem:s18+$0x10] =	vst v2  }
0x31: {  	v1 =	vld.idx.msk [tilespmem:v0+s17+$0x0 ss:$0x1], $0xffff;
	[tilespmem:s18+$0x20] =	vst v6;
	s18 =	sadd.s32 $0x800, s18  }
0x32: {  	v2 =	vld.idx.msk [tilespmem:v0+s17+$0x10 ss:$0x1], $0xffff;
	[tilespmem:s18+$0x30] =	vst v7  }
0x33: {  	[tilespmem:s18+$0xFFFFFFC0] =	vst v8;
	v6 =	vld.idx.msk [tilespmem:v0+s17+$0x20 ss:$0x1], $0xffff;
	s17 =	sshra.s32 s19, $0x2;
	s19 =	sadd.s32 $0x200, s19  }
0x34: {  	_ =	sdelay $0x2  }
0x35: {  	[tilespmem:s18+$0xFFFFFFD0] =	vst v5  }
0x36: {  	v56 =	vld.idx.msk [tilespmem:v0+s17+$0x30 ss:$0x1], $0xffff;
	[tilespmem:s18+$0xFFFFFFE0] =	vst v4  }
0x37: {  	v57 =	vld.idx.msk [tilespmem:v0+s17+$0xFFFFFFC0 ss:$0x1], $0xffff;
	[tilespmem:s18+$0xFFFFFFF0] =	vst v3  }
0x38: {  	v58 =	vld.idx.msk [tilespmem:v0+s17+$0xFFFFFFD0 ss:$0x1], $0xffff;
	[tilespmem:s18+$0x0] =	vst v1  }
0x39: {  	v59 =	vld.idx.msk [tilespmem:v0+s17+$0xFFFFFFE0 ss:$0x1], $0xffff;
	[tilespmem:s18+$0x10] =	vst v2  }
0x3a: {  	v60 =	vld.idx.msk [tilespmem:v0+s17+$0xFFFFFFF0 ss:$0x1], $0xffff;
	s31 =	sadd.s32 $0x800, s18;
	[tilespmem:s18+$0x20] =	vst v6  }
0x3b: {  	v61 =	vld.idx.msk [tilespmem:v0+s17+$0x0 ss:$0x1], $0xffff;
	[tilespmem:s31+$0x30] =	vst v56  }
0x3c: {  	v62 =	vld.idx.msk [tilespmem:v0+s17+$0x10 ss:$0x1], $0xffff;
	s16 =	sadd.s32 $0x1, s16;
	[tilespmem:s31+$0xFFFFFFC0] =	vst v57  }
0x3d: {  	v63 =	vld.idx.msk [tilespmem:v0+s17+$0x20 ss:$0x1], $0xffff;
	p1 =	sne.s32 s16, $0x10;
	[tilespmem:s31+$0xFFFFFFD0] =	vst v58  }
.Ltmp4:
0x3e: {  	[tilespmem:s31+$0xFFFFFFE0] =	vst v59;
	(pc) =	sbr.rel @p1 .LBB1_3-.Ltmp4, $4  }
0x3f: {  	[tilespmem:s31+$0xFFFFFFF0] =	vst v60  }
0x40: {  	[tilespmem:s31+$0x0] =	vst v61  }
0x41: {  	[tilespmem:s31+$0x10] =	vst v62  }
0x42: {  	s13 =	sadd.s32 $0x80, s13;
	s15 =	sadd.s32 $0x400, s15;
	[tilespmem:s31+$0x20] =	vst v63  }
.Ltmp5:
0x43: {  	(pc) =	sbr.rel .LBB1_7-.Ltmp5, $4  }
0x44: {  	s12 =	sshll.u32 s12, $0xF;
	s11 =	sshll.u32 s11, $0x4  }
0x45: {  	s11 =	sand.u32 $0xFF0, s11;
	s12 =	sadd.s32 s3, s12  }
0x46: {  	s11 =	sadd.s32 s11, s12  }
0x47: {  	[hbm4b:s11+s6] =	stream.strided.scatter [tilespmem:s14], [sflag:$0x2], $0x4000, s7, s6, $0x38;
	[tilespmem:$0x10000] =	vst v63  }
.LBB1_8:
0x48: {  	_ =	sfence.sel $0x180000  }
0x49: {  	s2 =	simm.s32 $0x1;
	[bflag:$0x0] =	sbarrier.arrive $0xFFFF  }
0x4a: {  	s31 =	simm.s32 $0x2;
	[sflag:s2] =	ssyncpa.u1 $0x1  }
0x4b: {  	[sflag:s31] =	ssyncpa.u1 $0x1  }
0x4c: {  	p0 =	sne.s32 s1, $0x0;
	_ =	strace $0x90000047  }
0x4d: {  	s0 =	sadd.s32 @!p0 $0x100000, s0;
	[bflag:$0x2] =	sbarrier.arrive $0xFFFF  }
0x4e: {  	[sflag:s0] =	ssyncadd.tile.s32 @!p0 $0x1;
	_ =	shalt  }
.Lfunc_end1:
_tile_overlayer_lowered:
.L_overlay_start_2:
0x4f: {  	(tag) =	ssettag $0x2  }
0x50: {  	s0 =	rddreg [dreg:$0x0];
	s2 =	stileid.u32  }
0x51: {  	s1 =	rddreg [dreg:$0x1];
	p0 =	sne.s32 s2, $0x0  }
0x52: {  	s3 =	rddreg [dreg:$0x2];
	[bflag:$0x3] =	sbarrier.arrive $0xFFFF;
	s2 =	simm.s32 @!p0 $0x1C01  }
0x53: {  	[timem:s3], [sflag:s2] =	dma.local @!p0 [hbm:s0], s1  }
0x54: {  	s0 =	simm.s32 @!p0 $0x1  }
0x55: {  	_ =	swait.ge @!p0 [sflag:s0], s1  }
0x56: {  	s1 =	ssub.s32 @!p0 $0x0, s1;
	[sflag:s0] =	ssyncset.done @!p0 $0x0  }
0x57: {  	[sflag:s0] =	ssyncadd.s32 @!p0 s1  }
0x58: {  	[bflag:$0x3] =	sbarrier.arrive $0xFFFF  }
0x59: {  	_ =	shalt  }

</sc_bundles>
